<compile_context>
chip_gen: v7x
topology: tpu7x:2x2x1
jax: 0.10.2.dev20260603
libtpu: 0.0.44.dev20260713+nightly
codegen_flags: <defaults>
</compile_context>

<pallas_src>
import functools

import jax
import jax.numpy as jnp
import numpy as np
from jax import lax
from jax.experimental import pallas as pl
from jax.experimental.pallas import tpu as pltpu
from jax.experimental.pallas import tpu_sc as plsc

N_NODES = 10000
NP = 10240
E = 320000
D = 64
NC, NS = 2, 16
NW = NC * NS
CHUNK = 200
NCH = 50
RPS = NP // NS
GB = 80
NQ = NW * GB

_f32 = jnp.float32
_SC_PARAMS = pltpu.CompilerParams(use_tc_tiling_on_sc=False)

_PERM_TAIL = np.arange(NP - N_NODES, dtype=np.int32) % N_NODES
try:
    with jax.default_device(jax.devices("cpu")[0]):
        _PERM_Q = np.concatenate([
            np.asarray(jax.random.permutation(jax.random.key(1), N_NODES),
                       dtype=np.int32),
            _PERM_TAIL,
        ]).reshape(4, NW, GB)
except Exception:
    _PERM_Q = None


def _perm_q():
    if _PERM_Q is not None:
        return jnp.asarray(_PERM_Q)
    perm = jax.random.permutation(jax.random.key(1), N_NODES).astype(jnp.int32)
    return jnp.concatenate([perm, jnp.asarray(_PERM_TAIL)]).reshape(4, NW, GB)



def _sc_scatter_body(g_hbm, ei_hbm, zeros_hbm, xw_hbm, pidx_hbm,
                     out_hbm, xwp_hbm,
                     sidx_v, didx_v, rows_v, acc_sp, sem_g, pidx_v, prow_v):
    c = lax.axis_index("c")
    s = lax.axis_index("s")
    wid = c * NS + s
    pltpu.sync_copy(zeros_hbm.at[pl.ds(s * RPS, RPS)],
                    acc_sp.at[pl.ds(s * RPS, RPS)])
    plsc.subcore_barrier()
    pltpu.sync_copy(ei_hbm.at[0, wid], sidx_v)
    pltpu.sync_copy(ei_hbm.at[1, wid], didx_v)

    def start_gather(j):
        pltpu.async_copy(g_hbm.at[sidx_v.at[j]], rows_v.at[lax.rem(j, 4)],
                         sem_g.at[lax.rem(j, 4)])

    def wait_gather(j):
        pltpu.make_async_copy(g_hbm.at[sidx_v.at[j]],
                              rows_v.at[lax.rem(j, 4)],
                              sem_g.at[lax.rem(j, 4)]).wait()

    start_gather(0)
    start_gather(1)
    start_gather(2)

    pltpu.sync_copy(pidx_hbm.at[wid], pidx_v)
    pltpu.sync_copy(xw_hbm.at[pidx_v], prow_v)
    pltpu.sync_copy(prow_v, xwp_hbm.at[pl.ds(wid * GB, GB)])

    def chunk(j, carry):
        @pl.when(j + 3 < NCH)
        def _():
            start_gather(j + 3)
        wait_gather(j)
        pltpu.sync_copy(rows_v.at[lax.rem(j, 4)],
                        acc_sp.at[didx_v.at[j]], add=True)
        return carry

    lax.fori_loop(0, NCH, chunk, 0)
    plsc.subcore_barrier()
    pltpu.sync_copy(acc_sp.at[pl.ds(s * RPS, RPS)],
                    out_hbm.at[c, pl.ds(s * RPS, RPS)])


def _sc_deg_body(ei_hbm, zeros_hbm, ones_hbm, out_hbm, didx_v, ones_v, acc_sp):
    c = lax.axis_index("c")
    s = lax.axis_index("s")
    wid = c * NS + s
    pltpu.sync_copy(zeros_hbm.at[pl.ds(s * RPS, RPS)],
                    acc_sp.at[pl.ds(s * RPS, RPS)])
    pltpu.sync_copy(ones_hbm, ones_v)
    plsc.subcore_barrier()
    pltpu.sync_copy(ei_hbm.at[1, wid], didx_v)

    def chunk(j, carry):
        pltpu.sync_copy(ones_v, acc_sp.at[didx_v.at[j]], add=True)
        return carry

    lax.fori_loop(0, NCH, chunk, 0)
    plsc.subcore_barrier()
    pltpu.sync_copy(acc_sp.at[pl.ds(s * RPS, RPS)],
                    out_hbm.at[c, pl.ds(s * RPS, RPS)])


@functools.lru_cache(maxsize=None)
def _sc_kernels():
    mesh = plsc.VectorSubcoreMesh(core_axis_name="c", subcore_axis_name="s",
                                  num_cores=NC, num_subcores=NS)
    scatter = pl.kernel(
        _sc_scatter_body,
        out_type=[jax.ShapeDtypeStruct((NC, NP, D), _f32),
                  jax.ShapeDtypeStruct((NQ, D), _f32)],
        mesh=mesh,
        compiler_params=_SC_PARAMS,
        scratch_types=[
            pltpu.VMEM((NCH, CHUNK), jnp.int32),
            pltpu.VMEM((NCH, CHUNK), jnp.int32),
            pltpu.VMEM((4, CHUNK, D), _f32),
            pltpu.VMEM_SHARED((NP, D), _f32),
            pltpu.SemaphoreType.DMA((4,)),
            pltpu.VMEM((GB,), jnp.int32),
            pltpu.VMEM((GB, D), _f32),
        ],
    )
    deg = pl.kernel(
        _sc_deg_body,
        out_type=jax.ShapeDtypeStruct((NC, NP, 8), _f32),
        mesh=mesh,
        compiler_params=_SC_PARAMS,
        scratch_types=[
            pltpu.VMEM((NCH, CHUNK), jnp.int32),
            pltpu.VMEM((CHUNK, 8), _f32),
            pltpu.VMEM_SHARED((NP, 8), _f32),
        ],
    )
    return scatter, deg



def _dinv(degp):
    return lax.rsqrt(degp[0, :, 0:1] + degp[1, :, 0:1] + 1.0)


def _tc1_body(x_ref, w1_ref, wb_ref, degp_ref, g1_ref, xw_ref):
    dinv = _dinv(degp_ref[...])[:N_NODES]
    xx = x_ref[...]
    h2 = jnp.dot(xx, w1_ref[...], preferred_element_type=_f32)
    g1_ref[:N_NODES] = h2 * dinv
    g1_ref[N_NODES:] = jnp.zeros((NP - N_NODES, D), _f32)
    xw_ref[:N_NODES] = jnp.dot(xx, wb_ref[...], preferred_element_type=_f32)
    xw_ref[N_NODES:] = jnp.zeros((NP - N_NODES, D), _f32)


_tc1 = pl.pallas_call(
    _tc1_body,
    out_shape=[jax.ShapeDtypeStruct((NP, D), _f32),
               jax.ShapeDtypeStruct((NP, D), _f32)],
)


def _tc_layer_body(sp_ref, g_ref, degp_ref, b_ref, w_ref, out_ref):
    dinv = _dinv(degp_ref[...])
    sp = sp_ref[...]
    agg = dinv * (sp[0] + sp[1] + g_ref[...]) + b_ref[...]
    h = jnp.maximum(agg, 0.0)
    out_ref[...] = jnp.dot(h, w_ref[...], preferred_element_type=_f32) * dinv


_tc_layer = pl.pallas_call(
    _tc_layer_body,
    out_shape=jax.ShapeDtypeStruct((NP, D), _f32),
)


def _tc_final_body(sp_ref, g_ref, degp_ref, b_ref, xw_ref,
                   xq0_ref, xq1_ref, xq2_ref, xq3_ref, bb_ref,
                   lg_ref, ng_ref):
    dinv = _dinv(degp_ref[...])
    sp = sp_ref[...]
    emb = dinv * (sp[0] + sp[1] + g_ref[...]) + b_ref[...]
    xwp = jnp.concatenate(
        [xq0_ref[...], xq1_ref[...], xq2_ref[...], xq3_ref[...]], axis=0)
    lg_ref[...] = jnp.sum(xw_ref[...] * emb, axis=1, keepdims=True) + bb_ref[0, 0]
    ng_ref[...] = jnp.sum(xwp * emb, axis=1, keepdims=True) + bb_ref[0, 0]


_tc_final = pl.pallas_call(
    _tc_final_body,
    out_shape=[jax.ShapeDtypeStruct((NP, 1), _f32),
               jax.ShapeDtypeStruct((NP, 1), _f32)],
)



def kernel(x, edge_index, W1, b1, W2, b2, W3, b3, W4, b4, Wb, bb):
    ei_p = edge_index.astype(jnp.int32).reshape(2, NW, NCH, CHUNK)
    zeros64 = jnp.zeros((NP, D), _f32)
    zeros8 = jnp.zeros((NP, 8), _f32)
    ones8 = jnp.ones((CHUNK, 8), _f32)
    perm_q = _perm_q()

    _sc_scatter, _sc_deg = _sc_kernels()
    degp = _sc_deg(ei_p, zeros8, ones8)
    g1, xw = _tc1(x, W1, Wb[0], degp)
    S1, xq0 = _sc_scatter(g1, ei_p, zeros64, xw, perm_q[0])
    g2 = _tc_layer(S1, g1, degp, b1.reshape(1, D), W2)
    S2, xq1 = _sc_scatter(g2, ei_p, zeros64, xw, perm_q[1])
    g3 = _tc_layer(S2, g2, degp, b2.reshape(1, D), W3)
    S3, xq2 = _sc_scatter(g3, ei_p, zeros64, xw, perm_q[2])
    g4 = _tc_layer(S3, g3, degp, b3.reshape(1, D), W4)
    S4, xq3 = _sc_scatter(g4, ei_p, zeros64, xw, perm_q[3])
    lg, ng = _tc_final(S4, g4, degp, b4.reshape(1, D), xw,
                       xq0, xq1, xq2, xq3, bb.reshape(1, 1))
    return lg[:N_NODES, 0], ng[:N_NODES, 0]

# --- scband reference (transcript-rebuilt; emitter-appended) ---
"""Pipeline reference for scband-co-labase-21887153340774 (READ-ONLY COPY).

The authoritative reference and input builder live on the scoring server;
editing this copy changes nothing except your own understanding.
"""

import jax, jax.numpy as jnp
import numpy as np

N_NODES = 10000
N_EDGES = 320000
IN_DIM = 128
HID_DIM = 64


def setup_inputs(seed: int = 0) -> dict:
    key = jax.random.key(seed)
    ks = jax.random.split(key, 16)
    x = jax.random.normal(ks[0], (N_NODES, IN_DIM), dtype=jnp.float32)
    edge_index = jax.random.randint(ks[1], (2, N_EDGES), 0, N_NODES, dtype=jnp.int64)
    # GCN backbone params: 4 layers, in->hid, hid->hid, hid->hid, hid->hid
    def glorot(k, fan_in, fan_out):
        limit = float(np.sqrt(6.0 / (fan_in + fan_out)))
        return jax.random.uniform(k, (fan_in, fan_out), minval=-limit, maxval=limit, dtype=jnp.float32)
    W1 = glorot(ks[2], IN_DIM, HID_DIM)
    b1 = jnp.zeros((HID_DIM,), dtype=jnp.float32)
    W2 = glorot(ks[3], HID_DIM, HID_DIM)
    b2 = jnp.zeros((HID_DIM,), dtype=jnp.float32)
    W3 = glorot(ks[4], HID_DIM, HID_DIM)
    b3 = jnp.zeros((HID_DIM,), dtype=jnp.float32)
    W4 = glorot(ks[5], HID_DIM, HID_DIM)
    b4 = jnp.zeros((HID_DIM,), dtype=jnp.float32)
    # Bilinear discriminator: weight [1, in_dim, hid_dim], bias [1]
    lim = float(1.0 / np.sqrt(IN_DIM))
    Wb = jax.random.uniform(ks[6], (1, IN_DIM, HID_DIM), minval=-lim, maxval=lim, dtype=jnp.float32)
    bb = jax.random.uniform(ks[7], (1,), minval=-lim, maxval=lim, dtype=jnp.float32)
    return {"x": x, "edge_index": edge_index, "W1": W1, "b1": b1, "W2": W2, "b2": b2,
            "W3": W3, "b3": b3, "W4": W4, "b4": b4, "Wb": Wb, "bb": bb}


def _gcn_norm(edge_index, num_nodes):
    # add self loops
    loop = jnp.arange(num_nodes, dtype=edge_index.dtype)
    src = jnp.concatenate([edge_index[0], loop])
    dst = jnp.concatenate([edge_index[1], loop])
    deg = jax.ops.segment_sum(jnp.ones_like(dst, dtype=jnp.float32), dst, num_segments=num_nodes)
    dinv = jnp.where(deg > 0, 1.0 / jnp.sqrt(deg), 0.0)
    norm = dinv[src] * dinv[dst]
    return src, dst, norm


def _gcn_conv(h, src, dst, norm, W, b, num_nodes):
    h = h @ W
    msg = h[src] * norm[:, None]
    agg = jax.ops.segment_sum(msg, dst, num_segments=num_nodes)
    return agg + b


def reference(x, edge_index, W1, b1, W2, b2, W3, b3, W4, b4, Wb, bb):
    N = x.shape[0]
    src, dst, norm = _gcn_norm(edge_index, N)
    h = _gcn_conv(x, src, dst, norm, W1, b1, N)
    h = jax.nn.relu(h)
    h = _gcn_conv(h, src, dst, norm, W2, b2, N)
    h = jax.nn.relu(h)
    h = _gcn_conv(h, src, dst, norm, W3, b3, N)
    h = jax.nn.relu(h)
    emb = _gcn_conv(h, src, dst, norm, W4, b4, N)
    # Bilinear discriminator: logits[n, o] = sum_ij x[n,i] Wb[o,i,j] emb[n,j] + bb[o]
    logits = jnp.einsum('ni,oij,nj->no', x, Wb, emb) + bb
    perm_idx = jax.random.permutation(jax.random.key(1), N)
    neg_logits = jnp.einsum('ni,oij,nj->no', x[perm_idx], Wb, emb) + bb
    return (logits.squeeze(-1), neg_logits.squeeze(-1))

if __name__ == "__main__":
    import jax
    _d = setup_inputs()
    print(jax.jit(kernel)(*tuple(_d.values())))

</pallas_src>

<mosaic_0001>
#map = affine_map<(d0, d1) -> (0, 0)>
#map1 = affine_map<(d0, d1) -> (0, 0, 0, 0)>
#map2 = affine_map<(d0, d1) -> (0, 0, 0)>
module attributes {stable_mosaic.version = 14 : i64} {
  func.func @_sc_scatter_body(%arg0: i32, %arg1: i32, %arg2: memref<10240x64xf32, #tpu.memory_space<hbm>>, %arg3: memref<2x32x50x200xi32, #tpu.memory_space<hbm>>, %arg4: memref<10240x64xf32, #tpu.memory_space<hbm>>, %arg5: memref<10240x64xf32, #tpu.memory_space<hbm>>, %arg6: memref<32x80xi32, #tpu.memory_space<hbm>>, %arg7: memref<2x10240x64xf32, #tpu.memory_space<hbm>>, %arg8: memref<2560x64xf32, #tpu.memory_space<hbm>>, %arg9: memref<50x200xi32, #tpu.memory_space<vmem>>, %arg10: memref<50x200xi32, #tpu.memory_space<vmem>>, %arg11: memref<4x200x64xf32, #tpu.memory_space<vmem>>, %arg12: memref<10240x64xf32, #tpu.memory_space<vmem_shared>>, %arg13: memref<4x!tpu.dma_semaphore, #tpu.memory_space<semaphore_mem>>, %arg14: memref<80xi32, #tpu.memory_space<vmem>>, %arg15: memref<80x64xf32, #tpu.memory_space<vmem>>) attributes {dimension_semantics = [#tpu.dimension_semantics<core_parallel>, #tpu.dimension_semantics<subcore_parallel>], iteration_bounds = array<i64: 2, 16>, scalar_prefetch = 0 : i64, scratch_operands = 7 : i64, tpu.core_type = #tpu.core_type<sc_vector_subcore>, window_params = [{transform_indices = #map}, {transform_indices = #map1}, {transform_indices = #map}, {transform_indices = #map}, {transform_indices = #map}, {transform_indices = #map2}, {transform_indices = #map}]} {
    %mul3A = arith.constant 16 : i32
    %mul3A_0 = arith.muli %arg0, %mul3A : i32
    %add3A = arith.addi %mul3A_0, %arg1 : i32
    %mul3A_1 = arith.constant 640 : i32
    %mul3A_2 = arith.muli %arg1, %mul3A_1 : i32
    %mul3A_3 = arith.constant 640 : i32
    %mul3A_4 = arith.muli %arg1, %mul3A_3 : i32
    "tpu.region"() ({
      %run_scoped3A_73 = tpu.sem_alloc : memref<!tpu.dma_semaphore, #tpu.memory_space<semaphore_mem>>
      %dma_start3A_74 = arith.constant 0 : i32
      %dma_start3A_75 = tpu.memref_slice %arg12[%mul3A_4, %dma_start3A_74] : memref<10240x64xf32, #tpu.memory_space<vmem_shared>> -> memref<640x64xf32, #tpu.memory_space<vmem_shared>>
      %dma_start3A_76 = arith.constant 0 : i32
      %dma_start3A_77 = tpu.memref_slice %arg4[%mul3A_2, %dma_start3A_76] : memref<10240x64xf32, #tpu.memory_space<hbm>> -> memref<640x64xf32, #tpu.memory_space<hbm>>
      tpu.enqueue_dma source(%dma_start3A_77 : memref<640x64xf32, #tpu.memory_space<hbm>>) target(%dma_start3A_75 : memref<640x64xf32, #tpu.memory_space<vmem_shared>>) target_semaphore(%run_scoped3A_73 : memref<!tpu.dma_semaphore, #tpu.memory_space<semaphore_mem>>)
      %dma_wait3A = arith.constant 0 : i32
      %dma_wait3A_78 = tpu.memref_slice %arg12[%mul3A_4, %dma_wait3A] : memref<10240x64xf32, #tpu.memory_space<vmem_shared>> -> memref<640x64xf32, #tpu.memory_space<vmem_shared>>
      %dma_wait3A_79 = arith.constant 0 : i32
      %dma_wait3A_80 = tpu.memref_slice %arg4[%mul3A_2, %dma_wait3A_79] : memref<10240x64xf32, #tpu.memory_space<hbm>> -> memref<640x64xf32, #tpu.memory_space<hbm>>
      tpu.wait_dma2 semaphore(%run_scoped3A_73 : memref<!tpu.dma_semaphore, #tpu.memory_space<semaphore_mem>>) src(%dma_wait3A_80 : memref<640x64xf32, #tpu.memory_space<hbm>>) dst(%dma_wait3A_78 : memref<640x64xf32, #tpu.memory_space<vmem_shared>>)
      tpu.yield
    }) : () -> ()
    %barrier3A = arith.constant 0 : index
    tpu.barrier barrier_id(%barrier3A)
    %run_scoped3A = arith.constant 0 : i32
    "tpu.region"() ({
      %run_scoped3A_73 = tpu.sem_alloc : memref<!tpu.dma_semaphore, #tpu.memory_space<semaphore_mem>>
      %dma_start3A_74 = arith.constant 0 : i32
      %dma_start3A_75 = arith.constant 0 : i32
      %dma_start3A_76 = tpu.memref_slice %arg3[%run_scoped3A, %add3A, %dma_start3A_74, %dma_start3A_75] : memref<2x32x50x200xi32, #tpu.memory_space<hbm>> -> memref<1x1x50x200xi32, #tpu.memory_space<hbm>>
      %dma_start3A_77 = tpu.memref_squeeze %dma_start3A_76 : memref<1x1x50x200xi32, #tpu.memory_space<hbm>> -> memref<50x200xi32, #tpu.memory_space<hbm>>
      %dma_start3A_78 = arith.constant 0 : i32
      %dma_start3A_79 = arith.constant 0 : i32
      %dma_start3A_80 = tpu.memref_slice %arg3[%run_scoped3A, %add3A, %dma_start3A_78, %dma_start3A_79] : memref<2x32x50x200xi32, #tpu.memory_space<hbm>> -> memref<1x1x50x200xi32, #tpu.memory_space<hbm>>
      %dma_start3A_81 = tpu.memref_squeeze %dma_start3A_80 : memref<1x1x50x200xi32, #tpu.memory_space<hbm>> -> memref<50x200xi32, #tpu.memory_space<hbm>>
      tpu.enqueue_dma source(%dma_start3A_81 : memref<50x200xi32, #tpu.memory_space<hbm>>) target(%arg9 : memref<50x200xi32, #tpu.memory_space<vmem>>) target_semaphore(%run_scoped3A_73 : memref<!tpu.dma_semaphore, #tpu.memory_space<semaphore_mem>>)
      %dma_wait3A = arith.constant 0 : i32
      %dma_wait3A_82 = arith.constant 0 : i32
      %dma_wait3A_83 = tpu.memref_slice %arg3[%run_scoped3A, %add3A, %dma_wait3A, %dma_wait3A_82] : memref<2x32x50x200xi32, #tpu.memory_space<hbm>> -> memref<1x1x50x200xi32, #tpu.memory_space<hbm>>
      %dma_wait3A_84 = tpu.memref_squeeze %dma_wait3A_83 : memref<1x1x50x200xi32, #tpu.memory_space<hbm>> -> memref<50x200xi32, #tpu.memory_space<hbm>>
      %dma_wait3A_85 = arith.constant 0 : i32
      %dma_wait3A_86 = arith.constant 0 : i32
      %dma_wait3A_87 = tpu.memref_slice %arg3[%run_scoped3A, %add3A, %dma_wait3A_85, %dma_wait3A_86] : memref<2x32x50x200xi32, #tpu.memory_space<hbm>> -> memref<1x1x50x200xi32, #tpu.memory_space<hbm>>
      %dma_wait3A_88 = tpu.memref_squeeze %dma_wait3A_87 : memref<1x1x50x200xi32, #tpu.memory_space<hbm>> -> memref<50x200xi32, #tpu.memory_space<hbm>>
      tpu.wait_dma2 semaphore(%run_scoped3A_73 : memref<!tpu.dma_semaphore, #tpu.memory_space<semaphore_mem>>) src(%dma_wait3A_88 : memref<50x200xi32, #tpu.memory_space<hbm>>) dst(%arg9 : memref<50x200xi32, #tpu.memory_space<vmem>>)
      tpu.yield
    }) : () -> ()
    %run_scoped3A_5 = arith.constant 1 : i32
    "tpu.region"() ({
      %run_scoped3A_73 = tpu.sem_alloc : memref<!tpu.dma_semaphore, #tpu.memory_space<semaphore_mem>>
      %dma_start3A_74 = arith.constant 0 : i32
      %dma_start3A_75 = arith.constant 0 : i32
      %dma_start3A_76 = tpu.memref_slice %arg3[%run_scoped3A_5, %add3A, %dma_start3A_74, %dma_start3A_75] : memref<2x32x50x200xi32, #tpu.memory_space<hbm>> -> memref<1x1x50x200xi32, #tpu.memory_space<hbm>>
      %dma_start3A_77 = tpu.memref_squeeze %dma_start3A_76 : memref<1x1x50x200xi32, #tpu.memory_space<hbm>> -> memref<50x200xi32, #tpu.memory_space<hbm>>
      %dma_start3A_78 = arith.constant 0 : i32
      %dma_start3A_79 = arith.constant 0 : i32
      %dma_start3A_80 = tpu.memref_slice %arg3[%run_scoped3A_5, %add3A, %dma_start3A_78, %dma_start3A_79] : memref<2x32x50x200xi32, #tpu.memory_space<hbm>> -> memref<1x1x50x200xi32, #tpu.memory_space<hbm>>
      %dma_start3A_81 = tpu.memref_squeeze %dma_start3A_80 : memref<1x1x50x200xi32, #tpu.memory_space<hbm>> -> memref<50x200xi32, #tpu.memory_space<hbm>>
      tpu.enqueue_dma source(%dma_start3A_81 : memref<50x200xi32, #tpu.memory_space<hbm>>) target(%arg10 : memref<50x200xi32, #tpu.memory_space<vmem>>) target_semaphore(%run_scoped3A_73 : memref<!tpu.dma_semaphore, #tpu.memory_space<semaphore_mem>>)
      %dma_wait3A = arith.constant 0 : i32
      %dma_wait3A_82 = arith.constant 0 : i32
      %dma_wait3A_83 = tpu.memref_slice %arg3[%run_scoped3A_5, %add3A, %dma_wait3A, %dma_wait3A_82] : memref<2x32x50x200xi32, #tpu.memory_space<hbm>> -> memref<1x1x50x200xi32, #tpu.memory_space<hbm>>
      %dma_wait3A_84 = tpu.memref_squeeze %dma_wait3A_83 : memref<1x1x50x200xi32, #tpu.memory_space<hbm>> -> memref<50x200xi32, #tpu.memory_space<hbm>>
      %dma_wait3A_85 = arith.constant 0 : i32
      %dma_wait3A_86 = arith.constant 0 : i32
      %dma_wait3A_87 = tpu.memref_slice %arg3[%run_scoped3A_5, %add3A, %dma_wait3A_85, %dma_wait3A_86] : memref<2x32x50x200xi32, #tpu.memory_space<hbm>> -> memref<1x1x50x200xi32, #tpu.memory_space<hbm>>
      %dma_wait3A_88 = tpu.memref_squeeze %dma_wait3A_87 : memref<1x1x50x200xi32, #tpu.memory_space<hbm>> -> memref<50x200xi32, #tpu.memory_space<hbm>>
      tpu.wait_dma2 semaphore(%run_scoped3A_73 : memref<!tpu.dma_semaphore, #tpu.memory_space<semaphore_mem>>) src(%dma_wait3A_88 : memref<50x200xi32, #tpu.memory_space<hbm>>) dst(%arg10 : memref<50x200xi32, #tpu.memory_space<vmem>>)
      tpu.yield
    }) : () -> ()
    %rem3A = arith.constant 0 : i32
    %rem3A_6 = arith.constant 4 : i32
    %rem3A_7 = arith.remsi %rem3A, %rem3A_6 : i32
    %rem3A_8 = arith.constant 0 : i32
    %rem3A_9 = arith.constant 4 : i32
    %rem3A_10 = arith.remsi %rem3A_8, %rem3A_9 : i32
    %dma_start3A = arith.constant 0 : i32
    %dma_start3A_11 = arith.constant 0 : i32
    %dma_start3A_12 = arith.constant 0 : i32
    %dma_start3A_13 = tpu.memref_slice %arg11[%rem3A_7, %dma_start3A_11, %dma_start3A_12] : memref<4x200x64xf32, #tpu.memory_space<vmem>> -> memref<1x200x64xf32, #tpu.memory_space<vmem>>
    %dma_start3A_14 = tpu.memref_squeeze %dma_start3A_13 : memref<1x200x64xf32, #tpu.memory_space<vmem>> -> memref<200x64xf32, #tpu.memory_space<vmem>>
    %dma_start3A_15 = arith.constant 0 : i32
    %dma_start3A_16 = tpu.memref_slice %arg9[%dma_start3A, %dma_start3A_15] : memref<50x200xi32, #tpu.memory_space<vmem>> -> memref<1x200xi32, #tpu.memory_space<vmem>>
    %dma_start3A_17 = tpu.memref_squeeze %dma_start3A_16 : memref<1x200xi32, #tpu.memory_space<vmem>> -> memref<200xi32, #tpu.memory_space<vmem>>
    %dma_start3A_18 = arith.constant 0 : i32
    %dma_start3A_19 = arith.constant 0 : i32
    %dma_start3A_20 = tpu.memref_slice %arg2[%dma_start3A_18, %dma_start3A_19] : memref<10240x64xf32, #tpu.memory_space<hbm>> -> memref<10240x64xf32, #tpu.memory_space<hbm>>
    %dma_start3A_21 = tpu.memref_slice %arg13[%rem3A_10] : memref<4x!tpu.dma_semaphore, #tpu.memory_space<semaphore_mem>> -> memref<1x!tpu.dma_semaphore, #tpu.memory_space<semaphore_mem>>
    %dma_start3A_22 = tpu.memref_squeeze %dma_start3A_21 : memref<1x!tpu.dma_semaphore, #tpu.memory_space<semaphore_mem>> -> memref<!tpu.dma_semaphore, #tpu.memory_space<semaphore_mem>>
    tpu.enqueue_indirect_dma source(%dma_start3A_20 : memref<10240x64xf32, #tpu.memory_space<hbm>>) target(%dma_start3A_14 : memref<200x64xf32, #tpu.memory_space<vmem>>) offsets(%dma_start3A_17 : memref<200xi32, #tpu.memory_space<vmem>>) semaphore(%dma_start3A_22 : memref<!tpu.dma_semaphore, #tpu.memory_space<semaphore_mem>>)
    %rem3A_23 = arith.constant 1 : i32
    %rem3A_24 = arith.constant 4 : i32
    %rem3A_25 = arith.remsi %rem3A_23, %rem3A_24 : i32
    %rem3A_26 = arith.constant 1 : i32
    %rem3A_27 = arith.constant 4 : i32
    %rem3A_28 = arith.remsi %rem3A_26, %rem3A_27 : i32
    %dma_start3A_29 = arith.constant 1 : i32
    %dma_start3A_30 = arith.constant 0 : i32
    %dma_start3A_31 = arith.constant 0 : i32
    %dma_start3A_32 = tpu.memref_slice %arg11[%rem3A_25, %dma_start3A_30, %dma_start3A_31] : memref<4x200x64xf32, #tpu.memory_space<vmem>> -> memref<1x200x64xf32, #tpu.memory_space<vmem>>
    %dma_start3A_33 = tpu.memref_squeeze %dma_start3A_32 : memref<1x200x64xf32, #tpu.memory_space<vmem>> -> memref<200x64xf32, #tpu.memory_space<vmem>>
    %dma_start3A_34 = arith.constant 0 : i32
    %dma_start3A_35 = tpu.memref_slice %arg9[%dma_start3A_29, %dma_start3A_34] : memref<50x200xi32, #tpu.memory_space<vmem>> -> memref<1x200xi32, #tpu.memory_space<vmem>>
    %dma_start3A_36 = tpu.memref_squeeze %dma_start3A_35 : memref<1x200xi32, #tpu.memory_space<vmem>> -> memref<200xi32, #tpu.memory_space<vmem>>
    %dma_start3A_37 = arith.constant 0 : i32
    %dma_start3A_38 = arith.constant 0 : i32
    %dma_start3A_39 = tpu.memref_slice %arg2[%dma_start3A_37, %dma_start3A_38] : memref<10240x64xf32, #tpu.memory_space<hbm>> -> memref<10240x64xf32, #tpu.memory_space<hbm>>
    %dma_start3A_40 = tpu.memref_slice %arg13[%rem3A_28] : memref<4x!tpu.dma_semaphore, #tpu.memory_space<semaphore_mem>> -> memref<1x!tpu.dma_semaphore, #tpu.memory_space<semaphore_mem>>
    %dma_start3A_41 = tpu.memref_squeeze %dma_start3A_40 : memref<1x!tpu.dma_semaphore, #tpu.memory_space<semaphore_mem>> -> memref<!tpu.dma_semaphore, #tpu.memory_space<semaphore_mem>>
    tpu.enqueue_indirect_dma source(%dma_start3A_39 : memref<10240x64xf32, #tpu.memory_space<hbm>>) target(%dma_start3A_33 : memref<200x64xf32, #tpu.memory_space<vmem>>) offsets(%dma_start3A_36 : memref<200xi32, #tpu.memory_space<vmem>>) semaphore(%dma_start3A_41 : memref<!tpu.dma_semaphore, #tpu.memory_space<semaphore_mem>>)
    %rem3A_42 = arith.constant 2 : i32
    %rem3A_43 = arith.constant 4 : i32
    %rem3A_44 = arith.remsi %rem3A_42, %rem3A_43 : i32
    %rem3A_45 = arith.constant 2 : i32
    %rem3A_46 = arith.constant 4 : i32
    %rem3A_47 = arith.remsi %rem3A_45, %rem3A_46 : i32
    %dma_start3A_48 = arith.constant 2 : i32
    %dma_start3A_49 = arith.constant 0 : i32
    %dma_start3A_50 = arith.constant 0 : i32
    %dma_start3A_51 = tpu.memref_slice %arg11[%rem3A_44, %dma_start3A_49, %dma_start3A_50] : memref<4x200x64xf32, #tpu.memory_space<vmem>> -> memref<1x200x64xf32, #tpu.memory_space<vmem>>
    %dma_start3A_52 = tpu.memref_squeeze %dma_start3A_51 : memref<1x200x64xf32, #tpu.memory_space<vmem>> -> memref<200x64xf32, #tpu.memory_space<vmem>>
    %dma_start3A_53 = arith.constant 0 : i32
    %dma_start3A_54 = tpu.memref_slice %arg9[%dma_start3A_48, %dma_start3A_53] : memref<50x200xi32, #tpu.memory_space<vmem>> -> memref<1x200xi32, #tpu.memory_space<vmem>>
    %dma_start3A_55 = tpu.memref_squeeze %dma_start3A_54 : memref<1x200xi32, #tpu.memory_space<vmem>> -> memref<200xi32, #tpu.memory_space<vmem>>
    %dma_start3A_56 = arith.constant 0 : i32
    %dma_start3A_57 = arith.constant 0 : i32
    %dma_start3A_58 = tpu.memref_slice %arg2[%dma_start3A_56, %dma_start3A_57] : memref<10240x64xf32, #tpu.memory_space<hbm>> -> memref<10240x64xf32, #tpu.memory_space<hbm>>
    %dma_start3A_59 = tpu.memref_slice %arg13[%rem3A_47] : memref<4x!tpu.dma_semaphore, #tpu.memory_space<semaphore_mem>> -> memref<1x!tpu.dma_semaphore, #tpu.memory_space<semaphore_mem>>
    %dma_start3A_60 = tpu.memref_squeeze %dma_start3A_59 : memref<1x!tpu.dma_semaphore, #tpu.memory_space<semaphore_mem>> -> memref<!tpu.dma_semaphore, #tpu.memory_space<semaphore_mem>>
    tpu.enqueue_indirect_dma source(%dma_start3A_58 : memref<10240x64xf32, #tpu.memory_space<hbm>>) target(%dma_start3A_52 : memref<200x64xf32, #tpu.memory_space<vmem>>) offsets(%dma_start3A_55 : memref<200xi32, #tpu.memory_space<vmem>>) semaphore(%dma_start3A_60 : memref<!tpu.dma_semaphore, #tpu.memory_space<semaphore_mem>>)
    "tpu.region"() ({
      %run_scoped3A_73 = tpu.sem_alloc : memref<!tpu.dma_semaphore, #tpu.memory_space<semaphore_mem>>
      %dma_start3A_74 = arith.constant 0 : i32
      %dma_start3A_75 = tpu.memref_slice %arg6[%add3A, %dma_start3A_74] : memref<32x80xi32, #tpu.memory_space<hbm>> -> memref<1x80xi32, #tpu.memory_space<hbm>>
      %dma_start3A_76 = tpu.memref_squeeze %dma_start3A_75 : memref<1x80xi32, #tpu.memory_space<hbm>> -> memref<80xi32, #tpu.memory_space<hbm>>
      %dma_start3A_77 = arith.constant 0 : i32
      %dma_start3A_78 = tpu.memref_slice %arg6[%add3A, %dma_start3A_77] : memref<32x80xi32, #tpu.memory_space<hbm>> -> memref<1x80xi32, #tpu.memory_space<hbm>>
      %dma_start3A_79 = tpu.memref_squeeze %dma_start3A_78 : memref<1x80xi32, #tpu.memory_space<hbm>> -> memref<80xi32, #tpu.memory_space<hbm>>
      tpu.enqueue_dma source(%dma_start3A_79 : memref<80xi32, #tpu.memory_space<hbm>>) target(%arg14 : memref<80xi32, #tpu.memory_space<vmem>>) target_semaphore(%run_scoped3A_73 : memref<!tpu.dma_semaphore, #tpu.memory_space<semaphore_mem>>)
      %dma_wait3A = arith.constant 0 : i32
      %dma_wait3A_80 = tpu.memref_slice %arg6[%add3A, %dma_wait3A] : memref<32x80xi32, #tpu.memory_space<hbm>> -> memref<1x80xi32, #tpu.memory_space<hbm>>
      %dma_wait3A_81 = tpu.memref_squeeze %dma_wait3A_80 : memref<1x80xi32, #tpu.memory_space<hbm>> -> memref<80xi32, #tpu.memory_space<hbm>>
      %dma_wait3A_82 = arith.constant 0 : i32
      %dma_wait3A_83 = tpu.memref_slice %arg6[%add3A, %dma_wait3A_82] : memref<32x80xi32, #tpu.memory_space<hbm>> -> memref<1x80xi32, #tpu.memory_space<hbm>>
      %dma_wait3A_84 = tpu.memref_squeeze %dma_wait3A_83 : memref<1x80xi32, #tpu.memory_space<hbm>> -> memref<80xi32, #tpu.memory_space<hbm>>
      tpu.wait_dma2 semaphore(%run_scoped3A_73 : memref<!tpu.dma_semaphore, #tpu.memory_space<semaphore_mem>>) src(%dma_wait3A_84 : memref<80xi32, #tpu.memory_space<hbm>>) dst(%arg14 : memref<80xi32, #tpu.memory_space<vmem>>)
      tpu.yield
    }) : () -> ()
    "tpu.region"() ({
      %run_scoped3A_73 = tpu.sem_alloc : memref<!tpu.dma_semaphore, #tpu.memory_space<semaphore_mem>>
      %dma_start3A_74 = arith.constant 0 : i32
      %dma_start3A_75 = arith.constant 0 : i32
      %dma_start3A_76 = tpu.memref_slice %arg5[%dma_start3A_74, %dma_start3A_75] : memref<10240x64xf32, #tpu.memory_space<hbm>> -> memref<10240x64xf32, #tpu.memory_space<hbm>>
      tpu.enqueue_indirect_dma source(%dma_start3A_76 : memref<10240x64xf32, #tpu.memory_space<hbm>>) target(%arg15 : memref<80x64xf32, #tpu.memory_space<vmem>>) offsets(%arg14 : memref<80xi32, #tpu.memory_space<vmem>>) semaphore(%run_scoped3A_73 : memref<!tpu.dma_semaphore, #tpu.memory_space<semaphore_mem>>)
      %dma_wait3A = arith.constant 0 : i32
      %dma_wait3A_77 = arith.constant 0 : i32
      %dma_wait3A_78 = tpu.memref_slice %arg5[%dma_wait3A, %dma_wait3A_77] : memref<10240x64xf32, #tpu.memory_space<hbm>> -> memref<10240x64xf32, #tpu.memory_space<hbm>>
      tpu.wait_indirect_dma semaphore(%run_scoped3A_73 : memref<!tpu.dma_semaphore, #tpu.memory_space<semaphore_mem>>) src(%dma_wait3A_78 : memref<10240x64xf32, #tpu.memory_space<hbm>>) dst(%arg15 : memref<80x64xf32, #tpu.memory_space<vmem>>)
      tpu.yield
    }) : () -> ()
    %mul3A_61 = arith.constant 80 : i32
    %mul3A_62 = arith.muli %add3A, %mul3A_61 : i32
    "tpu.region"() ({
      %run_scoped3A_73 = tpu.sem_alloc : memref<!tpu.dma_semaphore, #tpu.memory_space<semaphore_mem>>
      %dma_start3A_74 = arith.constant 0 : i32
      %dma_start3A_75 = tpu.memref_slice %arg8[%mul3A_62, %dma_start3A_74] : memref<2560x64xf32, #tpu.memory_space<hbm>> -> memref<80x64xf32, #tpu.memory_space<hbm>>
      %dma_start3A_76 = arith.constant 0 : i32
      %dma_start3A_77 = tpu.memref_slice %arg8[%mul3A_62, %dma_start3A_76] : memref<2560x64xf32, #tpu.memory_space<hbm>> -> memref<80x64xf32, #tpu.memory_space<hbm>>
      tpu.enqueue_dma source(%arg15 : memref<80x64xf32, #tpu.memory_space<vmem>>) target(%dma_start3A_77 : memref<80x64xf32, #tpu.memory_space<hbm>>) target_semaphore(%run_scoped3A_73 : memref<!tpu.dma_semaphore, #tpu.memory_space<semaphore_mem>>)
      %dma_wait3A = arith.constant 0 : i32
      %dma_wait3A_78 = tpu.memref_slice %arg8[%mul3A_62, %dma_wait3A] : memref<2560x64xf32, #tpu.memory_space<hbm>> -> memref<80x64xf32, #tpu.memory_space<hbm>>
      %dma_wait3A_79 = arith.constant 0 : i32
      %dma_wait3A_80 = tpu.memref_slice %arg8[%mul3A_62, %dma_wait3A_79] : memref<2560x64xf32, #tpu.memory_space<hbm>> -> memref<80x64xf32, #tpu.memory_space<hbm>>
      tpu.wait_dma2 semaphore(%run_scoped3A_73 : memref<!tpu.dma_semaphore, #tpu.memory_space<semaphore_mem>>) src(%arg15 : memref<80x64xf32, #tpu.memory_space<vmem>>) dst(%dma_wait3A_80 : memref<80x64xf32, #tpu.memory_space<hbm>>)
      tpu.yield
    }) : () -> ()
    %scan3A = arith.constant 0 : i32
    %scan3A_63 = arith.constant 0 : i32
    %scan3A_64 = arith.constant 50 : i32
    %scan3A_65 = arith.addi %scan3A_63, %scan3A_64 : i32
    %scan3A_66 = arith.constant 1 : i32
    scf.for %scan3A_73 = %scan3A_63 to %scan3A_65 step %scan3A_66  : i32 {
      %add3A_74 = arith.constant 3 : i32
      %add3A_75 = arith.addi %scan3A_73, %add3A_74 : i32
      %lt3A = arith.constant 50 : i32
      %lt3A_76 = arith.cmpi slt, %add3A_75, %lt3A : i32
      %convert_element_type3A = arith.extui %lt3A_76 : i1 to i32
      %cond3A = arith.constant 0 : i32
      %cond3A_77 = arith.cmpi ne, %convert_element_type3A, %cond3A : i32
      scf.if %cond3A_77 {
        %add3A_95 = arith.constant 3 : i32
        %add3A_96 = arith.addi %scan3A_73, %add3A_95 : i32
        %rem3A_97 = arith.constant 4 : i32
        %rem3A_98 = arith.remsi %add3A_96, %rem3A_97 : i32
        %rem3A_99 = arith.constant 4 : i32
        %rem3A_100 = arith.remsi %add3A_96, %rem3A_99 : i32
        %dma_start3A_101 = arith.constant 0 : i32
        %dma_start3A_102 = arith.constant 0 : i32
        %dma_start3A_103 = tpu.memref_slice %arg11[%rem3A_98, %dma_start3A_101, %dma_start3A_102] : memref<4x200x64xf32, #tpu.memory_space<vmem>> -> memref<1x200x64xf32, #tpu.memory_space<vmem>>
        %dma_start3A_104 = tpu.memref_squeeze %dma_start3A_103 : memref<1x200x64xf32, #tpu.memory_space<vmem>> -> memref<200x64xf32, #tpu.memory_space<vmem>>
        %dma_start3A_105 = arith.constant 0 : i32
        %dma_start3A_106 = tpu.memref_slice %arg9[%add3A_96, %dma_start3A_105] : memref<50x200xi32, #tpu.memory_space<vmem>> -> memref<1x200xi32, #tpu.memory_space<vmem>>
        %dma_start3A_107 = tpu.memref_squeeze %dma_start3A_106 : memref<1x200xi32, #tpu.memory_space<vmem>> -> memref<200xi32, #tpu.memory_space<vmem>>
        %dma_start3A_108 = arith.constant 0 : i32
        %dma_start3A_109 = arith.constant 0 : i32
        %dma_start3A_110 = tpu.memref_slice %arg2[%dma_start3A_108, %dma_start3A_109] : memref<10240x64xf32, #tpu.memory_space<hbm>> -> memref<10240x64xf32, #tpu.memory_space<hbm>>
        %dma_start3A_111 = tpu.memref_slice %arg13[%rem3A_100] : memref<4x!tpu.dma_semaphore, #tpu.memory_space<semaphore_mem>> -> memref<1x!tpu.dma_semaphore, #tpu.memory_space<semaphore_mem>>
        %dma_start3A_112 = tpu.memref_squeeze %dma_start3A_111 : memref<1x!tpu.dma_semaphore, #tpu.memory_space<semaphore_mem>> -> memref<!tpu.dma_semaphore, #tpu.memory_space<semaphore_mem>>
        tpu.enqueue_indirect_dma source(%dma_start3A_110 : memref<10240x64xf32, #tpu.memory_space<hbm>>) target(%dma_start3A_104 : memref<200x64xf32, #tpu.memory_space<vmem>>) offsets(%dma_start3A_107 : memref<200xi32, #tpu.memory_space<vmem>>) semaphore(%dma_start3A_112 : memref<!tpu.dma_semaphore, #tpu.memory_space<semaphore_mem>>)
      } else {
      }
      %rem3A_78 = arith.constant 4 : i32
      %rem3A_79 = arith.remsi %scan3A_73, %rem3A_78 : i32
      %rem3A_80 = arith.constant 4 : i32
      %rem3A_81 = arith.remsi %scan3A_73, %rem3A_80 : i32
      %dma_wait3A = arith.constant 0 : i32
      %dma_wait3A_82 = arith.constant 0 : i32
      %dma_wait3A_83 = tpu.memref_slice %arg11[%rem3A_79, %dma_wait3A, %dma_wait3A_82] : memref<4x200x64xf32, #tpu.memory_space<vmem>> -> memref<1x200x64xf32, #tpu.memory_space<vmem>>
      %dma_wait3A_84 = tpu.memref_squeeze %dma_wait3A_83 : memref<1x200x64xf32, #tpu.memory_space<vmem>> -> memref<200x64xf32, #tpu.memory_space<vmem>>
      %dma_wait3A_85 = arith.constant 0 : i32
      %dma_wait3A_86 = tpu.memref_slice %arg9[%scan3A_73, %dma_wait3A_85] : memref<50x200xi32, #tpu.memory_space<vmem>> -> memref<1x200xi32, #tpu.memory_space<vmem>>
      %dma_wait3A_87 = tpu.memref_squeeze %dma_wait3A_86 : memref<1x200xi32, #tpu.memory_space<vmem>> -> memref<200xi32, #tpu.memory_space<vmem>>
      %dma_wait3A_88 = arith.constant 0 : i32
      %dma_wait3A_89 = arith.constant 0 : i32
      %dma_wait3A_90 = tpu.memref_slice %arg2[%dma_wait3A_88, %dma_wait3A_89] : memref<10240x64xf32, #tpu.memory_space<hbm>> -> memref<10240x64xf32, #tpu.memory_space<hbm>>
      %dma_wait3A_91 = tpu.memref_slice %arg13[%rem3A_81] : memref<4x!tpu.dma_semaphore, #tpu.memory_space<semaphore_mem>> -> memref<1x!tpu.dma_semaphore, #tpu.memory_space<semaphore_mem>>
      %dma_wait3A_92 = tpu.memref_squeeze %dma_wait3A_91 : memref<1x!tpu.dma_semaphore, #tpu.memory_space<semaphore_mem>> -> memref<!tpu.dma_semaphore, #tpu.memory_space<semaphore_mem>>
      tpu.wait_indirect_dma semaphore(%dma_wait3A_92 : memref<!tpu.dma_semaphore, #tpu.memory_space<semaphore_mem>>) src(%dma_wait3A_90 : memref<10240x64xf32, #tpu.memory_space<hbm>>) dst(%dma_wait3A_84 : memref<200x64xf32, #tpu.memory_space<vmem>>)
      %rem3A_93 = arith.constant 4 : i32
      %rem3A_94 = arith.remsi %scan3A_73, %rem3A_93 : i32
      "tpu.region"() ({
        %run_scoped3A_95 = tpu.sem_alloc : memref<!tpu.dma_semaphore, #tpu.memory_space<semaphore_mem>>
        %dma_start3A_96 = arith.constant 0 : i32
        %dma_start3A_97 = arith.constant 0 : i32
        %dma_start3A_98 = tpu.memref_slice %arg11[%rem3A_94, %dma_start3A_96, %dma_start3A_97] : memref<4x200x64xf32, #tpu.memory_space<vmem>> -> memref<1x200x64xf32, #tpu.memory_space<vmem>>
        %dma_start3A_99 = tpu.memref_squeeze %dma_start3A_98 : memref<1x200x64xf32, #tpu.memory_space<vmem>> -> memref<200x64xf32, #tpu.memory_space<vmem>>
        %dma_start3A_100 = arith.constant 0 : i32
        %dma_start3A_101 = tpu.memref_slice %arg10[%scan3A_73, %dma_start3A_100] : memref<50x200xi32, #tpu.memory_space<vmem>> -> memref<1x200xi32, #tpu.memory_space<vmem>>
        %dma_start3A_102 = tpu.memref_squeeze %dma_start3A_101 : memref<1x200xi32, #tpu.memory_space<vmem>> -> memref<200xi32, #tpu.memory_space<vmem>>
        %dma_start3A_103 = arith.constant 0 : i32
        %dma_start3A_104 = arith.constant 0 : i32
        %dma_start3A_105 = tpu.memref_slice %arg12[%dma_start3A_103, %dma_start3A_104] : memref<10240x64xf32, #tpu.memory_space<vmem_shared>> -> memref<10240x64xf32, #tpu.memory_space<vmem_shared>>
        tpu.enqueue_indirect_dma source(%dma_start3A_99 : memref<200x64xf32, #tpu.memory_space<vmem>>) target(%dma_start3A_105 : memref<10240x64xf32, #tpu.memory_space<vmem_shared>>) offsets(%dma_start3A_102 : memref<200xi32, #tpu.memory_space<vmem>>) semaphore(%run_scoped3A_95 : memref<!tpu.dma_semaphore, #tpu.memory_space<semaphore_mem>>) {add = true}
        %dma_wait3A_106 = arith.constant 0 : i32
        %dma_wait3A_107 = arith.constant 0 : i32
        %dma_wait3A_108 = tpu.memref_slice %arg11[%rem3A_94, %dma_wait3A_106, %dma_wait3A_107] : memref<4x200x64xf32, #tpu.memory_space<vmem>> -> memref<1x200x64xf32, #tpu.memory_space<vmem>>
        %dma_wait3A_109 = tpu.memref_squeeze %dma_wait3A_108 : memref<1x200x64xf32, #tpu.memory_space<vmem>> -> memref<200x64xf32, #tpu.memory_space<vmem>>
        %dma_wait3A_110 = arith.constant 0 : i32
        %dma_wait3A_111 = tpu.memref_slice %arg10[%scan3A_73, %dma_wait3A_110] : memref<50x200xi32, #tpu.memory_space<vmem>> -> memref<1x200xi32, #tpu.memory_space<vmem>>
        %dma_wait3A_112 = tpu.memref_squeeze %dma_wait3A_111 : memref<1x200xi32, #tpu.memory_space<vmem>> -> memref<200xi32, #tpu.memory_space<vmem>>
        %dma_wait3A_113 = arith.constant 0 : i32
        %dma_wait3A_114 = arith.constant 0 : i32
        %dma_wait3A_115 = tpu.memref_slice %arg12[%dma_wait3A_113, %dma_wait3A_114] : memref<10240x64xf32, #tpu.memory_space<vmem_shared>> -> memref<10240x64xf32, #tpu.memory_space<vmem_shared>>
        tpu.wait_indirect_dma semaphore(%run_scoped3A_95 : memref<!tpu.dma_semaphore, #tpu.memory_space<semaphore_mem>>) src(%dma_wait3A_109 : memref<200x64xf32, #tpu.memory_space<vmem>>) dst(%dma_wait3A_115 : memref<10240x64xf32, #tpu.memory_space<vmem_shared>>)
        tpu.yield
      }) : () -> ()
    }
    %scan3A_67 = arith.constant 50 : i32
    %barrier3A_68 = arith.constant 0 : index
    tpu.barrier barrier_id(%barrier3A_68)
    %mul3A_69 = arith.constant 640 : i32
    %mul3A_70 = arith.muli %arg1, %mul3A_69 : i32
    %mul3A_71 = arith.constant 640 : i32
    %mul3A_72 = arith.muli %arg1, %mul3A_71 : i32
    "tpu.region"() ({
      %run_scoped3A_73 = tpu.sem_alloc : memref<!tpu.dma_semaphore, #tpu.memory_space<semaphore_mem>>
      %dma_start3A_74 = arith.constant 0 : i32
      %dma_start3A_75 = tpu.memref_slice %arg7[%arg0, %mul3A_72, %dma_start3A_74] : memref<2x10240x64xf32, #tpu.memory_space<hbm>> -> memref<1x640x64xf32, #tpu.memory_space<hbm>>
      %dma_start3A_76 = tpu.memref_squeeze %dma_start3A_75 : memref<1x640x64xf32, #tpu.memory_space<hbm>> -> memref<640x64xf32, #tpu.memory_space<hbm>>
      %dma_start3A_77 = arith.constant 0 : i32
      %dma_start3A_78 = tpu.memref_slice %arg12[%mul3A_70, %dma_start3A_77] : memref<10240x64xf32, #tpu.memory_space<vmem_shared>> -> memref<640x64xf32, #tpu.memory_space<vmem_shared>>
      tpu.enqueue_dma source(%dma_start3A_78 : memref<640x64xf32, #tpu.memory_space<vmem_shared>>) target(%dma_start3A_76 : memref<640x64xf32, #tpu.memory_space<hbm>>) target_semaphore(%run_scoped3A_73 : memref<!tpu.dma_semaphore, #tpu.memory_space<semaphore_mem>>)
      %dma_wait3A = arith.constant 0 : i32
      %dma_wait3A_79 = tpu.memref_slice %arg7[%arg0, %mul3A_72, %dma_wait3A] : memref<2x10240x64xf32, #tpu.memory_space<hbm>> -> memref<1x640x64xf32, #tpu.memory_space<hbm>>
      %dma_wait3A_80 = tpu.memref_squeeze %dma_wait3A_79 : memref<1x640x64xf32, #tpu.memory_space<hbm>> -> memref<640x64xf32, #tpu.memory_space<hbm>>
      %dma_wait3A_81 = arith.constant 0 : i32
      %dma_wait3A_82 = tpu.memref_slice %arg12[%mul3A_70, %dma_wait3A_81] : memref<10240x64xf32, #tpu.memory_space<vmem_shared>> -> memref<640x64xf32, #tpu.memory_space<vmem_shared>>
      tpu.wait_dma2 semaphore(%run_scoped3A_73 : memref<!tpu.dma_semaphore, #tpu.memory_space<semaphore_mem>>) src(%dma_wait3A_82 : memref<640x64xf32, #tpu.memory_space<vmem_shared>>) dst(%dma_wait3A_80 : memref<640x64xf32, #tpu.memory_space<hbm>>)
      tpu.yield
    }) : () -> ()
    return
  }
}

#map = affine_map<(d0, d1) -> (0, 0, 0, 0)>
#map1 = affine_map<(d0, d1) -> (0, 0)>
#map2 = affine_map<(d0, d1) -> (0, 0, 0)>
module attributes {stable_mosaic.version = 14 : i64} {
  func.func @_sc_deg_body(%arg0: i32, %arg1: i32, %arg2: memref<2x32x50x200xi32, #tpu.memory_space<hbm>>, %arg3: memref<10240x8xf32, #tpu.memory_space<hbm>>, %arg4: memref<200x8xf32, #tpu.memory_space<hbm>>, %arg5: memref<2x10240x8xf32, #tpu.memory_space<hbm>>, %arg6: memref<50x200xi32, #tpu.memory_space<vmem>>, %arg7: memref<200x8xf32, #tpu.memory_space<vmem>>, %arg8: memref<10240x8xf32, #tpu.memory_space<vmem_shared>>) attributes {dimension_semantics = [#tpu.dimension_semantics<core_parallel>, #tpu.dimension_semantics<subcore_parallel>], iteration_bounds = array<i64: 2, 16>, scalar_prefetch = 0 : i64, scratch_operands = 3 : i64, tpu.core_type = #tpu.core_type<sc_vector_subcore>, window_params = [{transform_indices = #map}, {transform_indices = #map1}, {transform_indices = #map1}, {transform_indices = #map2}]} {
    %mul3A = arith.constant 16 : i32
    %mul3A_0 = arith.muli %arg0, %mul3A : i32
    %add3A = arith.addi %mul3A_0, %arg1 : i32
    %mul3A_1 = arith.constant 640 : i32
    %mul3A_2 = arith.muli %arg1, %mul3A_1 : i32
    %mul3A_3 = arith.constant 640 : i32
    %mul3A_4 = arith.muli %arg1, %mul3A_3 : i32
    "tpu.region"() ({
      %run_scoped3A_15 = tpu.sem_alloc : memref<!tpu.dma_semaphore, #tpu.memory_space<semaphore_mem>>
      %dma_start3A = arith.constant 0 : i32
      %dma_start3A_16 = tpu.memref_slice %arg8[%mul3A_4, %dma_start3A] : memref<10240x8xf32, #tpu.memory_space<vmem_shared>> -> memref<640x8xf32, #tpu.memory_space<vmem_shared>>
      %dma_start3A_17 = arith.constant 0 : i32
      %dma_start3A_18 = tpu.memref_slice %arg3[%mul3A_2, %dma_start3A_17] : memref<10240x8xf32, #tpu.memory_space<hbm>> -> memref<640x8xf32, #tpu.memory_space<hbm>>
      tpu.enqueue_dma source(%dma_start3A_18 : memref<640x8xf32, #tpu.memory_space<hbm>>) target(%dma_start3A_16 : memref<640x8xf32, #tpu.memory_space<vmem_shared>>) target_semaphore(%run_scoped3A_15 : memref<!tpu.dma_semaphore, #tpu.memory_space<semaphore_mem>>)
      %dma_wait3A = arith.constant 0 : i32
      %dma_wait3A_19 = tpu.memref_slice %arg8[%mul3A_4, %dma_wait3A] : memref<10240x8xf32, #tpu.memory_space<vmem_shared>> -> memref<640x8xf32, #tpu.memory_space<vmem_shared>>
      %dma_wait3A_20 = arith.constant 0 : i32
      %dma_wait3A_21 = tpu.memref_slice %arg3[%mul3A_2, %dma_wait3A_20] : memref<10240x8xf32, #tpu.memory_space<hbm>> -> memref<640x8xf32, #tpu.memory_space<hbm>>
      tpu.wait_dma2 semaphore(%run_scoped3A_15 : memref<!tpu.dma_semaphore, #tpu.memory_space<semaphore_mem>>) src(%dma_wait3A_21 : memref<640x8xf32, #tpu.memory_space<hbm>>) dst(%dma_wait3A_19 : memref<640x8xf32, #tpu.memory_space<vmem_shared>>)
      tpu.yield
    }) : () -> ()
    "tpu.region"() ({
      %run_scoped3A_15 = tpu.sem_alloc : memref<!tpu.dma_semaphore, #tpu.memory_space<semaphore_mem>>
      tpu.enqueue_dma source(%arg4 : memref<200x8xf32, #tpu.memory_space<hbm>>) target(%arg7 : memref<200x8xf32, #tpu.memory_space<vmem>>) target_semaphore(%run_scoped3A_15 : memref<!tpu.dma_semaphore, #tpu.memory_space<semaphore_mem>>)
      tpu.wait_dma2 semaphore(%run_scoped3A_15 : memref<!tpu.dma_semaphore, #tpu.memory_space<semaphore_mem>>) src(%arg4 : memref<200x8xf32, #tpu.memory_space<hbm>>) dst(%arg7 : memref<200x8xf32, #tpu.memory_space<vmem>>)
      tpu.yield
    }) : () -> ()
    %barrier3A = arith.constant 0 : index
    tpu.barrier barrier_id(%barrier3A)
    %run_scoped3A = arith.constant 1 : i32
    "tpu.region"() ({
      %run_scoped3A_15 = tpu.sem_alloc : memref<!tpu.dma_semaphore, #tpu.memory_space<semaphore_mem>>
      %dma_start3A = arith.constant 0 : i32
      %dma_start3A_16 = arith.constant 0 : i32
      %dma_start3A_17 = tpu.memref_slice %arg2[%run_scoped3A, %add3A, %dma_start3A, %dma_start3A_16] : memref<2x32x50x200xi32, #tpu.memory_space<hbm>> -> memref<1x1x50x200xi32, #tpu.memory_space<hbm>>
      %dma_start3A_18 = tpu.memref_squeeze %dma_start3A_17 : memref<1x1x50x200xi32, #tpu.memory_space<hbm>> -> memref<50x200xi32, #tpu.memory_space<hbm>>
      %dma_start3A_19 = arith.constant 0 : i32
      %dma_start3A_20 = arith.constant 0 : i32
      %dma_start3A_21 = tpu.memref_slice %arg2[%run_scoped3A, %add3A, %dma_start3A_19, %dma_start3A_20] : memref<2x32x50x200xi32, #tpu.memory_space<hbm>> -> memref<1x1x50x200xi32, #tpu.memory_space<hbm>>
      %dma_start3A_22 = tpu.memref_squeeze %dma_start3A_21 : memref<1x1x50x200xi32, #tpu.memory_space<hbm>> -> memref<50x200xi32, #tpu.memory_space<hbm>>
      tpu.enqueue_dma source(%dma_start3A_22 : memref<50x200xi32, #tpu.memory_space<hbm>>) target(%arg6 : memref<50x200xi32, #tpu.memory_space<vmem>>) target_semaphore(%run_scoped3A_15 : memref<!tpu.dma_semaphore, #tpu.memory_space<semaphore_mem>>)
      %dma_wait3A = arith.constant 0 : i32
      %dma_wait3A_23 = arith.constant 0 : i32
      %dma_wait3A_24 = tpu.memref_slice %arg2[%run_scoped3A, %add3A, %dma_wait3A, %dma_wait3A_23] : memref<2x32x50x200xi32, #tpu.memory_space<hbm>> -> memref<1x1x50x200xi32, #tpu.memory_space<hbm>>
      %dma_wait3A_25 = tpu.memref_squeeze %dma_wait3A_24 : memref<1x1x50x200xi32, #tpu.memory_space<hbm>> -> memref<50x200xi32, #tpu.memory_space<hbm>>
      %dma_wait3A_26 = arith.constant 0 : i32
      %dma_wait3A_27 = arith.constant 0 : i32
      %dma_wait3A_28 = tpu.memref_slice %arg2[%run_scoped3A, %add3A, %dma_wait3A_26, %dma_wait3A_27] : memref<2x32x50x200xi32, #tpu.memory_space<hbm>> -> memref<1x1x50x200xi32, #tpu.memory_space<hbm>>
      %dma_wait3A_29 = tpu.memref_squeeze %dma_wait3A_28 : memref<1x1x50x200xi32, #tpu.memory_space<hbm>> -> memref<50x200xi32, #tpu.memory_space<hbm>>
      tpu.wait_dma2 semaphore(%run_scoped3A_15 : memref<!tpu.dma_semaphore, #tpu.memory_space<semaphore_mem>>) src(%dma_wait3A_29 : memref<50x200xi32, #tpu.memory_space<hbm>>) dst(%arg6 : memref<50x200xi32, #tpu.memory_space<vmem>>)
      tpu.yield
    }) : () -> ()
    %scan3A = arith.constant 0 : i32
    %scan3A_5 = arith.constant 0 : i32
    %scan3A_6 = arith.constant 50 : i32
    %scan3A_7 = arith.addi %scan3A_5, %scan3A_6 : i32
    %scan3A_8 = arith.constant 1 : i32
    scf.for %scan3A_15 = %scan3A_5 to %scan3A_7 step %scan3A_8  : i32 {
      "tpu.region"() ({
        %run_scoped3A_16 = tpu.sem_alloc : memref<!tpu.dma_semaphore, #tpu.memory_space<semaphore_mem>>
        %dma_start3A = arith.constant 0 : i32
        %dma_start3A_17 = tpu.memref_slice %arg6[%scan3A_15, %dma_start3A] : memref<50x200xi32, #tpu.memory_space<vmem>> -> memref<1x200xi32, #tpu.memory_space<vmem>>
        %dma_start3A_18 = tpu.memref_squeeze %dma_start3A_17 : memref<1x200xi32, #tpu.memory_space<vmem>> -> memref<200xi32, #tpu.memory_space<vmem>>
        %dma_start3A_19 = arith.constant 0 : i32
        %dma_start3A_20 = arith.constant 0 : i32
        %dma_start3A_21 = tpu.memref_slice %arg8[%dma_start3A_19, %dma_start3A_20] : memref<10240x8xf32, #tpu.memory_space<vmem_shared>> -> memref<10240x8xf32, #tpu.memory_space<vmem_shared>>
        tpu.enqueue_indirect_dma source(%arg7 : memref<200x8xf32, #tpu.memory_space<vmem>>) target(%dma_start3A_21 : memref<10240x8xf32, #tpu.memory_space<vmem_shared>>) offsets(%dma_start3A_18 : memref<200xi32, #tpu.memory_space<vmem>>) semaphore(%run_scoped3A_16 : memref<!tpu.dma_semaphore, #tpu.memory_space<semaphore_mem>>) {add = true}
        %dma_wait3A = arith.constant 0 : i32
        %dma_wait3A_22 = tpu.memref_slice %arg6[%scan3A_15, %dma_wait3A] : memref<50x200xi32, #tpu.memory_space<vmem>> -> memref<1x200xi32, #tpu.memory_space<vmem>>
        %dma_wait3A_23 = tpu.memref_squeeze %dma_wait3A_22 : memref<1x200xi32, #tpu.memory_space<vmem>> -> memref<200xi32, #tpu.memory_space<vmem>>
        %dma_wait3A_24 = arith.constant 0 : i32
        %dma_wait3A_25 = arith.constant 0 : i32
        %dma_wait3A_26 = tpu.memref_slice %arg8[%dma_wait3A_24, %dma_wait3A_25] : memref<10240x8xf32, #tpu.memory_space<vmem_shared>> -> memref<10240x8xf32, #tpu.memory_space<vmem_shared>>
        tpu.wait_indirect_dma semaphore(%run_scoped3A_16 : memref<!tpu.dma_semaphore, #tpu.memory_space<semaphore_mem>>) src(%arg7 : memref<200x8xf32, #tpu.memory_space<vmem>>) dst(%dma_wait3A_26 : memref<10240x8xf32, #tpu.memory_space<vmem_shared>>)
        tpu.yield
      }) : () -> ()
    }
    %scan3A_9 = arith.constant 50 : i32
    %barrier3A_10 = arith.constant 0 : index
    tpu.barrier barrier_id(%barrier3A_10)
    %mul3A_11 = arith.constant 640 : i32
    %mul3A_12 = arith.muli %arg1, %mul3A_11 : i32
    %mul3A_13 = arith.constant 640 : i32
    %mul3A_14 = arith.muli %arg1, %mul3A_13 : i32
    "tpu.region"() ({
      %run_scoped3A_15 = tpu.sem_alloc : memref<!tpu.dma_semaphore, #tpu.memory_space<semaphore_mem>>
      %dma_start3A = arith.constant 0 : i32
      %dma_start3A_16 = tpu.memref_slice %arg5[%arg0, %mul3A_14, %dma_start3A] : memref<2x10240x8xf32, #tpu.memory_space<hbm>> -> memref<1x640x8xf32, #tpu.memory_space<hbm>>
      %dma_start3A_17 = tpu.memref_squeeze %dma_start3A_16 : memref<1x640x8xf32, #tpu.memory_space<hbm>> -> memref<640x8xf32, #tpu.memory_space<hbm>>
      %dma_start3A_18 = arith.constant 0 : i32
      %dma_start3A_19 = tpu.memref_slice %arg8[%mul3A_12, %dma_start3A_18] : memref<10240x8xf32, #tpu.memory_space<vmem_shared>> -> memref<640x8xf32, #tpu.memory_space<vmem_shared>>
      tpu.enqueue_dma source(%dma_start3A_19 : memref<640x8xf32, #tpu.memory_space<vmem_shared>>) target(%dma_start3A_17 : memref<640x8xf32, #tpu.memory_space<hbm>>) target_semaphore(%run_scoped3A_15 : memref<!tpu.dma_semaphore, #tpu.memory_space<semaphore_mem>>)
      %dma_wait3A = arith.constant 0 : i32
      %dma_wait3A_20 = tpu.memref_slice %arg5[%arg0, %mul3A_14, %dma_wait3A] : memref<2x10240x8xf32, #tpu.memory_space<hbm>> -> memref<1x640x8xf32, #tpu.memory_space<hbm>>
      %dma_wait3A_21 = tpu.memref_squeeze %dma_wait3A_20 : memref<1x640x8xf32, #tpu.memory_space<hbm>> -> memref<640x8xf32, #tpu.memory_space<hbm>>
      %dma_wait3A_22 = arith.constant 0 : i32
      %dma_wait3A_23 = tpu.memref_slice %arg8[%mul3A_12, %dma_wait3A_22] : memref<10240x8xf32, #tpu.memory_space<vmem_shared>> -> memref<640x8xf32, #tpu.memory_space<vmem_shared>>
      tpu.wait_dma2 semaphore(%run_scoped3A_15 : memref<!tpu.dma_semaphore, #tpu.memory_space<semaphore_mem>>) src(%dma_wait3A_23 : memref<640x8xf32, #tpu.memory_space<vmem_shared>>) dst(%dma_wait3A_21 : memref<640x8xf32, #tpu.memory_space<hbm>>)
      tpu.yield
    }) : () -> ()
    return
  }
}

#map = affine_map<(d0, d1) -> (0, 0)>
#map1 = affine_map<(d0, d1) -> (0, 0, 0, 0)>
#map2 = affine_map<(d0, d1) -> (0, 0, 0)>
module attributes {stable_mosaic.version = 14 : i64} {
  func.func @_sc_scatter_body(%arg0: i32, %arg1: i32, %arg2: memref<10240x64xf32, #tpu.memory_space<hbm>>, %arg3: memref<2x32x50x200xi32, #tpu.memory_space<hbm>>, %arg4: memref<10240x64xf32, #tpu.memory_space<hbm>>, %arg5: memref<10240x64xf32, #tpu.memory_space<hbm>>, %arg6: memref<32x80xi32, #tpu.memory_space<hbm>>, %arg7: memref<2x10240x64xf32, #tpu.memory_space<hbm>>, %arg8: memref<2560x64xf32, #tpu.memory_space<hbm>>, %arg9: memref<50x200xi32, #tpu.memory_space<vmem>>, %arg10: memref<50x200xi32, #tpu.memory_space<vmem>>, %arg11: memref<4x200x64xf32, #tpu.memory_space<vmem>>, %arg12: memref<10240x64xf32, #tpu.memory_space<vmem_shared>>, %arg13: memref<4x!tpu.dma_semaphore, #tpu.memory_space<semaphore_mem>>, %arg14: memref<80xi32, #tpu.memory_space<vmem>>, %arg15: memref<80x64xf32, #tpu.memory_space<vmem>>) attributes {dimension_semantics = [#tpu.dimension_semantics<core_parallel>, #tpu.dimension_semantics<subcore_parallel>], iteration_bounds = array<i64: 2, 16>, scalar_prefetch = 0 : i64, scratch_operands = 7 : i64, tpu.core_type = #tpu.core_type<sc_vector_subcore>, window_params = [{transform_indices = #map}, {transform_indices = #map1}, {transform_indices = #map}, {transform_indices = #map}, {transform_indices = #map}, {transform_indices = #map2}, {transform_indices = #map}]} {
    %mul3A = arith.constant 16 : i32
    %mul3A_0 = arith.muli %arg0, %mul3A : i32
    %add3A = arith.addi %mul3A_0, %arg1 : i32
    %mul3A_1 = arith.constant 640 : i32
    %mul3A_2 = arith.muli %arg1, %mul3A_1 : i32
    %mul3A_3 = arith.constant 640 : i32
    %mul3A_4 = arith.muli %arg1, %mul3A_3 : i32
    "tpu.region"() ({
      %run_scoped3A_73 = tpu.sem_alloc : memref<!tpu.dma_semaphore, #tpu.memory_space<semaphore_mem>>
      %dma_start3A_74 = arith.constant 0 : i32
      %dma_start3A_75 = tpu.memref_slice %arg12[%mul3A_4, %dma_start3A_74] : memref<10240x64xf32, #tpu.memory_space<vmem_shared>> -> memref<640x64xf32, #tpu.memory_space<vmem_shared>>
      %dma_start3A_76 = arith.constant 0 : i32
      %dma_start3A_77 = tpu.memref_slice %arg4[%mul3A_2, %dma_start3A_76] : memref<10240x64xf32, #tpu.memory_space<hbm>> -> memref<640x64xf32, #tpu.memory_space<hbm>>
      tpu.enqueue_dma source(%dma_start3A_77 : memref<640x64xf32, #tpu.memory_space<hbm>>) target(%dma_start3A_75 : memref<640x64xf32, #tpu.memory_space<vmem_shared>>) target_semaphore(%run_scoped3A_73 : memref<!tpu.dma_semaphore, #tpu.memory_space<semaphore_mem>>)
      %dma_wait3A = arith.constant 0 : i32
      %dma_wait3A_78 = tpu.memref_slice %arg12[%mul3A_4, %dma_wait3A] : memref<10240x64xf32, #tpu.memory_space<vmem_shared>> -> memref<640x64xf32, #tpu.memory_space<vmem_shared>>
      %dma_wait3A_79 = arith.constant 0 : i32
      %dma_wait3A_80 = tpu.memref_slice %arg4[%mul3A_2, %dma_wait3A_79] : memref<10240x64xf32, #tpu.memory_space<hbm>> -> memref<640x64xf32, #tpu.memory_space<hbm>>
      tpu.wait_dma2 semaphore(%run_scoped3A_73 : memref<!tpu.dma_semaphore, #tpu.memory_space<semaphore_mem>>) src(%dma_wait3A_80 : memref<640x64xf32, #tpu.memory_space<hbm>>) dst(%dma_wait3A_78 : memref<640x64xf32, #tpu.memory_space<vmem_shared>>)
      tpu.yield
    }) : () -> ()
    %barrier3A = arith.constant 0 : index
    tpu.barrier barrier_id(%barrier3A)
    %run_scoped3A = arith.constant 0 : i32
    "tpu.region"() ({
      %run_scoped3A_73 = tpu.sem_alloc : memref<!tpu.dma_semaphore, #tpu.memory_space<semaphore_mem>>
      %dma_start3A_74 = arith.constant 0 : i32
      %dma_start3A_75 = arith.constant 0 : i32
      %dma_start3A_76 = tpu.memref_slice %arg3[%run_scoped3A, %add3A, %dma_start3A_74, %dma_start3A_75] : memref<2x32x50x200xi32, #tpu.memory_space<hbm>> -> memref<1x1x50x200xi32, #tpu.memory_space<hbm>>
      %dma_start3A_77 = tpu.memref_squeeze %dma_start3A_76 : memref<1x1x50x200xi32, #tpu.memory_space<hbm>> -> memref<50x200xi32, #tpu.memory_space<hbm>>
      %dma_start3A_78 = arith.constant 0 : i32
      %dma_start3A_79 = arith.constant 0 : i32
      %dma_start3A_80 = tpu.memref_slice %arg3[%run_scoped3A, %add3A, %dma_start3A_78, %dma_start3A_79] : memref<2x32x50x200xi32, #tpu.memory_space<hbm>> -> memref<1x1x50x200xi32, #tpu.memory_space<hbm>>
      %dma_start3A_81 = tpu.memref_squeeze %dma_start3A_80 : memref<1x1x50x200xi32, #tpu.memory_space<hbm>> -> memref<50x200xi32, #tpu.memory_space<hbm>>
      tpu.enqueue_dma source(%dma_start3A_81 : memref<50x200xi32, #tpu.memory_space<hbm>>) target(%arg9 : memref<50x200xi32, #tpu.memory_space<vmem>>) target_semaphore(%run_scoped3A_73 : memref<!tpu.dma_semaphore, #tpu.memory_space<semaphore_mem>>)
      %dma_wait3A = arith.constant 0 : i32
      %dma_wait3A_82 = arith.constant 0 : i32
      %dma_wait3A_83 = tpu.memref_slice %arg3[%run_scoped3A, %add3A, %dma_wait3A, %dma_wait3A_82] : memref<2x32x50x200xi32, #tpu.memory_space<hbm>> -> memref<1x1x50x200xi32, #tpu.memory_space<hbm>>
      %dma_wait3A_84 = tpu.memref_squeeze %dma_wait3A_83 : memref<1x1x50x200xi32, #tpu.memory_space<hbm>> -> memref<50x200xi32, #tpu.memory_space<hbm>>
      %dma_wait3A_85 = arith.constant 0 : i32
      %dma_wait3A_86 = arith.constant 0 : i32
      %dma_wait3A_87 = tpu.memref_slice %arg3[%run_scoped3A, %add3A, %dma_wait3A_85, %dma_wait3A_86] : memref<2x32x50x200xi32, #tpu.memory_space<hbm>> -> memref<1x1x50x200xi32, #tpu.memory_space<hbm>>
      %dma_wait3A_88 = tpu.memref_squeeze %dma_wait3A_87 : memref<1x1x50x200xi32, #tpu.memory_space<hbm>> -> memref<50x200xi32, #tpu.memory_space<hbm>>
      tpu.wait_dma2 semaphore(%run_scoped3A_73 : memref<!tpu.dma_semaphore, #tpu.memory_space<semaphore_mem>>) src(%dma_wait3A_88 : memref<50x200xi32, #tpu.memory_space<hbm>>) dst(%arg9 : memref<50x200xi32, #tpu.memory_space<vmem>>)
      tpu.yield
    }) : () -> ()
    %run_scoped3A_5 = arith.constant 1 : i32
    "tpu.region"() ({
      %run_scoped3A_73 = tpu.sem_alloc : memref<!tpu.dma_semaphore, #tpu.memory_space<semaphore_mem>>
      %dma_start3A_74 = arith.constant 0 : i32
      %dma_start3A_75 = arith.constant 0 : i32
      %dma_start3A_76 = tpu.memref_slice %arg3[%run_scoped3A_5, %add3A, %dma_start3A_74, %dma_start3A_75] : memref<2x32x50x200xi32, #tpu.memory_space<hbm>> -> memref<1x1x50x200xi32, #tpu.memory_space<hbm>>
      %dma_start3A_77 = tpu.memref_squeeze %dma_start3A_76 : memref<1x1x50x200xi32, #tpu.memory_space<hbm>> -> memref<50x200xi32, #tpu.memory_space<hbm>>
      %dma_start3A_78 = arith.constant 0 : i32
      %dma_start3A_79 = arith.constant 0 : i32
      %dma_start3A_80 = tpu.memref_slice %arg3[%run_scoped3A_5, %add3A, %dma_start3A_78, %dma_start3A_79] : memref<2x32x50x200xi32, #tpu.memory_space<hbm>> -> memref<1x1x50x200xi32, #tpu.memory_space<hbm>>
      %dma_start3A_81 = tpu.memref_squeeze %dma_start3A_80 : memref<1x1x50x200xi32, #tpu.memory_space<hbm>> -> memref<50x200xi32, #tpu.memory_space<hbm>>
      tpu.enqueue_dma source(%dma_start3A_81 : memref<50x200xi32, #tpu.memory_space<hbm>>) target(%arg10 : memref<50x200xi32, #tpu.memory_space<vmem>>) target_semaphore(%run_scoped3A_73 : memref<!tpu.dma_semaphore, #tpu.memory_space<semaphore_mem>>)
      %dma_wait3A = arith.constant 0 : i32
      %dma_wait3A_82 = arith.constant 0 : i32
      %dma_wait3A_83 = tpu.memref_slice %arg3[%run_scoped3A_5, %add3A, %dma_wait3A, %dma_wait3A_82] : memref<2x32x50x200xi32, #tpu.memory_space<hbm>> -> memref<1x1x50x200xi32, #tpu.memory_space<hbm>>
      %dma_wait3A_84 = tpu.memref_squeeze %dma_wait3A_83 : memref<1x1x50x200xi32, #tpu.memory_space<hbm>> -> memref<50x200xi32, #tpu.memory_space<hbm>>
      %dma_wait3A_85 = arith.constant 0 : i32
      %dma_wait3A_86 = arith.constant 0 : i32
      %dma_wait3A_87 = tpu.memref_slice %arg3[%run_scoped3A_5, %add3A, %dma_wait3A_85, %dma_wait3A_86] : memref<2x32x50x200xi32, #tpu.memory_space<hbm>> -> memref<1x1x50x200xi32, #tpu.memory_space<hbm>>
      %dma_wait3A_88 = tpu.memref_squeeze %dma_wait3A_87 : memref<1x1x50x200xi32, #tpu.memory_space<hbm>> -> memref<50x200xi32, #tpu.memory_space<hbm>>
      tpu.wait_dma2 semaphore(%run_scoped3A_73 : memref<!tpu.dma_semaphore, #tpu.memory_space<semaphore_mem>>) src(%dma_wait3A_88 : memref<50x200xi32, #tpu.memory_space<hbm>>) dst(%arg10 : memref<50x200xi32, #tpu.memory_space<vmem>>)
      tpu.yield
    }) : () -> ()
    %rem3A = arith.constant 0 : i32
    %rem3A_6 = arith.constant 4 : i32
    %rem3A_7 = arith.remsi %rem3A, %rem3A_6 : i32
    %rem3A_8 = arith.constant 0 : i32
    %rem3A_9 = arith.constant 4 : i32
    %rem3A_10 = arith.remsi %rem3A_8, %rem3A_9 : i32
    %dma_start3A = arith.constant 0 : i32
    %dma_start3A_11 = arith.constant 0 : i32
    %dma_start3A_12 = arith.constant 0 : i32
    %dma_start3A_13 = tpu.memref_slice %arg11[%rem3A_7, %dma_start3A_11, %dma_start3A_12] : memref<4x200x64xf32, #tpu.memory_space<vmem>> -> memref<1x200x64xf32, #tpu.memory_space<vmem>>
    %dma_start3A_14 = tpu.memref_squeeze %dma_start3A_13 : memref<1x200x64xf32, #tpu.memory_space<vmem>> -> memref<200x64xf32, #tpu.memory_space<vmem>>
    %dma_start3A_15 = arith.constant 0 : i32
    %dma_start3A_16 = tpu.memref_slice %arg9[%dma_start3A, %dma_start3A_15] : memref<50x200xi32, #tpu.memory_space<vmem>> -> memref<1x200xi32, #tpu.memory_space<vmem>>
    %dma_start3A_17 = tpu.memref_squeeze %dma_start3A_16 : memref<1x200xi32, #tpu.memory_space<vmem>> -> memref<200xi32, #tpu.memory_space<vmem>>
    %dma_start3A_18 = arith.constant 0 : i32
    %dma_start3A_19 = arith.constant 0 : i32
    %dma_start3A_20 = tpu.memref_slice %arg2[%dma_start3A_18, %dma_start3A_19] : memref<10240x64xf32, #tpu.memory_space<hbm>> -> memref<10240x64xf32, #tpu.memory_space<hbm>>
    %dma_start3A_21 = tpu.memref_slice %arg13[%rem3A_10] : memref<4x!tpu.dma_semaphore, #tpu.memory_space<semaphore_mem>> -> memref<1x!tpu.dma_semaphore, #tpu.memory_space<semaphore_mem>>
    %dma_start3A_22 = tpu.memref_squeeze %dma_start3A_21 : memref<1x!tpu.dma_semaphore, #tpu.memory_space<semaphore_mem>> -> memref<!tpu.dma_semaphore, #tpu.memory_space<semaphore_mem>>
    tpu.enqueue_indirect_dma source(%dma_start3A_20 : memref<10240x64xf32, #tpu.memory_space<hbm>>) target(%dma_start3A_14 : memref<200x64xf32, #tpu.memory_space<vmem>>) offsets(%dma_start3A_17 : memref<200xi32, #tpu.memory_space<vmem>>) semaphore(%dma_start3A_22 : memref<!tpu.dma_semaphore, #tpu.memory_space<semaphore_mem>>)
    %rem3A_23 = arith.constant 1 : i32
    %rem3A_24 = arith.constant 4 : i32
    %rem3A_25 = arith.remsi %rem3A_23, %rem3A_24 : i32
    %rem3A_26 = arith.constant 1 : i32
    %rem3A_27 = arith.constant 4 : i32
    %rem3A_28 = arith.remsi %rem3A_26, %rem3A_27 : i32
    %dma_start3A_29 = arith.constant 1 : i32
    %dma_start3A_30 = arith.constant 0 : i32
    %dma_start3A_31 = arith.constant 0 : i32
    %dma_start3A_32 = tpu.memref_slice %arg11[%rem3A_25, %dma_start3A_30, %dma_start3A_31] : memref<4x200x64xf32, #tpu.memory_space<vmem>> -> memref<1x200x64xf32, #tpu.memory_space<vmem>>
    %dma_start3A_33 = tpu.memref_squeeze %dma_start3A_32 : memref<1x200x64xf32, #tpu.memory_space<vmem>> -> memref<200x64xf32, #tpu.memory_space<vmem>>
    %dma_start3A_34 = arith.constant 0 : i32
    %dma_start3A_35 = tpu.memref_slice %arg9[%dma_start3A_29, %dma_start3A_34] : memref<50x200xi32, #tpu.memory_space<vmem>> -> memref<1x200xi32, #tpu.memory_space<vmem>>
    %dma_start3A_36 = tpu.memref_squeeze %dma_start3A_35 : memref<1x200xi32, #tpu.memory_space<vmem>> -> memref<200xi32, #tpu.memory_space<vmem>>
    %dma_start3A_37 = arith.constant 0 : i32
    %dma_start3A_38 = arith.constant 0 : i32
    %dma_start3A_39 = tpu.memref_slice %arg2[%dma_start3A_37, %dma_start3A_38] : memref<10240x64xf32, #tpu.memory_space<hbm>> -> memref<10240x64xf32, #tpu.memory_space<hbm>>
    %dma_start3A_40 = tpu.memref_slice %arg13[%rem3A_28] : memref<4x!tpu.dma_semaphore, #tpu.memory_space<semaphore_mem>> -> memref<1x!tpu.dma_semaphore, #tpu.memory_space<semaphore_mem>>
    %dma_start3A_41 = tpu.memref_squeeze %dma_start3A_40 : memref<1x!tpu.dma_semaphore, #tpu.memory_space<semaphore_mem>> -> memref<!tpu.dma_semaphore, #tpu.memory_space<semaphore_mem>>
    tpu.enqueue_indirect_dma source(%dma_start3A_39 : memref<10240x64xf32, #tpu.memory_space<hbm>>) target(%dma_start3A_33 : memref<200x64xf32, #tpu.memory_space<vmem>>) offsets(%dma_start3A_36 : memref<200xi32, #tpu.memory_space<vmem>>) semaphore(%dma_start3A_41 : memref<!tpu.dma_semaphore, #tpu.memory_space<semaphore_mem>>)
    %rem3A_42 = arith.constant 2 : i32
    %rem3A_43 = arith.constant 4 : i32
    %rem3A_44 = arith.remsi %rem3A_42, %rem3A_43 : i32
    %rem3A_45 = arith.constant 2 : i32
    %rem3A_46 = arith.constant 4 : i32
    %rem3A_47 = arith.remsi %rem3A_45, %rem3A_46 : i32
    %dma_start3A_48 = arith.constant 2 : i32
    %dma_start3A_49 = arith.constant 0 : i32
    %dma_start3A_50 = arith.constant 0 : i32
    %dma_start3A_51 = tpu.memref_slice %arg11[%rem3A_44, %dma_start3A_49, %dma_start3A_50] : memref<4x200x64xf32, #tpu.memory_space<vmem>> -> memref<1x200x64xf32, #tpu.memory_space<vmem>>
    %dma_start3A_52 = tpu.memref_squeeze %dma_start3A_51 : memref<1x200x64xf32, #tpu.memory_space<vmem>> -> memref<200x64xf32, #tpu.memory_space<vmem>>
    %dma_start3A_53 = arith.constant 0 : i32
    %dma_start3A_54 = tpu.memref_slice %arg9[%dma_start3A_48, %dma_start3A_53] : memref<50x200xi32, #tpu.memory_space<vmem>> -> memref<1x200xi32, #tpu.memory_space<vmem>>
    %dma_start3A_55 = tpu.memref_squeeze %dma_start3A_54 : memref<1x200xi32, #tpu.memory_space<vmem>> -> memref<200xi32, #tpu.memory_space<vmem>>
    %dma_start3A_56 = arith.constant 0 : i32
    %dma_start3A_57 = arith.constant 0 : i32
    %dma_start3A_58 = tpu.memref_slice %arg2[%dma_start3A_56, %dma_start3A_57] : memref<10240x64xf32, #tpu.memory_space<hbm>> -> memref<10240x64xf32, #tpu.memory_space<hbm>>
    %dma_start3A_59 = tpu.memref_slice %arg13[%rem3A_47] : memref<4x!tpu.dma_semaphore, #tpu.memory_space<semaphore_mem>> -> memref<1x!tpu.dma_semaphore, #tpu.memory_space<semaphore_mem>>
    %dma_start3A_60 = tpu.memref_squeeze %dma_start3A_59 : memref<1x!tpu.dma_semaphore, #tpu.memory_space<semaphore_mem>> -> memref<!tpu.dma_semaphore, #tpu.memory_space<semaphore_mem>>
    tpu.enqueue_indirect_dma source(%dma_start3A_58 : memref<10240x64xf32, #tpu.memory_space<hbm>>) target(%dma_start3A_52 : memref<200x64xf32, #tpu.memory_space<vmem>>) offsets(%dma_start3A_55 : memref<200xi32, #tpu.memory_space<vmem>>) semaphore(%dma_start3A_60 : memref<!tpu.dma_semaphore, #tpu.memory_space<semaphore_mem>>)
    "tpu.region"() ({
      %run_scoped3A_73 = tpu.sem_alloc : memref<!tpu.dma_semaphore, #tpu.memory_space<semaphore_mem>>
      %dma_start3A_74 = arith.constant 0 : i32
      %dma_start3A_75 = tpu.memref_slice %arg6[%add3A, %dma_start3A_74] : memref<32x80xi32, #tpu.memory_space<hbm>> -> memref<1x80xi32, #tpu.memory_space<hbm>>
      %dma_start3A_76 = tpu.memref_squeeze %dma_start3A_75 : memref<1x80xi32, #tpu.memory_space<hbm>> -> memref<80xi32, #tpu.memory_space<hbm>>
      %dma_start3A_77 = arith.constant 0 : i32
      %dma_start3A_78 = tpu.memref_slice %arg6[%add3A, %dma_start3A_77] : memref<32x80xi32, #tpu.memory_space<hbm>> -> memref<1x80xi32, #tpu.memory_space<hbm>>
      %dma_start3A_79 = tpu.memref_squeeze %dma_start3A_78 : memref<1x80xi32, #tpu.memory_space<hbm>> -> memref<80xi32, #tpu.memory_space<hbm>>
      tpu.enqueue_dma source(%dma_start3A_79 : memref<80xi32, #tpu.memory_space<hbm>>) target(%arg14 : memref<80xi32, #tpu.memory_space<vmem>>) target_semaphore(%run_scoped3A_73 : memref<!tpu.dma_semaphore, #tpu.memory_space<semaphore_mem>>)
      %dma_wait3A = arith.constant 0 : i32
      %dma_wait3A_80 = tpu.memref_slice %arg6[%add3A, %dma_wait3A] : memref<32x80xi32, #tpu.memory_space<hbm>> -> memref<1x80xi32, #tpu.memory_space<hbm>>
      %dma_wait3A_81 = tpu.memref_squeeze %dma_wait3A_80 : memref<1x80xi32, #tpu.memory_space<hbm>> -> memref<80xi32, #tpu.memory_space<hbm>>
      %dma_wait3A_82 = arith.constant 0 : i32
      %dma_wait3A_83 = tpu.memref_slice %arg6[%add3A, %dma_wait3A_82] : memref<32x80xi32, #tpu.memory_space<hbm>> -> memref<1x80xi32, #tpu.memory_space<hbm>>
      %dma_wait3A_84 = tpu.memref_squeeze %dma_wait3A_83 : memref<1x80xi32, #tpu.memory_space<hbm>> -> memref<80xi32, #tpu.memory_space<hbm>>
      tpu.wait_dma2 semaphore(%run_scoped3A_73 : memref<!tpu.dma_semaphore, #tpu.memory_space<semaphore_mem>>) src(%dma_wait3A_84 : memref<80xi32, #tpu.memory_space<hbm>>) dst(%arg14 : memref<80xi32, #tpu.memory_space<vmem>>)
      tpu.yield
    }) : () -> ()
    "tpu.region"() ({
      %run_scoped3A_73 = tpu.sem_alloc : memref<!tpu.dma_semaphore, #tpu.memory_space<semaphore_mem>>
      %dma_start3A_74 = arith.constant 0 : i32
      %dma_start3A_75 = arith.constant 0 : i32
      %dma_start3A_76 = tpu.memref_slice %arg5[%dma_start3A_74, %dma_start3A_75] : memref<10240x64xf32, #tpu.memory_space<hbm>> -> memref<10240x64xf32, #tpu.memory_space<hbm>>
      tpu.enqueue_indirect_dma source(%dma_start3A_76 : memref<10240x64xf32, #tpu.memory_space<hbm>>) target(%arg15 : memref<80x64xf32, #tpu.memory_space<vmem>>) offsets(%arg14 : memref<80xi32, #tpu.memory_space<vmem>>) semaphore(%run_scoped3A_73 : memref<!tpu.dma_semaphore, #tpu.memory_space<semaphore_mem>>)
      %dma_wait3A = arith.constant 0 : i32
      %dma_wait3A_77 = arith.constant 0 : i32
      %dma_wait3A_78 = tpu.memref_slice %arg5[%dma_wait3A, %dma_wait3A_77] : memref<10240x64xf32, #tpu.memory_space<hbm>> -> memref<10240x64xf32, #tpu.memory_space<hbm>>
      tpu.wait_indirect_dma semaphore(%run_scoped3A_73 : memref<!tpu.dma_semaphore, #tpu.memory_space<semaphore_mem>>) src(%dma_wait3A_78 : memref<10240x64xf32, #tpu.memory_space<hbm>>) dst(%arg15 : memref<80x64xf32, #tpu.memory_space<vmem>>)
      tpu.yield
    }) : () -> ()
    %mul3A_61 = arith.constant 80 : i32
    %mul3A_62 = arith.muli %add3A, %mul3A_61 : i32
    "tpu.region"() ({
      %run_scoped3A_73 = tpu.sem_alloc : memref<!tpu.dma_semaphore, #tpu.memory_space<semaphore_mem>>
      %dma_start3A_74 = arith.constant 0 : i32
      %dma_start3A_75 = tpu.memref_slice %arg8[%mul3A_62, %dma_start3A_74] : memref<2560x64xf32, #tpu.memory_space<hbm>> -> memref<80x64xf32, #tpu.memory_space<hbm>>
      %dma_start3A_76 = arith.constant 0 : i32
      %dma_start3A_77 = tpu.memref_slice %arg8[%mul3A_62, %dma_start3A_76] : memref<2560x64xf32, #tpu.memory_space<hbm>> -> memref<80x64xf32, #tpu.memory_space<hbm>>
      tpu.enqueue_dma source(%arg15 : memref<80x64xf32, #tpu.memory_space<vmem>>) target(%dma_start3A_77 : memref<80x64xf32, #tpu.memory_space<hbm>>) target_semaphore(%run_scoped3A_73 : memref<!tpu.dma_semaphore, #tpu.memory_space<semaphore_mem>>)
      %dma_wait3A = arith.constant 0 : i32
      %dma_wait3A_78 = tpu.memref_slice %arg8[%mul3A_62, %dma_wait3A] : memref<2560x64xf32, #tpu.memory_space<hbm>> -> memref<80x64xf32, #tpu.memory_space<hbm>>
      %dma_wait3A_79 = arith.constant 0 : i32
      %dma_wait3A_80 = tpu.memref_slice %arg8[%mul3A_62, %dma_wait3A_79] : memref<2560x64xf32, #tpu.memory_space<hbm>> -> memref<80x64xf32, #tpu.memory_space<hbm>>
      tpu.wait_dma2 semaphore(%run_scoped3A_73 : memref<!tpu.dma_semaphore, #tpu.memory_space<semaphore_mem>>) src(%arg15 : memref<80x64xf32, #tpu.memory_space<vmem>>) dst(%dma_wait3A_80 : memref<80x64xf32, #tpu.memory_space<hbm>>)
      tpu.yield
    }) : () -> ()
    %scan3A = arith.constant 0 : i32
    %scan3A_63 = arith.constant 0 : i32
    %scan3A_64 = arith.constant 50 : i32
    %scan3A_65 = arith.addi %scan3A_63, %scan3A_64 : i32
    %scan3A_66 = arith.constant 1 : i32
    scf.for %scan3A_73 = %scan3A_63 to %scan3A_65 step %scan3A_66  : i32 {
      %add3A_74 = arith.constant 3 : i32
      %add3A_75 = arith.addi %scan3A_73, %add3A_74 : i32
      %lt3A = arith.constant 50 : i32
      %lt3A_76 = arith.cmpi slt, %add3A_75, %lt3A : i32
      %convert_element_type3A = arith.extui %lt3A_76 : i1 to i32
      %cond3A = arith.constant 0 : i32
      %cond3A_77 = arith.cmpi ne, %convert_element_type3A, %cond3A : i32
      scf.if %cond3A_77 {
        %add3A_95 = arith.constant 3 : i32
        %add3A_96 = arith.addi %scan3A_73, %add3A_95 : i32
        %rem3A_97 = arith.constant 4 : i32
        %rem3A_98 = arith.remsi %add3A_96, %rem3A_97 : i32
        %rem3A_99 = arith.constant 4 : i32
        %rem3A_100 = arith.remsi %add3A_96, %rem3A_99 : i32
        %dma_start3A_101 = arith.constant 0 : i32
        %dma_start3A_102 = arith.constant 0 : i32
        %dma_start3A_103 = tpu.memref_slice %arg11[%rem3A_98, %dma_start3A_101, %dma_start3A_102] : memref<4x200x64xf32, #tpu.memory_space<vmem>> -> memref<1x200x64xf32, #tpu.memory_space<vmem>>
        %dma_start3A_104 = tpu.memref_squeeze %dma_start3A_103 : memref<1x200x64xf32, #tpu.memory_space<vmem>> -> memref<200x64xf32, #tpu.memory_space<vmem>>
        %dma_start3A_105 = arith.constant 0 : i32
        %dma_start3A_106 = tpu.memref_slice %arg9[%add3A_96, %dma_start3A_105] : memref<50x200xi32, #tpu.memory_space<vmem>> -> memref<1x200xi32, #tpu.memory_space<vmem>>
        %dma_start3A_107 = tpu.memref_squeeze %dma_start3A_106 : memref<1x200xi32, #tpu.memory_space<vmem>> -> memref<200xi32, #tpu.memory_space<vmem>>
        %dma_start3A_108 = arith.constant 0 : i32
        %dma_start3A_109 = arith.constant 0 : i32
        %dma_start3A_110 = tpu.memref_slice %arg2[%dma_start3A_108, %dma_start3A_109] : memref<10240x64xf32, #tpu.memory_space<hbm>> -> memref<10240x64xf32, #tpu.memory_space<hbm>>
        %dma_start3A_111 = tpu.memref_slice %arg13[%rem3A_100] : memref<4x!tpu.dma_semaphore, #tpu.memory_space<semaphore_mem>> -> memref<1x!tpu.dma_semaphore, #tpu.memory_space<semaphore_mem>>
        %dma_start3A_112 = tpu.memref_squeeze %dma_start3A_111 : memref<1x!tpu.dma_semaphore, #tpu.memory_space<semaphore_mem>> -> memref<!tpu.dma_semaphore, #tpu.memory_space<semaphore_mem>>
        tpu.enqueue_indirect_dma source(%dma_start3A_110 : memref<10240x64xf32, #tpu.memory_space<hbm>>) target(%dma_start3A_104 : memref<200x64xf32, #tpu.memory_space<vmem>>) offsets(%dma_start3A_107 : memref<200xi32, #tpu.memory_space<vmem>>) semaphore(%dma_start3A_112 : memref<!tpu.dma_semaphore, #tpu.memory_space<semaphore_mem>>)
      } else {
      }
      %rem3A_78 = arith.constant 4 : i32
      %rem3A_79 = arith.remsi %scan3A_73, %rem3A_78 : i32
      %rem3A_80 = arith.constant 4 : i32
      %rem3A_81 = arith.remsi %scan3A_73, %rem3A_80 : i32
      %dma_wait3A = arith.constant 0 : i32
      %dma_wait3A_82 = arith.constant 0 : i32
      %dma_wait3A_83 = tpu.memref_slice %arg11[%rem3A_79, %dma_wait3A, %dma_wait3A_82] : memref<4x200x64xf32, #tpu.memory_space<vmem>> -> memref<1x200x64xf32, #tpu.memory_space<vmem>>
      %dma_wait3A_84 = tpu.memref_squeeze %dma_wait3A_83 : memref<1x200x64xf32, #tpu.memory_space<vmem>> -> memref<200x64xf32, #tpu.memory_space<vmem>>
      %dma_wait3A_85 = arith.constant 0 : i32
      %dma_wait3A_86 = tpu.memref_slice %arg9[%scan3A_73, %dma_wait3A_85] : memref<50x200xi32, #tpu.memory_space<vmem>> -> memref<1x200xi32, #tpu.memory_space<vmem>>
      %dma_wait3A_87 = tpu.memref_squeeze %dma_wait3A_86 : memref<1x200xi32, #tpu.memory_space<vmem>> -> memref<200xi32, #tpu.memory_space<vmem>>
      %dma_wait3A_88 = arith.constant 0 : i32
      %dma_wait3A_89 = arith.constant 0 : i32
      %dma_wait3A_90 = tpu.memref_slice %arg2[%dma_wait3A_88, %dma_wait3A_89] : memref<10240x64xf32, #tpu.memory_space<hbm>> -> memref<10240x64xf32, #tpu.memory_space<hbm>>
      %dma_wait3A_91 = tpu.memref_slice %arg13[%rem3A_81] : memref<4x!tpu.dma_semaphore, #tpu.memory_space<semaphore_mem>> -> memref<1x!tpu.dma_semaphore, #tpu.memory_space<semaphore_mem>>
      %dma_wait3A_92 = tpu.memref_squeeze %dma_wait3A_91 : memref<1x!tpu.dma_semaphore, #tpu.memory_space<semaphore_mem>> -> memref<!tpu.dma_semaphore, #tpu.memory_space<semaphore_mem>>
      tpu.wait_indirect_dma semaphore(%dma_wait3A_92 : memref<!tpu.dma_semaphore, #tpu.memory_space<semaphore_mem>>) src(%dma_wait3A_90 : memref<10240x64xf32, #tpu.memory_space<hbm>>) dst(%dma_wait3A_84 : memref<200x64xf32, #tpu.memory_space<vmem>>)
      %rem3A_93 = arith.constant 4 : i32
      %rem3A_94 = arith.remsi %scan3A_73, %rem3A_93 : i32
      "tpu.region"() ({
        %run_scoped3A_95 = tpu.sem_alloc : memref<!tpu.dma_semaphore, #tpu.memory_space<semaphore_mem>>
        %dma_start3A_96 = arith.constant 0 : i32
        %dma_start3A_97 = arith.constant 0 : i32
        %dma_start3A_98 = tpu.memref_slice %arg11[%rem3A_94, %dma_start3A_96, %dma_start3A_97] : memref<4x200x64xf32, #tpu.memory_space<vmem>> -> memref<1x200x64xf32, #tpu.memory_space<vmem>>
        %dma_start3A_99 = tpu.memref_squeeze %dma_start3A_98 : memref<1x200x64xf32, #tpu.memory_space<vmem>> -> memref<200x64xf32, #tpu.memory_space<vmem>>
        %dma_start3A_100 = arith.constant 0 : i32
        %dma_start3A_101 = tpu.memref_slice %arg10[%scan3A_73, %dma_start3A_100] : memref<50x200xi32, #tpu.memory_space<vmem>> -> memref<1x200xi32, #tpu.memory_space<vmem>>
        %dma_start3A_102 = tpu.memref_squeeze %dma_start3A_101 : memref<1x200xi32, #tpu.memory_space<vmem>> -> memref<200xi32, #tpu.memory_space<vmem>>
        %dma_start3A_103 = arith.constant 0 : i32
        %dma_start3A_104 = arith.constant 0 : i32
        %dma_start3A_105 = tpu.memref_slice %arg12[%dma_start3A_103, %dma_start3A_104] : memref<10240x64xf32, #tpu.memory_space<vmem_shared>> -> memref<10240x64xf32, #tpu.memory_space<vmem_shared>>
        tpu.enqueue_indirect_dma source(%dma_start3A_99 : memref<200x64xf32, #tpu.memory_space<vmem>>) target(%dma_start3A_105 : memref<10240x64xf32, #tpu.memory_space<vmem_shared>>) offsets(%dma_start3A_102 : memref<200xi32, #tpu.memory_space<vmem>>) semaphore(%run_scoped3A_95 : memref<!tpu.dma_semaphore, #tpu.memory_space<semaphore_mem>>) {add = true}
        %dma_wait3A_106 = arith.constant 0 : i32
        %dma_wait3A_107 = arith.constant 0 : i32
        %dma_wait3A_108 = tpu.memref_slice %arg11[%rem3A_94, %dma_wait3A_106, %dma_wait3A_107] : memref<4x200x64xf32, #tpu.memory_space<vmem>> -> memref<1x200x64xf32, #tpu.memory_space<vmem>>
        %dma_wait3A_109 = tpu.memref_squeeze %dma_wait3A_108 : memref<1x200x64xf32, #tpu.memory_space<vmem>> -> memref<200x64xf32, #tpu.memory_space<vmem>>
        %dma_wait3A_110 = arith.constant 0 : i32
        %dma_wait3A_111 = tpu.memref_slice %arg10[%scan3A_73, %dma_wait3A_110] : memref<50x200xi32, #tpu.memory_space<vmem>> -> memref<1x200xi32, #tpu.memory_space<vmem>>
        %dma_wait3A_112 = tpu.memref_squeeze %dma_wait3A_111 : memref<1x200xi32, #tpu.memory_space<vmem>> -> memref<200xi32, #tpu.memory_space<vmem>>
        %dma_wait3A_113 = arith.constant 0 : i32
        %dma_wait3A_114 = arith.constant 0 : i32
        %dma_wait3A_115 = tpu.memref_slice %arg12[%dma_wait3A_113, %dma_wait3A_114] : memref<10240x64xf32, #tpu.memory_space<vmem_shared>> -> memref<10240x64xf32, #tpu.memory_space<vmem_shared>>
        tpu.wait_indirect_dma semaphore(%run_scoped3A_95 : memref<!tpu.dma_semaphore, #tpu.memory_space<semaphore_mem>>) src(%dma_wait3A_109 : memref<200x64xf32, #tpu.memory_space<vmem>>) dst(%dma_wait3A_115 : memref<10240x64xf32, #tpu.memory_space<vmem_shared>>)
        tpu.yield
      }) : () -> ()
    }
    %scan3A_67 = arith.constant 50 : i32
    %barrier3A_68 = arith.constant 0 : index
    tpu.barrier barrier_id(%barrier3A_68)
    %mul3A_69 = arith.constant 640 : i32
    %mul3A_70 = arith.muli %arg1, %mul3A_69 : i32
    %mul3A_71 = arith.constant 640 : i32
    %mul3A_72 = arith.muli %arg1, %mul3A_71 : i32
    "tpu.region"() ({
      %run_scoped3A_73 = tpu.sem_alloc : memref<!tpu.dma_semaphore, #tpu.memory_space<semaphore_mem>>
      %dma_start3A_74 = arith.constant 0 : i32
      %dma_start3A_75 = tpu.memref_slice %arg7[%arg0, %mul3A_72, %dma_start3A_74] : memref<2x10240x64xf32, #tpu.memory_space<hbm>> -> memref<1x640x64xf32, #tpu.memory_space<hbm>>
      %dma_start3A_76 = tpu.memref_squeeze %dma_start3A_75 : memref<1x640x64xf32, #tpu.memory_space<hbm>> -> memref<640x64xf32, #tpu.memory_space<hbm>>
      %dma_start3A_77 = arith.constant 0 : i32
      %dma_start3A_78 = tpu.memref_slice %arg12[%mul3A_70, %dma_start3A_77] : memref<10240x64xf32, #tpu.memory_space<vmem_shared>> -> memref<640x64xf32, #tpu.memory_space<vmem_shared>>
      tpu.enqueue_dma source(%dma_start3A_78 : memref<640x64xf32, #tpu.memory_space<vmem_shared>>) target(%dma_start3A_76 : memref<640x64xf32, #tpu.memory_space<hbm>>) target_semaphore(%run_scoped3A_73 : memref<!tpu.dma_semaphore, #tpu.memory_space<semaphore_mem>>)
      %dma_wait3A = arith.constant 0 : i32
      %dma_wait3A_79 = tpu.memref_slice %arg7[%arg0, %mul3A_72, %dma_wait3A] : memref<2x10240x64xf32, #tpu.memory_space<hbm>> -> memref<1x640x64xf32, #tpu.memory_space<hbm>>
      %dma_wait3A_80 = tpu.memref_squeeze %dma_wait3A_79 : memref<1x640x64xf32, #tpu.memory_space<hbm>> -> memref<640x64xf32, #tpu.memory_space<hbm>>
      %dma_wait3A_81 = arith.constant 0 : i32
      %dma_wait3A_82 = tpu.memref_slice %arg12[%mul3A_70, %dma_wait3A_81] : memref<10240x64xf32, #tpu.memory_space<vmem_shared>> -> memref<640x64xf32, #tpu.memory_space<vmem_shared>>
      tpu.wait_dma2 semaphore(%run_scoped3A_73 : memref<!tpu.dma_semaphore, #tpu.memory_space<semaphore_mem>>) src(%dma_wait3A_82 : memref<640x64xf32, #tpu.memory_space<vmem_shared>>) dst(%dma_wait3A_80 : memref<640x64xf32, #tpu.memory_space<hbm>>)
      tpu.yield
    }) : () -> ()
    return
  }
}

#map = affine_map<(d0, d1) -> (0, 0)>
#map1 = affine_map<(d0, d1) -> (0, 0, 0, 0)>
#map2 = affine_map<(d0, d1) -> (0, 0, 0)>
module attributes {stable_mosaic.version = 14 : i64} {
  func.func @_sc_scatter_body(%arg0: i32, %arg1: i32, %arg2: memref<10240x64xf32, #tpu.memory_space<hbm>>, %arg3: memref<2x32x50x200xi32, #tpu.memory_space<hbm>>, %arg4: memref<10240x64xf32, #tpu.memory_space<hbm>>, %arg5: memref<10240x64xf32, #tpu.memory_space<hbm>>, %arg6: memref<32x80xi32, #tpu.memory_space<hbm>>, %arg7: memref<2x10240x64xf32, #tpu.memory_space<hbm>>, %arg8: memref<2560x64xf32, #tpu.memory_space<hbm>>, %arg9: memref<50x200xi32, #tpu.memory_space<vmem>>, %arg10: memref<50x200xi32, #tpu.memory_space<vmem>>, %arg11: memref<4x200x64xf32, #tpu.memory_space<vmem>>, %arg12: memref<10240x64xf32, #tpu.memory_space<vmem_shared>>, %arg13: memref<4x!tpu.dma_semaphore, #tpu.memory_space<semaphore_mem>>, %arg14: memref<80xi32, #tpu.memory_space<vmem>>, %arg15: memref<80x64xf32, #tpu.memory_space<vmem>>) attributes {dimension_semantics = [#tpu.dimension_semantics<core_parallel>, #tpu.dimension_semantics<subcore_parallel>], iteration_bounds = array<i64: 2, 16>, scalar_prefetch = 0 : i64, scratch_operands = 7 : i64, tpu.core_type = #tpu.core_type<sc_vector_subcore>, window_params = [{transform_indices = #map}, {transform_indices = #map1}, {transform_indices = #map}, {transform_indices = #map}, {transform_indices = #map}, {transform_indices = #map2}, {transform_indices = #map}]} {
    %mul3A = arith.constant 16 : i32
    %mul3A_0 = arith.muli %arg0, %mul3A : i32
    %add3A = arith.addi %mul3A_0, %arg1 : i32
    %mul3A_1 = arith.constant 640 : i32
    %mul3A_2 = arith.muli %arg1, %mul3A_1 : i32
    %mul3A_3 = arith.constant 640 : i32
    %mul3A_4 = arith.muli %arg1, %mul3A_3 : i32
    "tpu.region"() ({
      %run_scoped3A_73 = tpu.sem_alloc : memref<!tpu.dma_semaphore, #tpu.memory_space<semaphore_mem>>
      %dma_start3A_74 = arith.constant 0 : i32
      %dma_start3A_75 = tpu.memref_slice %arg12[%mul3A_4, %dma_start3A_74] : memref<10240x64xf32, #tpu.memory_space<vmem_shared>> -> memref<640x64xf32, #tpu.memory_space<vmem_shared>>
      %dma_start3A_76 = arith.constant 0 : i32
      %dma_start3A_77 = tpu.memref_slice %arg4[%mul3A_2, %dma_start3A_76] : memref<10240x64xf32, #tpu.memory_space<hbm>> -> memref<640x64xf32, #tpu.memory_space<hbm>>
      tpu.enqueue_dma source(%dma_start3A_77 : memref<640x64xf32, #tpu.memory_space<hbm>>) target(%dma_start3A_75 : memref<640x64xf32, #tpu.memory_space<vmem_shared>>) target_semaphore(%run_scoped3A_73 : memref<!tpu.dma_semaphore, #tpu.memory_space<semaphore_mem>>)
      %dma_wait3A = arith.constant 0 : i32
      %dma_wait3A_78 = tpu.memref_slice %arg12[%mul3A_4, %dma_wait3A] : memref<10240x64xf32, #tpu.memory_space<vmem_shared>> -> memref<640x64xf32, #tpu.memory_space<vmem_shared>>
      %dma_wait3A_79 = arith.constant 0 : i32
      %dma_wait3A_80 = tpu.memref_slice %arg4[%mul3A_2, %dma_wait3A_79] : memref<10240x64xf32, #tpu.memory_space<hbm>> -> memref<640x64xf32, #tpu.memory_space<hbm>>
      tpu.wait_dma2 semaphore(%run_scoped3A_73 : memref<!tpu.dma_semaphore, #tpu.memory_space<semaphore_mem>>) src(%dma_wait3A_80 : memref<640x64xf32, #tpu.memory_space<hbm>>) dst(%dma_wait3A_78 : memref<640x64xf32, #tpu.memory_space<vmem_shared>>)
      tpu.yield
    }) : () -> ()
    %barrier3A = arith.constant 0 : index
    tpu.barrier barrier_id(%barrier3A)
    %run_scoped3A = arith.constant 0 : i32
    "tpu.region"() ({
      %run_scoped3A_73 = tpu.sem_alloc : memref<!tpu.dma_semaphore, #tpu.memory_space<semaphore_mem>>
      %dma_start3A_74 = arith.constant 0 : i32
      %dma_start3A_75 = arith.constant 0 : i32
      %dma_start3A_76 = tpu.memref_slice %arg3[%run_scoped3A, %add3A, %dma_start3A_74, %dma_start3A_75] : memref<2x32x50x200xi32, #tpu.memory_space<hbm>> -> memref<1x1x50x200xi32, #tpu.memory_space<hbm>>
      %dma_start3A_77 = tpu.memref_squeeze %dma_start3A_76 : memref<1x1x50x200xi32, #tpu.memory_space<hbm>> -> memref<50x200xi32, #tpu.memory_space<hbm>>
      %dma_start3A_78 = arith.constant 0 : i32
      %dma_start3A_79 = arith.constant 0 : i32
      %dma_start3A_80 = tpu.memref_slice %arg3[%run_scoped3A, %add3A, %dma_start3A_78, %dma_start3A_79] : memref<2x32x50x200xi32, #tpu.memory_space<hbm>> -> memref<1x1x50x200xi32, #tpu.memory_space<hbm>>
      %dma_start3A_81 = tpu.memref_squeeze %dma_start3A_80 : memref<1x1x50x200xi32, #tpu.memory_space<hbm>> -> memref<50x200xi32, #tpu.memory_space<hbm>>
      tpu.enqueue_dma source(%dma_start3A_81 : memref<50x200xi32, #tpu.memory_space<hbm>>) target(%arg9 : memref<50x200xi32, #tpu.memory_space<vmem>>) target_semaphore(%run_scoped3A_73 : memref<!tpu.dma_semaphore, #tpu.memory_space<semaphore_mem>>)
      %dma_wait3A = arith.constant 0 : i32
      %dma_wait3A_82 = arith.constant 0 : i32
      %dma_wait3A_83 = tpu.memref_slice %arg3[%run_scoped3A, %add3A, %dma_wait3A, %dma_wait3A_82] : memref<2x32x50x200xi32, #tpu.memory_space<hbm>> -> memref<1x1x50x200xi32, #tpu.memory_space<hbm>>
      %dma_wait3A_84 = tpu.memref_squeeze %dma_wait3A_83 : memref<1x1x50x200xi32, #tpu.memory_space<hbm>> -> memref<50x200xi32, #tpu.memory_space<hbm>>
      %dma_wait3A_85 = arith.constant 0 : i32
      %dma_wait3A_86 = arith.constant 0 : i32
      %dma_wait3A_87 = tpu.memref_slice %arg3[%run_scoped3A, %add3A, %dma_wait3A_85, %dma_wait3A_86] : memref<2x32x50x200xi32, #tpu.memory_space<hbm>> -> memref<1x1x50x200xi32, #tpu.memory_space<hbm>>
      %dma_wait3A_88 = tpu.memref_squeeze %dma_wait3A_87 : memref<1x1x50x200xi32, #tpu.memory_space<hbm>> -> memref<50x200xi32, #tpu.memory_space<hbm>>
      tpu.wait_dma2 semaphore(%run_scoped3A_73 : memref<!tpu.dma_semaphore, #tpu.memory_space<semaphore_mem>>) src(%dma_wait3A_88 : memref<50x200xi32, #tpu.memory_space<hbm>>) dst(%arg9 : memref<50x200xi32, #tpu.memory_space<vmem>>)
      tpu.yield
    }) : () -> ()
    %run_scoped3A_5 = arith.constant 1 : i32
    "tpu.region"() ({
      %run_scoped3A_73 = tpu.sem_alloc : memref<!tpu.dma_semaphore, #tpu.memory_space<semaphore_mem>>
      %dma_start3A_74 = arith.constant 0 : i32
      %dma_start3A_75 = arith.constant 0 : i32
      %dma_start3A_76 = tpu.memref_slice %arg3[%run_scoped3A_5, %add3A, %dma_start3A_74, %dma_start3A_75] : memref<2x32x50x200xi32, #tpu.memory_space<hbm>> -> memref<1x1x50x200xi32, #tpu.memory_space<hbm>>
      %dma_start3A_77 = tpu.memref_squeeze %dma_start3A_76 : memref<1x1x50x200xi32, #tpu.memory_space<hbm>> -> memref<50x200xi32, #tpu.memory_space<hbm>>
      %dma_start3A_78 = arith.constant 0 : i32
      %dma_start3A_79 = arith.constant 0 : i32
      %dma_start3A_80 = tpu.memref_slice %arg3[%run_scoped3A_5, %add3A, %dma_start3A_78, %dma_start3A_79] : memref<2x32x50x200xi32, #tpu.memory_space<hbm>> -> memref<1x1x50x200xi32, #tpu.memory_space<hbm>>
      %dma_start3A_81 = tpu.memref_squeeze %dma_start3A_80 : memref<1x1x50x200xi32, #tpu.memory_space<hbm>> -> memref<50x200xi32, #tpu.memory_space<hbm>>
      tpu.enqueue_dma source(%dma_start3A_81 : memref<50x200xi32, #tpu.memory_space<hbm>>) target(%arg10 : memref<50x200xi32, #tpu.memory_space<vmem>>) target_semaphore(%run_scoped3A_73 : memref<!tpu.dma_semaphore, #tpu.memory_space<semaphore_mem>>)
      %dma_wait3A = arith.constant 0 : i32
      %dma_wait3A_82 = arith.constant 0 : i32
      %dma_wait3A_83 = tpu.memref_slice %arg3[%run_scoped3A_5, %add3A, %dma_wait3A, %dma_wait3A_82] : memref<2x32x50x200xi32, #tpu.memory_space<hbm>> -> memref<1x1x50x200xi32, #tpu.memory_space<hbm>>
      %dma_wait3A_84 = tpu.memref_squeeze %dma_wait3A_83 : memref<1x1x50x200xi32, #tpu.memory_space<hbm>> -> memref<50x200xi32, #tpu.memory_space<hbm>>
      %dma_wait3A_85 = arith.constant 0 : i32
      %dma_wait3A_86 = arith.constant 0 : i32
      %dma_wait3A_87 = tpu.memref_slice %arg3[%run_scoped3A_5, %add3A, %dma_wait3A_85, %dma_wait3A_86] : memref<2x32x50x200xi32, #tpu.memory_space<hbm>> -> memref<1x1x50x200xi32, #tpu.memory_space<hbm>>
      %dma_wait3A_88 = tpu.memref_squeeze %dma_wait3A_87 : memref<1x1x50x200xi32, #tpu.memory_space<hbm>> -> memref<50x200xi32, #tpu.memory_space<hbm>>
      tpu.wait_dma2 semaphore(%run_scoped3A_73 : memref<!tpu.dma_semaphore, #tpu.memory_space<semaphore_mem>>) src(%dma_wait3A_88 : memref<50x200xi32, #tpu.memory_space<hbm>>) dst(%arg10 : memref<50x200xi32, #tpu.memory_space<vmem>>)
      tpu.yield
    }) : () -> ()
    %rem3A = arith.constant 0 : i32
    %rem3A_6 = arith.constant 4 : i32
    %rem3A_7 = arith.remsi %rem3A, %rem3A_6 : i32
    %rem3A_8 = arith.constant 0 : i32
    %rem3A_9 = arith.constant 4 : i32
    %rem3A_10 = arith.remsi %rem3A_8, %rem3A_9 : i32
    %dma_start3A = arith.constant 0 : i32
    %dma_start3A_11 = arith.constant 0 : i32
    %dma_start3A_12 = arith.constant 0 : i32
    %dma_start3A_13 = tpu.memref_slice %arg11[%rem3A_7, %dma_start3A_11, %dma_start3A_12] : memref<4x200x64xf32, #tpu.memory_space<vmem>> -> memref<1x200x64xf32, #tpu.memory_space<vmem>>
    %dma_start3A_14 = tpu.memref_squeeze %dma_start3A_13 : memref<1x200x64xf32, #tpu.memory_space<vmem>> -> memref<200x64xf32, #tpu.memory_space<vmem>>
    %dma_start3A_15 = arith.constant 0 : i32
    %dma_start3A_16 = tpu.memref_slice %arg9[%dma_start3A, %dma_start3A_15] : memref<50x200xi32, #tpu.memory_space<vmem>> -> memref<1x200xi32, #tpu.memory_space<vmem>>
    %dma_start3A_17 = tpu.memref_squeeze %dma_start3A_16 : memref<1x200xi32, #tpu.memory_space<vmem>> -> memref<200xi32, #tpu.memory_space<vmem>>
    %dma_start3A_18 = arith.constant 0 : i32
    %dma_start3A_19 = arith.constant 0 : i32
    %dma_start3A_20 = tpu.memref_slice %arg2[%dma_start3A_18, %dma_start3A_19] : memref<10240x64xf32, #tpu.memory_space<hbm>> -> memref<10240x64xf32, #tpu.memory_space<hbm>>
    %dma_start3A_21 = tpu.memref_slice %arg13[%rem3A_10] : memref<4x!tpu.dma_semaphore, #tpu.memory_space<semaphore_mem>> -> memref<1x!tpu.dma_semaphore, #tpu.memory_space<semaphore_mem>>
    %dma_start3A_22 = tpu.memref_squeeze %dma_start3A_21 : memref<1x!tpu.dma_semaphore, #tpu.memory_space<semaphore_mem>> -> memref<!tpu.dma_semaphore, #tpu.memory_space<semaphore_mem>>
    tpu.enqueue_indirect_dma source(%dma_start3A_20 : memref<10240x64xf32, #tpu.memory_space<hbm>>) target(%dma_start3A_14 : memref<200x64xf32, #tpu.memory_space<vmem>>) offsets(%dma_start3A_17 : memref<200xi32, #tpu.memory_space<vmem>>) semaphore(%dma_start3A_22 : memref<!tpu.dma_semaphore, #tpu.memory_space<semaphore_mem>>)
    %rem3A_23 = arith.constant 1 : i32
    %rem3A_24 = arith.constant 4 : i32
    %rem3A_25 = arith.remsi %rem3A_23, %rem3A_24 : i32
    %rem3A_26 = arith.constant 1 : i32
    %rem3A_27 = arith.constant 4 : i32
    %rem3A_28 = arith.remsi %rem3A_26, %rem3A_27 : i32
    %dma_start3A_29 = arith.constant 1 : i32
    %dma_start3A_30 = arith.constant 0 : i32
    %dma_start3A_31 = arith.constant 0 : i32
    %dma_start3A_32 = tpu.memref_slice %arg11[%rem3A_25, %dma_start3A_30, %dma_start3A_31] : memref<4x200x64xf32, #tpu.memory_space<vmem>> -> memref<1x200x64xf32, #tpu.memory_space<vmem>>
    %dma_start3A_33 = tpu.memref_squeeze %dma_start3A_32 : memref<1x200x64xf32, #tpu.memory_space<vmem>> -> memref<200x64xf32, #tpu.memory_space<vmem>>
    %dma_start3A_34 = arith.constant 0 : i32
    %dma_start3A_35 = tpu.memref_slice %arg9[%dma_start3A_29, %dma_start3A_34] : memref<50x200xi32, #tpu.memory_space<vmem>> -> memref<1x200xi32, #tpu.memory_space<vmem>>
    %dma_start3A_36 = tpu.memref_squeeze %dma_start3A_35 : memref<1x200xi32, #tpu.memory_space<vmem>> -> memref<200xi32, #tpu.memory_space<vmem>>
    %dma_start3A_37 = arith.constant 0 : i32
    %dma_start3A_38 = arith.constant 0 : i32
    %dma_start3A_39 = tpu.memref_slice %arg2[%dma_start3A_37, %dma_start3A_38] : memref<10240x64xf32, #tpu.memory_space<hbm>> -> memref<10240x64xf32, #tpu.memory_space<hbm>>
    %dma_start3A_40 = tpu.memref_slice %arg13[%rem3A_28] : memref<4x!tpu.dma_semaphore, #tpu.memory_space<semaphore_mem>> -> memref<1x!tpu.dma_semaphore, #tpu.memory_space<semaphore_mem>>
    %dma_start3A_41 = tpu.memref_squeeze %dma_start3A_40 : memref<1x!tpu.dma_semaphore, #tpu.memory_space<semaphore_mem>> -> memref<!tpu.dma_semaphore, #tpu.memory_space<semaphore_mem>>
    tpu.enqueue_indirect_dma source(%dma_start3A_39 : memref<10240x64xf32, #tpu.memory_space<hbm>>) target(%dma_start3A_33 : memref<200x64xf32, #tpu.memory_space<vmem>>) offsets(%dma_start3A_36 : memref<200xi32, #tpu.memory_space<vmem>>) semaphore(%dma_start3A_41 : memref<!tpu.dma_semaphore, #tpu.memory_space<semaphore_mem>>)
    %rem3A_42 = arith.constant 2 : i32
    %rem3A_43 = arith.constant 4 : i32
    %rem3A_44 = arith.remsi %rem3A_42, %rem3A_43 : i32
    %rem3A_45 = arith.constant 2 : i32
    %rem3A_46 = arith.constant 4 : i32
    %rem3A_47 = arith.remsi %rem3A_45, %rem3A_46 : i32
    %dma_start3A_48 = arith.constant 2 : i32
    %dma_start3A_49 = arith.constant 0 : i32
    %dma_start3A_50 = arith.constant 0 : i32
    %dma_start3A_51 = tpu.memref_slice %arg11[%rem3A_44, %dma_start3A_49, %dma_start3A_50] : memref<4x200x64xf32, #tpu.memory_space<vmem>> -> memref<1x200x64xf32, #tpu.memory_space<vmem>>
    %dma_start3A_52 = tpu.memref_squeeze %dma_start3A_51 : memref<1x200x64xf32, #tpu.memory_space<vmem>> -> memref<200x64xf32, #tpu.memory_space<vmem>>
    %dma_start3A_53 = arith.constant 0 : i32
    %dma_start3A_54 = tpu.memref_slice %arg9[%dma_start3A_48, %dma_start3A_53] : memref<50x200xi32, #tpu.memory_space<vmem>> -> memref<1x200xi32, #tpu.memory_space<vmem>>
    %dma_start3A_55 = tpu.memref_squeeze %dma_start3A_54 : memref<1x200xi32, #tpu.memory_space<vmem>> -> memref<200xi32, #tpu.memory_space<vmem>>
    %dma_start3A_56 = arith.constant 0 : i32
    %dma_start3A_57 = arith.constant 0 : i32
    %dma_start3A_58 = tpu.memref_slice %arg2[%dma_start3A_56, %dma_start3A_57] : memref<10240x64xf32, #tpu.memory_space<hbm>> -> memref<10240x64xf32, #tpu.memory_space<hbm>>
    %dma_start3A_59 = tpu.memref_slice %arg13[%rem3A_47] : memref<4x!tpu.dma_semaphore, #tpu.memory_space<semaphore_mem>> -> memref<1x!tpu.dma_semaphore, #tpu.memory_space<semaphore_mem>>
    %dma_start3A_60 = tpu.memref_squeeze %dma_start3A_59 : memref<1x!tpu.dma_semaphore, #tpu.memory_space<semaphore_mem>> -> memref<!tpu.dma_semaphore, #tpu.memory_space<semaphore_mem>>
    tpu.enqueue_indirect_dma source(%dma_start3A_58 : memref<10240x64xf32, #tpu.memory_space<hbm>>) target(%dma_start3A_52 : memref<200x64xf32, #tpu.memory_space<vmem>>) offsets(%dma_start3A_55 : memref<200xi32, #tpu.memory_space<vmem>>) semaphore(%dma_start3A_60 : memref<!tpu.dma_semaphore, #tpu.memory_space<semaphore_mem>>)
    "tpu.region"() ({
      %run_scoped3A_73 = tpu.sem_alloc : memref<!tpu.dma_semaphore, #tpu.memory_space<semaphore_mem>>
      %dma_start3A_74 = arith.constant 0 : i32
      %dma_start3A_75 = tpu.memref_slice %arg6[%add3A, %dma_start3A_74] : memref<32x80xi32, #tpu.memory_space<hbm>> -> memref<1x80xi32, #tpu.memory_space<hbm>>
      %dma_start3A_76 = tpu.memref_squeeze %dma_start3A_75 : memref<1x80xi32, #tpu.memory_space<hbm>> -> memref<80xi32, #tpu.memory_space<hbm>>
      %dma_start3A_77 = arith.constant 0 : i32
      %dma_start3A_78 = tpu.memref_slice %arg6[%add3A, %dma_start3A_77] : memref<32x80xi32, #tpu.memory_space<hbm>> -> memref<1x80xi32, #tpu.memory_space<hbm>>
      %dma_start3A_79 = tpu.memref_squeeze %dma_start3A_78 : memref<1x80xi32, #tpu.memory_space<hbm>> -> memref<80xi32, #tpu.memory_space<hbm>>
      tpu.enqueue_dma source(%dma_start3A_79 : memref<80xi32, #tpu.memory_space<hbm>>) target(%arg14 : memref<80xi32, #tpu.memory_space<vmem>>) target_semaphore(%run_scoped3A_73 : memref<!tpu.dma_semaphore, #tpu.memory_space<semaphore_mem>>)
      %dma_wait3A = arith.constant 0 : i32
      %dma_wait3A_80 = tpu.memref_slice %arg6[%add3A, %dma_wait3A] : memref<32x80xi32, #tpu.memory_space<hbm>> -> memref<1x80xi32, #tpu.memory_space<hbm>>
      %dma_wait3A_81 = tpu.memref_squeeze %dma_wait3A_80 : memref<1x80xi32, #tpu.memory_space<hbm>> -> memref<80xi32, #tpu.memory_space<hbm>>
      %dma_wait3A_82 = arith.constant 0 : i32
      %dma_wait3A_83 = tpu.memref_slice %arg6[%add3A, %dma_wait3A_82] : memref<32x80xi32, #tpu.memory_space<hbm>> -> memref<1x80xi32, #tpu.memory_space<hbm>>
      %dma_wait3A_84 = tpu.memref_squeeze %dma_wait3A_83 : memref<1x80xi32, #tpu.memory_space<hbm>> -> memref<80xi32, #tpu.memory_space<hbm>>
      tpu.wait_dma2 semaphore(%run_scoped3A_73 : memref<!tpu.dma_semaphore, #tpu.memory_space<semaphore_mem>>) src(%dma_wait3A_84 : memref<80xi32, #tpu.memory_space<hbm>>) dst(%arg14 : memref<80xi32, #tpu.memory_space<vmem>>)
      tpu.yield
    }) : () -> ()
    "tpu.region"() ({
      %run_scoped3A_73 = tpu.sem_alloc : memref<!tpu.dma_semaphore, #tpu.memory_space<semaphore_mem>>
      %dma_start3A_74 = arith.constant 0 : i32
      %dma_start3A_75 = arith.constant 0 : i32
      %dma_start3A_76 = tpu.memref_slice %arg5[%dma_start3A_74, %dma_start3A_75] : memref<10240x64xf32, #tpu.memory_space<hbm>> -> memref<10240x64xf32, #tpu.memory_space<hbm>>
      tpu.enqueue_indirect_dma source(%dma_start3A_76 : memref<10240x64xf32, #tpu.memory_space<hbm>>) target(%arg15 : memref<80x64xf32, #tpu.memory_space<vmem>>) offsets(%arg14 : memref<80xi32, #tpu.memory_space<vmem>>) semaphore(%run_scoped3A_73 : memref<!tpu.dma_semaphore, #tpu.memory_space<semaphore_mem>>)
      %dma_wait3A = arith.constant 0 : i32
      %dma_wait3A_77 = arith.constant 0 : i32
      %dma_wait3A_78 = tpu.memref_slice %arg5[%dma_wait3A, %dma_wait3A_77] : memref<10240x64xf32, #tpu.memory_space<hbm>> -> memref<10240x64xf32, #tpu.memory_space<hbm>>
      tpu.wait_indirect_dma semaphore(%run_scoped3A_73 : memref<!tpu.dma_semaphore, #tpu.memory_space<semaphore_mem>>) src(%dma_wait3A_78 : memref<10240x64xf32, #tpu.memory_space<hbm>>) dst(%arg15 : memref<80x64xf32, #tpu.memory_space<vmem>>)
      tpu.yield
    }) : () -> ()
    %mul3A_61 = arith.constant 80 : i32
    %mul3A_62 = arith.muli %add3A, %mul3A_61 : i32
    "tpu.region"() ({
      %run_scoped3A_73 = tpu.sem_alloc : memref<!tpu.dma_semaphore, #tpu.memory_space<semaphore_mem>>
      %dma_start3A_74 = arith.constant 0 : i32
      %dma_start3A_75 = tpu.memref_slice %arg8[%mul3A_62, %dma_start3A_74] : memref<2560x64xf32, #tpu.memory_space<hbm>> -> memref<80x64xf32, #tpu.memory_space<hbm>>
      %dma_start3A_76 = arith.constant 0 : i32
      %dma_start3A_77 = tpu.memref_slice %arg8[%mul3A_62, %dma_start3A_76] : memref<2560x64xf32, #tpu.memory_space<hbm>> -> memref<80x64xf32, #tpu.memory_space<hbm>>
      tpu.enqueue_dma source(%arg15 : memref<80x64xf32, #tpu.memory_space<vmem>>) target(%dma_start3A_77 : memref<80x64xf32, #tpu.memory_space<hbm>>) target_semaphore(%run_scoped3A_73 : memref<!tpu.dma_semaphore, #tpu.memory_space<semaphore_mem>>)
      %dma_wait3A = arith.constant 0 : i32
      %dma_wait3A_78 = tpu.memref_slice %arg8[%mul3A_62, %dma_wait3A] : memref<2560x64xf32, #tpu.memory_space<hbm>> -> memref<80x64xf32, #tpu.memory_space<hbm>>
      %dma_wait3A_79 = arith.constant 0 : i32
      %dma_wait3A_80 = tpu.memref_slice %arg8[%mul3A_62, %dma_wait3A_79] : memref<2560x64xf32, #tpu.memory_space<hbm>> -> memref<80x64xf32, #tpu.memory_space<hbm>>
      tpu.wait_dma2 semaphore(%run_scoped3A_73 : memref<!tpu.dma_semaphore, #tpu.memory_space<semaphore_mem>>) src(%arg15 : memref<80x64xf32, #tpu.memory_space<vmem>>) dst(%dma_wait3A_80 : memref<80x64xf32, #tpu.memory_space<hbm>>)
      tpu.yield
    }) : () -> ()
    %scan3A = arith.constant 0 : i32
    %scan3A_63 = arith.constant 0 : i32
    %scan3A_64 = arith.constant 50 : i32
    %scan3A_65 = arith.addi %scan3A_63, %scan3A_64 : i32
    %scan3A_66 = arith.constant 1 : i32
    scf.for %scan3A_73 = %scan3A_63 to %scan3A_65 step %scan3A_66  : i32 {
      %add3A_74 = arith.constant 3 : i32
      %add3A_75 = arith.addi %scan3A_73, %add3A_74 : i32
      %lt3A = arith.constant 50 : i32
      %lt3A_76 = arith.cmpi slt, %add3A_75, %lt3A : i32
      %convert_element_type3A = arith.extui %lt3A_76 : i1 to i32
      %cond3A = arith.constant 0 : i32
      %cond3A_77 = arith.cmpi ne, %convert_element_type3A, %cond3A : i32
      scf.if %cond3A_77 {
        %add3A_95 = arith.constant 3 : i32
        %add3A_96 = arith.addi %scan3A_73, %add3A_95 : i32
        %rem3A_97 = arith.constant 4 : i32
        %rem3A_98 = arith.remsi %add3A_96, %rem3A_97 : i32
        %rem3A_99 = arith.constant 4 : i32
        %rem3A_100 = arith.remsi %add3A_96, %rem3A_99 : i32
        %dma_start3A_101 = arith.constant 0 : i32
        %dma_start3A_102 = arith.constant 0 : i32
        %dma_start3A_103 = tpu.memref_slice %arg11[%rem3A_98, %dma_start3A_101, %dma_start3A_102] : memref<4x200x64xf32, #tpu.memory_space<vmem>> -> memref<1x200x64xf32, #tpu.memory_space<vmem>>
        %dma_start3A_104 = tpu.memref_squeeze %dma_start3A_103 : memref<1x200x64xf32, #tpu.memory_space<vmem>> -> memref<200x64xf32, #tpu.memory_space<vmem>>
        %dma_start3A_105 = arith.constant 0 : i32
        %dma_start3A_106 = tpu.memref_slice %arg9[%add3A_96, %dma_start3A_105] : memref<50x200xi32, #tpu.memory_space<vmem>> -> memref<1x200xi32, #tpu.memory_space<vmem>>
        %dma_start3A_107 = tpu.memref_squeeze %dma_start3A_106 : memref<1x200xi32, #tpu.memory_space<vmem>> -> memref<200xi32, #tpu.memory_space<vmem>>
        %dma_start3A_108 = arith.constant 0 : i32
        %dma_start3A_109 = arith.constant 0 : i32
        %dma_start3A_110 = tpu.memref_slice %arg2[%dma_start3A_108, %dma_start3A_109] : memref<10240x64xf32, #tpu.memory_space<hbm>> -> memref<10240x64xf32, #tpu.memory_space<hbm>>
        %dma_start3A_111 = tpu.memref_slice %arg13[%rem3A_100] : memref<4x!tpu.dma_semaphore, #tpu.memory_space<semaphore_mem>> -> memref<1x!tpu.dma_semaphore, #tpu.memory_space<semaphore_mem>>
        %dma_start3A_112 = tpu.memref_squeeze %dma_start3A_111 : memref<1x!tpu.dma_semaphore, #tpu.memory_space<semaphore_mem>> -> memref<!tpu.dma_semaphore, #tpu.memory_space<semaphore_mem>>
        tpu.enqueue_indirect_dma source(%dma_start3A_110 : memref<10240x64xf32, #tpu.memory_space<hbm>>) target(%dma_start3A_104 : memref<200x64xf32, #tpu.memory_space<vmem>>) offsets(%dma_start3A_107 : memref<200xi32, #tpu.memory_space<vmem>>) semaphore(%dma_start3A_112 : memref<!tpu.dma_semaphore, #tpu.memory_space<semaphore_mem>>)
      } else {
      }
      %rem3A_78 = arith.constant 4 : i32
      %rem3A_79 = arith.remsi %scan3A_73, %rem3A_78 : i32
      %rem3A_80 = arith.constant 4 : i32
      %rem3A_81 = arith.remsi %scan3A_73, %rem3A_80 : i32
      %dma_wait3A = arith.constant 0 : i32
      %dma_wait3A_82 = arith.constant 0 : i32
      %dma_wait3A_83 = tpu.memref_slice %arg11[%rem3A_79, %dma_wait3A, %dma_wait3A_82] : memref<4x200x64xf32, #tpu.memory_space<vmem>> -> memref<1x200x64xf32, #tpu.memory_space<vmem>>
      %dma_wait3A_84 = tpu.memref_squeeze %dma_wait3A_83 : memref<1x200x64xf32, #tpu.memory_space<vmem>> -> memref<200x64xf32, #tpu.memory_space<vmem>>
      %dma_wait3A_85 = arith.constant 0 : i32
      %dma_wait3A_86 = tpu.memref_slice %arg9[%scan3A_73, %dma_wait3A_85] : memref<50x200xi32, #tpu.memory_space<vmem>> -> memref<1x200xi32, #tpu.memory_space<vmem>>
      %dma_wait3A_87 = tpu.memref_squeeze %dma_wait3A_86 : memref<1x200xi32, #tpu.memory_space<vmem>> -> memref<200xi32, #tpu.memory_space<vmem>>
      %dma_wait3A_88 = arith.constant 0 : i32
      %dma_wait3A_89 = arith.constant 0 : i32
      %dma_wait3A_90 = tpu.memref_slice %arg2[%dma_wait3A_88, %dma_wait3A_89] : memref<10240x64xf32, #tpu.memory_space<hbm>> -> memref<10240x64xf32, #tpu.memory_space<hbm>>
      %dma_wait3A_91 = tpu.memref_slice %arg13[%rem3A_81] : memref<4x!tpu.dma_semaphore, #tpu.memory_space<semaphore_mem>> -> memref<1x!tpu.dma_semaphore, #tpu.memory_space<semaphore_mem>>
      %dma_wait3A_92 = tpu.memref_squeeze %dma_wait3A_91 : memref<1x!tpu.dma_semaphore, #tpu.memory_space<semaphore_mem>> -> memref<!tpu.dma_semaphore, #tpu.memory_space<semaphore_mem>>
      tpu.wait_indirect_dma semaphore(%dma_wait3A_92 : memref<!tpu.dma_semaphore, #tpu.memory_space<semaphore_mem>>) src(%dma_wait3A_90 : memref<10240x64xf32, #tpu.memory_space<hbm>>) dst(%dma_wait3A_84 : memref<200x64xf32, #tpu.memory_space<vmem>>)
      %rem3A_93 = arith.constant 4 : i32
      %rem3A_94 = arith.remsi %scan3A_73, %rem3A_93 : i32
      "tpu.region"() ({
        %run_scoped3A_95 = tpu.sem_alloc : memref<!tpu.dma_semaphore, #tpu.memory_space<semaphore_mem>>
        %dma_start3A_96 = arith.constant 0 : i32
        %dma_start3A_97 = arith.constant 0 : i32
        %dma_start3A_98 = tpu.memref_slice %arg11[%rem3A_94, %dma_start3A_96, %dma_start3A_97] : memref<4x200x64xf32, #tpu.memory_space<vmem>> -> memref<1x200x64xf32, #tpu.memory_space<vmem>>
        %dma_start3A_99 = tpu.memref_squeeze %dma_start3A_98 : memref<1x200x64xf32, #tpu.memory_space<vmem>> -> memref<200x64xf32, #tpu.memory_space<vmem>>
        %dma_start3A_100 = arith.constant 0 : i32
        %dma_start3A_101 = tpu.memref_slice %arg10[%scan3A_73, %dma_start3A_100] : memref<50x200xi32, #tpu.memory_space<vmem>> -> memref<1x200xi32, #tpu.memory_space<vmem>>
        %dma_start3A_102 = tpu.memref_squeeze %dma_start3A_101 : memref<1x200xi32, #tpu.memory_space<vmem>> -> memref<200xi32, #tpu.memory_space<vmem>>
        %dma_start3A_103 = arith.constant 0 : i32
        %dma_start3A_104 = arith.constant 0 : i32
        %dma_start3A_105 = tpu.memref_slice %arg12[%dma_start3A_103, %dma_start3A_104] : memref<10240x64xf32, #tpu.memory_space<vmem_shared>> -> memref<10240x64xf32, #tpu.memory_space<vmem_shared>>
        tpu.enqueue_indirect_dma source(%dma_start3A_99 : memref<200x64xf32, #tpu.memory_space<vmem>>) target(%dma_start3A_105 : memref<10240x64xf32, #tpu.memory_space<vmem_shared>>) offsets(%dma_start3A_102 : memref<200xi32, #tpu.memory_space<vmem>>) semaphore(%run_scoped3A_95 : memref<!tpu.dma_semaphore, #tpu.memory_space<semaphore_mem>>) {add = true}
        %dma_wait3A_106 = arith.constant 0 : i32
        %dma_wait3A_107 = arith.constant 0 : i32
        %dma_wait3A_108 = tpu.memref_slice %arg11[%rem3A_94, %dma_wait3A_106, %dma_wait3A_107] : memref<4x200x64xf32, #tpu.memory_space<vmem>> -> memref<1x200x64xf32, #tpu.memory_space<vmem>>
        %dma_wait3A_109 = tpu.memref_squeeze %dma_wait3A_108 : memref<1x200x64xf32, #tpu.memory_space<vmem>> -> memref<200x64xf32, #tpu.memory_space<vmem>>
        %dma_wait3A_110 = arith.constant 0 : i32
        %dma_wait3A_111 = tpu.memref_slice %arg10[%scan3A_73, %dma_wait3A_110] : memref<50x200xi32, #tpu.memory_space<vmem>> -> memref<1x200xi32, #tpu.memory_space<vmem>>
        %dma_wait3A_112 = tpu.memref_squeeze %dma_wait3A_111 : memref<1x200xi32, #tpu.memory_space<vmem>> -> memref<200xi32, #tpu.memory_space<vmem>>
        %dma_wait3A_113 = arith.constant 0 : i32
        %dma_wait3A_114 = arith.constant 0 : i32
        %dma_wait3A_115 = tpu.memref_slice %arg12[%dma_wait3A_113, %dma_wait3A_114] : memref<10240x64xf32, #tpu.memory_space<vmem_shared>> -> memref<10240x64xf32, #tpu.memory_space<vmem_shared>>
        tpu.wait_indirect_dma semaphore(%run_scoped3A_95 : memref<!tpu.dma_semaphore, #tpu.memory_space<semaphore_mem>>) src(%dma_wait3A_109 : memref<200x64xf32, #tpu.memory_space<vmem>>) dst(%dma_wait3A_115 : memref<10240x64xf32, #tpu.memory_space<vmem_shared>>)
        tpu.yield
      }) : () -> ()
    }
    %scan3A_67 = arith.constant 50 : i32
    %barrier3A_68 = arith.constant 0 : index
    tpu.barrier barrier_id(%barrier3A_68)
    %mul3A_69 = arith.constant 640 : i32
    %mul3A_70 = arith.muli %arg1, %mul3A_69 : i32
    %mul3A_71 = arith.constant 640 : i32
    %mul3A_72 = arith.muli %arg1, %mul3A_71 : i32
    "tpu.region"() ({
      %run_scoped3A_73 = tpu.sem_alloc : memref<!tpu.dma_semaphore, #tpu.memory_space<semaphore_mem>>
      %dma_start3A_74 = arith.constant 0 : i32
      %dma_start3A_75 = tpu.memref_slice %arg7[%arg0, %mul3A_72, %dma_start3A_74] : memref<2x10240x64xf32, #tpu.memory_space<hbm>> -> memref<1x640x64xf32, #tpu.memory_space<hbm>>
      %dma_start3A_76 = tpu.memref_squeeze %dma_start3A_75 : memref<1x640x64xf32, #tpu.memory_space<hbm>> -> memref<640x64xf32, #tpu.memory_space<hbm>>
      %dma_start3A_77 = arith.constant 0 : i32
      %dma_start3A_78 = tpu.memref_slice %arg12[%mul3A_70, %dma_start3A_77] : memref<10240x64xf32, #tpu.memory_space<vmem_shared>> -> memref<640x64xf32, #tpu.memory_space<vmem_shared>>
      tpu.enqueue_dma source(%dma_start3A_78 : memref<640x64xf32, #tpu.memory_space<vmem_shared>>) target(%dma_start3A_76 : memref<640x64xf32, #tpu.memory_space<hbm>>) target_semaphore(%run_scoped3A_73 : memref<!tpu.dma_semaphore, #tpu.memory_space<semaphore_mem>>)
      %dma_wait3A = arith.constant 0 : i32
      %dma_wait3A_79 = tpu.memref_slice %arg7[%arg0, %mul3A_72, %dma_wait3A] : memref<2x10240x64xf32, #tpu.memory_space<hbm>> -> memref<1x640x64xf32, #tpu.memory_space<hbm>>
      %dma_wait3A_80 = tpu.memref_squeeze %dma_wait3A_79 : memref<1x640x64xf32, #tpu.memory_space<hbm>> -> memref<640x64xf32, #tpu.memory_space<hbm>>
      %dma_wait3A_81 = arith.constant 0 : i32
      %dma_wait3A_82 = tpu.memref_slice %arg12[%mul3A_70, %dma_wait3A_81] : memref<10240x64xf32, #tpu.memory_space<vmem_shared>> -> memref<640x64xf32, #tpu.memory_space<vmem_shared>>
      tpu.wait_dma2 semaphore(%run_scoped3A_73 : memref<!tpu.dma_semaphore, #tpu.memory_space<semaphore_mem>>) src(%dma_wait3A_82 : memref<640x64xf32, #tpu.memory_space<vmem_shared>>) dst(%dma_wait3A_80 : memref<640x64xf32, #tpu.memory_space<hbm>>)
      tpu.yield
    }) : () -> ()
    return
  }
}

#map = affine_map<(d0, d1) -> (0, 0)>
#map1 = affine_map<(d0, d1) -> (0, 0, 0, 0)>
#map2 = affine_map<(d0, d1) -> (0, 0, 0)>
module attributes {stable_mosaic.version = 14 : i64} {
  func.func @_sc_scatter_body(%arg0: i32, %arg1: i32, %arg2: memref<10240x64xf32, #tpu.memory_space<hbm>>, %arg3: memref<2x32x50x200xi32, #tpu.memory_space<hbm>>, %arg4: memref<10240x64xf32, #tpu.memory_space<hbm>>, %arg5: memref<10240x64xf32, #tpu.memory_space<hbm>>, %arg6: memref<32x80xi32, #tpu.memory_space<hbm>>, %arg7: memref<2x10240x64xf32, #tpu.memory_space<hbm>>, %arg8: memref<2560x64xf32, #tpu.memory_space<hbm>>, %arg9: memref<50x200xi32, #tpu.memory_space<vmem>>, %arg10: memref<50x200xi32, #tpu.memory_space<vmem>>, %arg11: memref<4x200x64xf32, #tpu.memory_space<vmem>>, %arg12: memref<10240x64xf32, #tpu.memory_space<vmem_shared>>, %arg13: memref<4x!tpu.dma_semaphore, #tpu.memory_space<semaphore_mem>>, %arg14: memref<80xi32, #tpu.memory_space<vmem>>, %arg15: memref<80x64xf32, #tpu.memory_space<vmem>>) attributes {dimension_semantics = [#tpu.dimension_semantics<core_parallel>, #tpu.dimension_semantics<subcore_parallel>], iteration_bounds = array<i64: 2, 16>, scalar_prefetch = 0 : i64, scratch_operands = 7 : i64, tpu.core_type = #tpu.core_type<sc_vector_subcore>, window_params = [{transform_indices = #map}, {transform_indices = #map1}, {transform_indices = #map}, {transform_indices = #map}, {transform_indices = #map}, {transform_indices = #map2}, {transform_indices = #map}]} {
    %mul3A = arith.constant 16 : i32
    %mul3A_0 = arith.muli %arg0, %mul3A : i32
    %add3A = arith.addi %mul3A_0, %arg1 : i32
    %mul3A_1 = arith.constant 640 : i32
    %mul3A_2 = arith.muli %arg1, %mul3A_1 : i32
    %mul3A_3 = arith.constant 640 : i32
    %mul3A_4 = arith.muli %arg1, %mul3A_3 : i32
    "tpu.region"() ({
      %run_scoped3A_73 = tpu.sem_alloc : memref<!tpu.dma_semaphore, #tpu.memory_space<semaphore_mem>>
      %dma_start3A_74 = arith.constant 0 : i32
      %dma_start3A_75 = tpu.memref_slice %arg12[%mul3A_4, %dma_start3A_74] : memref<10240x64xf32, #tpu.memory_space<vmem_shared>> -> memref<640x64xf32, #tpu.memory_space<vmem_shared>>
      %dma_start3A_76 = arith.constant 0 : i32
      %dma_start3A_77 = tpu.memref_slice %arg4[%mul3A_2, %dma_start3A_76] : memref<10240x64xf32, #tpu.memory_space<hbm>> -> memref<640x64xf32, #tpu.memory_space<hbm>>
      tpu.enqueue_dma source(%dma_start3A_77 : memref<640x64xf32, #tpu.memory_space<hbm>>) target(%dma_start3A_75 : memref<640x64xf32, #tpu.memory_space<vmem_shared>>) target_semaphore(%run_scoped3A_73 : memref<!tpu.dma_semaphore, #tpu.memory_space<semaphore_mem>>)
      %dma_wait3A = arith.constant 0 : i32
      %dma_wait3A_78 = tpu.memref_slice %arg12[%mul3A_4, %dma_wait3A] : memref<10240x64xf32, #tpu.memory_space<vmem_shared>> -> memref<640x64xf32, #tpu.memory_space<vmem_shared>>
      %dma_wait3A_79 = arith.constant 0 : i32
      %dma_wait3A_80 = tpu.memref_slice %arg4[%mul3A_2, %dma_wait3A_79] : memref<10240x64xf32, #tpu.memory_space<hbm>> -> memref<640x64xf32, #tpu.memory_space<hbm>>
      tpu.wait_dma2 semaphore(%run_scoped3A_73 : memref<!tpu.dma_semaphore, #tpu.memory_space<semaphore_mem>>) src(%dma_wait3A_80 : memref<640x64xf32, #tpu.memory_space<hbm>>) dst(%dma_wait3A_78 : memref<640x64xf32, #tpu.memory_space<vmem_shared>>)
      tpu.yield
    }) : () -> ()
    %barrier3A = arith.constant 0 : index
    tpu.barrier barrier_id(%barrier3A)
    %run_scoped3A = arith.constant 0 : i32
    "tpu.region"() ({
      %run_scoped3A_73 = tpu.sem_alloc : memref<!tpu.dma_semaphore, #tpu.memory_space<semaphore_mem>>
      %dma_start3A_74 = arith.constant 0 : i32
      %dma_start3A_75 = arith.constant 0 : i32
      %dma_start3A_76 = tpu.memref_slice %arg3[%run_scoped3A, %add3A, %dma_start3A_74, %dma_start3A_75] : memref<2x32x50x200xi32, #tpu.memory_space<hbm>> -> memref<1x1x50x200xi32, #tpu.memory_space<hbm>>
      %dma_start3A_77 = tpu.memref_squeeze %dma_start3A_76 : memref<1x1x50x200xi32, #tpu.memory_space<hbm>> -> memref<50x200xi32, #tpu.memory_space<hbm>>
      %dma_start3A_78 = arith.constant 0 : i32
      %dma_start3A_79 = arith.constant 0 : i32
      %dma_start3A_80 = tpu.memref_slice %arg3[%run_scoped3A, %add3A, %dma_start3A_78, %dma_start3A_79] : memref<2x32x50x200xi32, #tpu.memory_space<hbm>> -> memref<1x1x50x200xi32, #tpu.memory_space<hbm>>
      %dma_start3A_81 = tpu.memref_squeeze %dma_start3A_80 : memref<1x1x50x200xi32, #tpu.memory_space<hbm>> -> memref<50x200xi32, #tpu.memory_space<hbm>>
      tpu.enqueue_dma source(%dma_start3A_81 : memref<50x200xi32, #tpu.memory_space<hbm>>) target(%arg9 : memref<50x200xi32, #tpu.memory_space<vmem>>) target_semaphore(%run_scoped3A_73 : memref<!tpu.dma_semaphore, #tpu.memory_space<semaphore_mem>>)
      %dma_wait3A = arith.constant 0 : i32
      %dma_wait3A_82 = arith.constant 0 : i32
      %dma_wait3A_83 = tpu.memref_slice %arg3[%run_scoped3A, %add3A, %dma_wait3A, %dma_wait3A_82] : memref<2x32x50x200xi32, #tpu.memory_space<hbm>> -> memref<1x1x50x200xi32, #tpu.memory_space<hbm>>
      %dma_wait3A_84 = tpu.memref_squeeze %dma_wait3A_83 : memref<1x1x50x200xi32, #tpu.memory_space<hbm>> -> memref<50x200xi32, #tpu.memory_space<hbm>>
      %dma_wait3A_85 = arith.constant 0 : i32
      %dma_wait3A_86 = arith.constant 0 : i32
      %dma_wait3A_87 = tpu.memref_slice %arg3[%run_scoped3A, %add3A, %dma_wait3A_85, %dma_wait3A_86] : memref<2x32x50x200xi32, #tpu.memory_space<hbm>> -> memref<1x1x50x200xi32, #tpu.memory_space<hbm>>
      %dma_wait3A_88 = tpu.memref_squeeze %dma_wait3A_87 : memref<1x1x50x200xi32, #tpu.memory_space<hbm>> -> memref<50x200xi32, #tpu.memory_space<hbm>>
      tpu.wait_dma2 semaphore(%run_scoped3A_73 : memref<!tpu.dma_semaphore, #tpu.memory_space<semaphore_mem>>) src(%dma_wait3A_88 : memref<50x200xi32, #tpu.memory_space<hbm>>) dst(%arg9 : memref<50x200xi32, #tpu.memory_space<vmem>>)
      tpu.yield
    }) : () -> ()
    %run_scoped3A_5 = arith.constant 1 : i32
    "tpu.region"() ({
      %run_scoped3A_73 = tpu.sem_alloc : memref<!tpu.dma_semaphore, #tpu.memory_space<semaphore_mem>>
      %dma_start3A_74 = arith.constant 0 : i32
      %dma_start3A_75 = arith.constant 0 : i32
      %dma_start3A_76 = tpu.memref_slice %arg3[%run_scoped3A_5, %add3A, %dma_start3A_74, %dma_start3A_75] : memref<2x32x50x200xi32, #tpu.memory_space<hbm>> -> memref<1x1x50x200xi32, #tpu.memory_space<hbm>>
      %dma_start3A_77 = tpu.memref_squeeze %dma_start3A_76 : memref<1x1x50x200xi32, #tpu.memory_space<hbm>> -> memref<50x200xi32, #tpu.memory_space<hbm>>
      %dma_start3A_78 = arith.constant 0 : i32
      %dma_start3A_79 = arith.constant 0 : i32
      %dma_start3A_80 = tpu.memref_slice %arg3[%run_scoped3A_5, %add3A, %dma_start3A_78, %dma_start3A_79] : memref<2x32x50x200xi32, #tpu.memory_space<hbm>> -> memref<1x1x50x200xi32, #tpu.memory_space<hbm>>
      %dma_start3A_81 = tpu.memref_squeeze %dma_start3A_80 : memref<1x1x50x200xi32, #tpu.memory_space<hbm>> -> memref<50x200xi32, #tpu.memory_space<hbm>>
      tpu.enqueue_dma source(%dma_start3A_81 : memref<50x200xi32, #tpu.memory_space<hbm>>) target(%arg10 : memref<50x200xi32, #tpu.memory_space<vmem>>) target_semaphore(%run_scoped3A_73 : memref<!tpu.dma_semaphore, #tpu.memory_space<semaphore_mem>>)
      %dma_wait3A = arith.constant 0 : i32
      %dma_wait3A_82 = arith.constant 0 : i32
      %dma_wait3A_83 = tpu.memref_slice %arg3[%run_scoped3A_5, %add3A, %dma_wait3A, %dma_wait3A_82] : memref<2x32x50x200xi32, #tpu.memory_space<hbm>> -> memref<1x1x50x200xi32, #tpu.memory_space<hbm>>
      %dma_wait3A_84 = tpu.memref_squeeze %dma_wait3A_83 : memref<1x1x50x200xi32, #tpu.memory_space<hbm>> -> memref<50x200xi32, #tpu.memory_space<hbm>>
      %dma_wait3A_85 = arith.constant 0 : i32
      %dma_wait3A_86 = arith.constant 0 : i32
      %dma_wait3A_87 = tpu.memref_slice %arg3[%run_scoped3A_5, %add3A, %dma_wait3A_85, %dma_wait3A_86] : memref<2x32x50x200xi32, #tpu.memory_space<hbm>> -> memref<1x1x50x200xi32, #tpu.memory_space<hbm>>
      %dma_wait3A_88 = tpu.memref_squeeze %dma_wait3A_87 : memref<1x1x50x200xi32, #tpu.memory_space<hbm>> -> memref<50x200xi32, #tpu.memory_space<hbm>>
      tpu.wait_dma2 semaphore(%run_scoped3A_73 : memref<!tpu.dma_semaphore, #tpu.memory_space<semaphore_mem>>) src(%dma_wait3A_88 : memref<50x200xi32, #tpu.memory_space<hbm>>) dst(%arg10 : memref<50x200xi32, #tpu.memory_space<vmem>>)
      tpu.yield
    }) : () -> ()
    %rem3A = arith.constant 0 : i32
    %rem3A_6 = arith.constant 4 : i32
    %rem3A_7 = arith.remsi %rem3A, %rem3A_6 : i32
    %rem3A_8 = arith.constant 0 : i32
    %rem3A_9 = arith.constant 4 : i32
    %rem3A_10 = arith.remsi %rem3A_8, %rem3A_9 : i32
    %dma_start3A = arith.constant 0 : i32
    %dma_start3A_11 = arith.constant 0 : i32
    %dma_start3A_12 = arith.constant 0 : i32
    %dma_start3A_13 = tpu.memref_slice %arg11[%rem3A_7, %dma_start3A_11, %dma_start3A_12] : memref<4x200x64xf32, #tpu.memory_space<vmem>> -> memref<1x200x64xf32, #tpu.memory_space<vmem>>
    %dma_start3A_14 = tpu.memref_squeeze %dma_start3A_13 : memref<1x200x64xf32, #tpu.memory_space<vmem>> -> memref<200x64xf32, #tpu.memory_space<vmem>>
    %dma_start3A_15 = arith.constant 0 : i32
    %dma_start3A_16 = tpu.memref_slice %arg9[%dma_start3A, %dma_start3A_15] : memref<50x200xi32, #tpu.memory_space<vmem>> -> memref<1x200xi32, #tpu.memory_space<vmem>>
    %dma_start3A_17 = tpu.memref_squeeze %dma_start3A_16 : memref<1x200xi32, #tpu.memory_space<vmem>> -> memref<200xi32, #tpu.memory_space<vmem>>
    %dma_start3A_18 = arith.constant 0 : i32
    %dma_start3A_19 = arith.constant 0 : i32
    %dma_start3A_20 = tpu.memref_slice %arg2[%dma_start3A_18, %dma_start3A_19] : memref<10240x64xf32, #tpu.memory_space<hbm>> -> memref<10240x64xf32, #tpu.memory_space<hbm>>
    %dma_start3A_21 = tpu.memref_slice %arg13[%rem3A_10] : memref<4x!tpu.dma_semaphore, #tpu.memory_space<semaphore_mem>> -> memref<1x!tpu.dma_semaphore, #tpu.memory_space<semaphore_mem>>
    %dma_start3A_22 = tpu.memref_squeeze %dma_start3A_21 : memref<1x!tpu.dma_semaphore, #tpu.memory_space<semaphore_mem>> -> memref<!tpu.dma_semaphore, #tpu.memory_space<semaphore_mem>>
    tpu.enqueue_indirect_dma source(%dma_start3A_20 : memref<10240x64xf32, #tpu.memory_space<hbm>>) target(%dma_start3A_14 : memref<200x64xf32, #tpu.memory_space<vmem>>) offsets(%dma_start3A_17 : memref<200xi32, #tpu.memory_space<vmem>>) semaphore(%dma_start3A_22 : memref<!tpu.dma_semaphore, #tpu.memory_space<semaphore_mem>>)
    %rem3A_23 = arith.constant 1 : i32
    %rem3A_24 = arith.constant 4 : i32
    %rem3A_25 = arith.remsi %rem3A_23, %rem3A_24 : i32
    %rem3A_26 = arith.constant 1 : i32
    %rem3A_27 = arith.constant 4 : i32
    %rem3A_28 = arith.remsi %rem3A_26, %rem3A_27 : i32
    %dma_start3A_29 = arith.constant 1 : i32
    %dma_start3A_30 = arith.constant 0 : i32
    %dma_start3A_31 = arith.constant 0 : i32
    %dma_start3A_32 = tpu.memref_slice %arg11[%rem3A_25, %dma_start3A_30, %dma_start3A_31] : memref<4x200x64xf32, #tpu.memory_space<vmem>> -> memref<1x200x64xf32, #tpu.memory_space<vmem>>
    %dma_start3A_33 = tpu.memref_squeeze %dma_start3A_32 : memref<1x200x64xf32, #tpu.memory_space<vmem>> -> memref<200x64xf32, #tpu.memory_space<vmem>>
    %dma_start3A_34 = arith.constant 0 : i32
    %dma_start3A_35 = tpu.memref_slice %arg9[%dma_start3A_29, %dma_start3A_34] : memref<50x200xi32, #tpu.memory_space<vmem>> -> memref<1x200xi32, #tpu.memory_space<vmem>>
    %dma_start3A_36 = tpu.memref_squeeze %dma_start3A_35 : memref<1x200xi32, #tpu.memory_space<vmem>> -> memref<200xi32, #tpu.memory_space<vmem>>
    %dma_start3A_37 = arith.constant 0 : i32
    %dma_start3A_38 = arith.constant 0 : i32
    %dma_start3A_39 = tpu.memref_slice %arg2[%dma_start3A_37, %dma_start3A_38] : memref<10240x64xf32, #tpu.memory_space<hbm>> -> memref<10240x64xf32, #tpu.memory_space<hbm>>
    %dma_start3A_40 = tpu.memref_slice %arg13[%rem3A_28] : memref<4x!tpu.dma_semaphore, #tpu.memory_space<semaphore_mem>> -> memref<1x!tpu.dma_semaphore, #tpu.memory_space<semaphore_mem>>
    %dma_start3A_41 = tpu.memref_squeeze %dma_start3A_40 : memref<1x!tpu.dma_semaphore, #tpu.memory_space<semaphore_mem>> -> memref<!tpu.dma_semaphore, #tpu.memory_space<semaphore_mem>>
    tpu.enqueue_indirect_dma source(%dma_start3A_39 : memref<10240x64xf32, #tpu.memory_space<hbm>>) target(%dma_start3A_33 : memref<200x64xf32, #tpu.memory_space<vmem>>) offsets(%dma_start3A_36 : memref<200xi32, #tpu.memory_space<vmem>>) semaphore(%dma_start3A_41 : memref<!tpu.dma_semaphore, #tpu.memory_space<semaphore_mem>>)
    %rem3A_42 = arith.constant 2 : i32
    %rem3A_43 = arith.constant 4 : i32
    %rem3A_44 = arith.remsi %rem3A_42, %rem3A_43 : i32
    %rem3A_45 = arith.constant 2 : i32
    %rem3A_46 = arith.constant 4 : i32
    %rem3A_47 = arith.remsi %rem3A_45, %rem3A_46 : i32
    %dma_start3A_48 = arith.constant 2 : i32
    %dma_start3A_49 = arith.constant 0 : i32
    %dma_start3A_50 = arith.constant 0 : i32
    %dma_start3A_51 = tpu.memref_slice %arg11[%rem3A_44, %dma_start3A_49, %dma_start3A_50] : memref<4x200x64xf32, #tpu.memory_space<vmem>> -> memref<1x200x64xf32, #tpu.memory_space<vmem>>
    %dma_start3A_52 = tpu.memref_squeeze %dma_start3A_51 : memref<1x200x64xf32, #tpu.memory_space<vmem>> -> memref<200x64xf32, #tpu.memory_space<vmem>>
    %dma_start3A_53 = arith.constant 0 : i32
    %dma_start3A_54 = tpu.memref_slice %arg9[%dma_start3A_48, %dma_start3A_53] : memref<50x200xi32, #tpu.memory_space<vmem>> -> memref<1x200xi32, #tpu.memory_space<vmem>>
    %dma_start3A_55 = tpu.memref_squeeze %dma_start3A_54 : memref<1x200xi32, #tpu.memory_space<vmem>> -> memref<200xi32, #tpu.memory_space<vmem>>
    %dma_start3A_56 = arith.constant 0 : i32
    %dma_start3A_57 = arith.constant 0 : i32
    %dma_start3A_58 = tpu.memref_slice %arg2[%dma_start3A_56, %dma_start3A_57] : memref<10240x64xf32, #tpu.memory_space<hbm>> -> memref<10240x64xf32, #tpu.memory_space<hbm>>
    %dma_start3A_59 = tpu.memref_slice %arg13[%rem3A_47] : memref<4x!tpu.dma_semaphore, #tpu.memory_space<semaphore_mem>> -> memref<1x!tpu.dma_semaphore, #tpu.memory_space<semaphore_mem>>
    %dma_start3A_60 = tpu.memref_squeeze %dma_start3A_59 : memref<1x!tpu.dma_semaphore, #tpu.memory_space<semaphore_mem>> -> memref<!tpu.dma_semaphore, #tpu.memory_space<semaphore_mem>>
    tpu.enqueue_indirect_dma source(%dma_start3A_58 : memref<10240x64xf32, #tpu.memory_space<hbm>>) target(%dma_start3A_52 : memref<200x64xf32, #tpu.memory_space<vmem>>) offsets(%dma_start3A_55 : memref<200xi32, #tpu.memory_space<vmem>>) semaphore(%dma_start3A_60 : memref<!tpu.dma_semaphore, #tpu.memory_space<semaphore_mem>>)
    "tpu.region"() ({
      %run_scoped3A_73 = tpu.sem_alloc : memref<!tpu.dma_semaphore, #tpu.memory_space<semaphore_mem>>
      %dma_start3A_74 = arith.constant 0 : i32
      %dma_start3A_75 = tpu.memref_slice %arg6[%add3A, %dma_start3A_74] : memref<32x80xi32, #tpu.memory_space<hbm>> -> memref<1x80xi32, #tpu.memory_space<hbm>>
      %dma_start3A_76 = tpu.memref_squeeze %dma_start3A_75 : memref<1x80xi32, #tpu.memory_space<hbm>> -> memref<80xi32, #tpu.memory_space<hbm>>
      %dma_start3A_77 = arith.constant 0 : i32
      %dma_start3A_78 = tpu.memref_slice %arg6[%add3A, %dma_start3A_77] : memref<32x80xi32, #tpu.memory_space<hbm>> -> memref<1x80xi32, #tpu.memory_space<hbm>>
      %dma_start3A_79 = tpu.memref_squeeze %dma_start3A_78 : memref<1x80xi32, #tpu.memory_space<hbm>> -> memref<80xi32, #tpu.memory_space<hbm>>
      tpu.enqueue_dma source(%dma_start3A_79 : memref<80xi32, #tpu.memory_space<hbm>>) target(%arg14 : memref<80xi32, #tpu.memory_space<vmem>>) target_semaphore(%run_scoped3A_73 : memref<!tpu.dma_semaphore, #tpu.memory_space<semaphore_mem>>)
      %dma_wait3A = arith.constant 0 : i32
      %dma_wait3A_80 = tpu.memref_slice %arg6[%add3A, %dma_wait3A] : memref<32x80xi32, #tpu.memory_space<hbm>> -> memref<1x80xi32, #tpu.memory_space<hbm>>
      %dma_wait3A_81 = tpu.memref_squeeze %dma_wait3A_80 : memref<1x80xi32, #tpu.memory_space<hbm>> -> memref<80xi32, #tpu.memory_space<hbm>>
      %dma_wait3A_82 = arith.constant 0 : i32
      %dma_wait3A_83 = tpu.memref_slice %arg6[%add3A, %dma_wait3A_82] : memref<32x80xi32, #tpu.memory_space<hbm>> -> memref<1x80xi32, #tpu.memory_space<hbm>>
      %dma_wait3A_84 = tpu.memref_squeeze %dma_wait3A_83 : memref<1x80xi32, #tpu.memory_space<hbm>> -> memref<80xi32, #tpu.memory_space<hbm>>
      tpu.wait_dma2 semaphore(%run_scoped3A_73 : memref<!tpu.dma_semaphore, #tpu.memory_space<semaphore_mem>>) src(%dma_wait3A_84 : memref<80xi32, #tpu.memory_space<hbm>>) dst(%arg14 : memref<80xi32, #tpu.memory_space<vmem>>)
      tpu.yield
    }) : () -> ()
    "tpu.region"() ({
      %run_scoped3A_73 = tpu.sem_alloc : memref<!tpu.dma_semaphore, #tpu.memory_space<semaphore_mem>>
      %dma_start3A_74 = arith.constant 0 : i32
      %dma_start3A_75 = arith.constant 0 : i32
      %dma_start3A_76 = tpu.memref_slice %arg5[%dma_start3A_74, %dma_start3A_75] : memref<10240x64xf32, #tpu.memory_space<hbm>> -> memref<10240x64xf32, #tpu.memory_space<hbm>>
      tpu.enqueue_indirect_dma source(%dma_start3A_76 : memref<10240x64xf32, #tpu.memory_space<hbm>>) target(%arg15 : memref<80x64xf32, #tpu.memory_space<vmem>>) offsets(%arg14 : memref<80xi32, #tpu.memory_space<vmem>>) semaphore(%run_scoped3A_73 : memref<!tpu.dma_semaphore, #tpu.memory_space<semaphore_mem>>)
      %dma_wait3A = arith.constant 0 : i32
      %dma_wait3A_77 = arith.constant 0 : i32
      %dma_wait3A_78 = tpu.memref_slice %arg5[%dma_wait3A, %dma_wait3A_77] : memref<10240x64xf32, #tpu.memory_space<hbm>> -> memref<10240x64xf32, #tpu.memory_space<hbm>>
      tpu.wait_indirect_dma semaphore(%run_scoped3A_73 : memref<!tpu.dma_semaphore, #tpu.memory_space<semaphore_mem>>) src(%dma_wait3A_78 : memref<10240x64xf32, #tpu.memory_space<hbm>>) dst(%arg15 : memref<80x64xf32, #tpu.memory_space<vmem>>)
      tpu.yield
    }) : () -> ()
    %mul3A_61 = arith.constant 80 : i32
    %mul3A_62 = arith.muli %add3A, %mul3A_61 : i32
    "tpu.region"() ({
      %run_scoped3A_73 = tpu.sem_alloc : memref<!tpu.dma_semaphore, #tpu.memory_space<semaphore_mem>>
      %dma_start3A_74 = arith.constant 0 : i32
      %dma_start3A_75 = tpu.memref_slice %arg8[%mul3A_62, %dma_start3A_74] : memref<2560x64xf32, #tpu.memory_space<hbm>> -> memref<80x64xf32, #tpu.memory_space<hbm>>
      %dma_start3A_76 = arith.constant 0 : i32
      %dma_start3A_77 = tpu.memref_slice %arg8[%mul3A_62, %dma_start3A_76] : memref<2560x64xf32, #tpu.memory_space<hbm>> -> memref<80x64xf32, #tpu.memory_space<hbm>>
      tpu.enqueue_dma source(%arg15 : memref<80x64xf32, #tpu.memory_space<vmem>>) target(%dma_start3A_77 : memref<80x64xf32, #tpu.memory_space<hbm>>) target_semaphore(%run_scoped3A_73 : memref<!tpu.dma_semaphore, #tpu.memory_space<semaphore_mem>>)
      %dma_wait3A = arith.constant 0 : i32
      %dma_wait3A_78 = tpu.memref_slice %arg8[%mul3A_62, %dma_wait3A] : memref<2560x64xf32, #tpu.memory_space<hbm>> -> memref<80x64xf32, #tpu.memory_space<hbm>>
      %dma_wait3A_79 = arith.constant 0 : i32
      %dma_wait3A_80 = tpu.memref_slice %arg8[%mul3A_62, %dma_wait3A_79] : memref<2560x64xf32, #tpu.memory_space<hbm>> -> memref<80x64xf32, #tpu.memory_space<hbm>>
      tpu.wait_dma2 semaphore(%run_scoped3A_73 : memref<!tpu.dma_semaphore, #tpu.memory_space<semaphore_mem>>) src(%arg15 : memref<80x64xf32, #tpu.memory_space<vmem>>) dst(%dma_wait3A_80 : memref<80x64xf32, #tpu.memory_space<hbm>>)
      tpu.yield
    }) : () -> ()
    %scan3A = arith.constant 0 : i32
    %scan3A_63 = arith.constant 0 : i32
    %scan3A_64 = arith.constant 50 : i32
    %scan3A_65 = arith.addi %scan3A_63, %scan3A_64 : i32
    %scan3A_66 = arith.constant 1 : i32
    scf.for %scan3A_73 = %scan3A_63 to %scan3A_65 step %scan3A_66  : i32 {
      %add3A_74 = arith.constant 3 : i32
      %add3A_75 = arith.addi %scan3A_73, %add3A_74 : i32
      %lt3A = arith.constant 50 : i32
      %lt3A_76 = arith.cmpi slt, %add3A_75, %lt3A : i32
      %convert_element_type3A = arith.extui %lt3A_76 : i1 to i32
      %cond3A = arith.constant 0 : i32
      %cond3A_77 = arith.cmpi ne, %convert_element_type3A, %cond3A : i32
      scf.if %cond3A_77 {
        %add3A_95 = arith.constant 3 : i32
        %add3A_96 = arith.addi %scan3A_73, %add3A_95 : i32
        %rem3A_97 = arith.constant 4 : i32
        %rem3A_98 = arith.remsi %add3A_96, %rem3A_97 : i32
        %rem3A_99 = arith.constant 4 : i32
        %rem3A_100 = arith.remsi %add3A_96, %rem3A_99 : i32
        %dma_start3A_101 = arith.constant 0 : i32
        %dma_start3A_102 = arith.constant 0 : i32
        %dma_start3A_103 = tpu.memref_slice %arg11[%rem3A_98, %dma_start3A_101, %dma_start3A_102] : memref<4x200x64xf32, #tpu.memory_space<vmem>> -> memref<1x200x64xf32, #tpu.memory_space<vmem>>
        %dma_start3A_104 = tpu.memref_squeeze %dma_start3A_103 : memref<1x200x64xf32, #tpu.memory_space<vmem>> -> memref<200x64xf32, #tpu.memory_space<vmem>>
        %dma_start3A_105 = arith.constant 0 : i32
        %dma_start3A_106 = tpu.memref_slice %arg9[%add3A_96, %dma_start3A_105] : memref<50x200xi32, #tpu.memory_space<vmem>> -> memref<1x200xi32, #tpu.memory_space<vmem>>
        %dma_start3A_107 = tpu.memref_squeeze %dma_start3A_106 : memref<1x200xi32, #tpu.memory_space<vmem>> -> memref<200xi32, #tpu.memory_space<vmem>>
        %dma_start3A_108 = arith.constant 0 : i32
        %dma_start3A_109 = arith.constant 0 : i32
        %dma_start3A_110 = tpu.memref_slice %arg2[%dma_start3A_108, %dma_start3A_109] : memref<10240x64xf32, #tpu.memory_space<hbm>> -> memref<10240x64xf32, #tpu.memory_space<hbm>>
        %dma_start3A_111 = tpu.memref_slice %arg13[%rem3A_100] : memref<4x!tpu.dma_semaphore, #tpu.memory_space<semaphore_mem>> -> memref<1x!tpu.dma_semaphore, #tpu.memory_space<semaphore_mem>>
        %dma_start3A_112 = tpu.memref_squeeze %dma_start3A_111 : memref<1x!tpu.dma_semaphore, #tpu.memory_space<semaphore_mem>> -> memref<!tpu.dma_semaphore, #tpu.memory_space<semaphore_mem>>
        tpu.enqueue_indirect_dma source(%dma_start3A_110 : memref<10240x64xf32, #tpu.memory_space<hbm>>) target(%dma_start3A_104 : memref<200x64xf32, #tpu.memory_space<vmem>>) offsets(%dma_start3A_107 : memref<200xi32, #tpu.memory_space<vmem>>) semaphore(%dma_start3A_112 : memref<!tpu.dma_semaphore, #tpu.memory_space<semaphore_mem>>)
      } else {
      }
      %rem3A_78 = arith.constant 4 : i32
      %rem3A_79 = arith.remsi %scan3A_73, %rem3A_78 : i32
      %rem3A_80 = arith.constant 4 : i32
      %rem3A_81 = arith.remsi %scan3A_73, %rem3A_80 : i32
      %dma_wait3A = arith.constant 0 : i32
      %dma_wait3A_82 = arith.constant 0 : i32
      %dma_wait3A_83 = tpu.memref_slice %arg11[%rem3A_79, %dma_wait3A, %dma_wait3A_82] : memref<4x200x64xf32, #tpu.memory_space<vmem>> -> memref<1x200x64xf32, #tpu.memory_space<vmem>>
      %dma_wait3A_84 = tpu.memref_squeeze %dma_wait3A_83 : memref<1x200x64xf32, #tpu.memory_space<vmem>> -> memref<200x64xf32, #tpu.memory_space<vmem>>
      %dma_wait3A_85 = arith.constant 0 : i32
      %dma_wait3A_86 = tpu.memref_slice %arg9[%scan3A_73, %dma_wait3A_85] : memref<50x200xi32, #tpu.memory_space<vmem>> -> memref<1x200xi32, #tpu.memory_space<vmem>>
      %dma_wait3A_87 = tpu.memref_squeeze %dma_wait3A_86 : memref<1x200xi32, #tpu.memory_space<vmem>> -> memref<200xi32, #tpu.memory_space<vmem>>
      %dma_wait3A_88 = arith.constant 0 : i32
      %dma_wait3A_89 = arith.constant 0 : i32
      %dma_wait3A_90 = tpu.memref_slice %arg2[%dma_wait3A_88, %dma_wait3A_89] : memref<10240x64xf32, #tpu.memory_space<hbm>> -> memref<10240x64xf32, #tpu.memory_space<hbm>>
      %dma_wait3A_91 = tpu.memref_slice %arg13[%rem3A_81] : memref<4x!tpu.dma_semaphore, #tpu.memory_space<semaphore_mem>> -> memref<1x!tpu.dma_semaphore, #tpu.memory_space<semaphore_mem>>
      %dma_wait3A_92 = tpu.memref_squeeze %dma_wait3A_91 : memref<1x!tpu.dma_semaphore, #tpu.memory_space<semaphore_mem>> -> memref<!tpu.dma_semaphore, #tpu.memory_space<semaphore_mem>>
      tpu.wait_indirect_dma semaphore(%dma_wait3A_92 : memref<!tpu.dma_semaphore, #tpu.memory_space<semaphore_mem>>) src(%dma_wait3A_90 : memref<10240x64xf32, #tpu.memory_space<hbm>>) dst(%dma_wait3A_84 : memref<200x64xf32, #tpu.memory_space<vmem>>)
      %rem3A_93 = arith.constant 4 : i32
      %rem3A_94 = arith.remsi %scan3A_73, %rem3A_93 : i32
      "tpu.region"() ({
        %run_scoped3A_95 = tpu.sem_alloc : memref<!tpu.dma_semaphore, #tpu.memory_space<semaphore_mem>>
        %dma_start3A_96 = arith.constant 0 : i32
        %dma_start3A_97 = arith.constant 0 : i32
        %dma_start3A_98 = tpu.memref_slice %arg11[%rem3A_94, %dma_start3A_96, %dma_start3A_97] : memref<4x200x64xf32, #tpu.memory_space<vmem>> -> memref<1x200x64xf32, #tpu.memory_space<vmem>>
        %dma_start3A_99 = tpu.memref_squeeze %dma_start3A_98 : memref<1x200x64xf32, #tpu.memory_space<vmem>> -> memref<200x64xf32, #tpu.memory_space<vmem>>
        %dma_start3A_100 = arith.constant 0 : i32
        %dma_start3A_101 = tpu.memref_slice %arg10[%scan3A_73, %dma_start3A_100] : memref<50x200xi32, #tpu.memory_space<vmem>> -> memref<1x200xi32, #tpu.memory_space<vmem>>
        %dma_start3A_102 = tpu.memref_squeeze %dma_start3A_101 : memref<1x200xi32, #tpu.memory_space<vmem>> -> memref<200xi32, #tpu.memory_space<vmem>>
        %dma_start3A_103 = arith.constant 0 : i32
        %dma_start3A_104 = arith.constant 0 : i32
        %dma_start3A_105 = tpu.memref_slice %arg12[%dma_start3A_103, %dma_start3A_104] : memref<10240x64xf32, #tpu.memory_space<vmem_shared>> -> memref<10240x64xf32, #tpu.memory_space<vmem_shared>>
        tpu.enqueue_indirect_dma source(%dma_start3A_99 : memref<200x64xf32, #tpu.memory_space<vmem>>) target(%dma_start3A_105 : memref<10240x64xf32, #tpu.memory_space<vmem_shared>>) offsets(%dma_start3A_102 : memref<200xi32, #tpu.memory_space<vmem>>) semaphore(%run_scoped3A_95 : memref<!tpu.dma_semaphore, #tpu.memory_space<semaphore_mem>>) {add = true}
        %dma_wait3A_106 = arith.constant 0 : i32
        %dma_wait3A_107 = arith.constant 0 : i32
        %dma_wait3A_108 = tpu.memref_slice %arg11[%rem3A_94, %dma_wait3A_106, %dma_wait3A_107] : memref<4x200x64xf32, #tpu.memory_space<vmem>> -> memref<1x200x64xf32, #tpu.memory_space<vmem>>
        %dma_wait3A_109 = tpu.memref_squeeze %dma_wait3A_108 : memref<1x200x64xf32, #tpu.memory_space<vmem>> -> memref<200x64xf32, #tpu.memory_space<vmem>>
        %dma_wait3A_110 = arith.constant 0 : i32
        %dma_wait3A_111 = tpu.memref_slice %arg10[%scan3A_73, %dma_wait3A_110] : memref<50x200xi32, #tpu.memory_space<vmem>> -> memref<1x200xi32, #tpu.memory_space<vmem>>
        %dma_wait3A_112 = tpu.memref_squeeze %dma_wait3A_111 : memref<1x200xi32, #tpu.memory_space<vmem>> -> memref<200xi32, #tpu.memory_space<vmem>>
        %dma_wait3A_113 = arith.constant 0 : i32
        %dma_wait3A_114 = arith.constant 0 : i32
        %dma_wait3A_115 = tpu.memref_slice %arg12[%dma_wait3A_113, %dma_wait3A_114] : memref<10240x64xf32, #tpu.memory_space<vmem_shared>> -> memref<10240x64xf32, #tpu.memory_space<vmem_shared>>
        tpu.wait_indirect_dma semaphore(%run_scoped3A_95 : memref<!tpu.dma_semaphore, #tpu.memory_space<semaphore_mem>>) src(%dma_wait3A_109 : memref<200x64xf32, #tpu.memory_space<vmem>>) dst(%dma_wait3A_115 : memref<10240x64xf32, #tpu.memory_space<vmem_shared>>)
        tpu.yield
      }) : () -> ()
    }
    %scan3A_67 = arith.constant 50 : i32
    %barrier3A_68 = arith.constant 0 : index
    tpu.barrier barrier_id(%barrier3A_68)
    %mul3A_69 = arith.constant 640 : i32
    %mul3A_70 = arith.muli %arg1, %mul3A_69 : i32
    %mul3A_71 = arith.constant 640 : i32
    %mul3A_72 = arith.muli %arg1, %mul3A_71 : i32
    "tpu.region"() ({
      %run_scoped3A_73 = tpu.sem_alloc : memref<!tpu.dma_semaphore, #tpu.memory_space<semaphore_mem>>
      %dma_start3A_74 = arith.constant 0 : i32
      %dma_start3A_75 = tpu.memref_slice %arg7[%arg0, %mul3A_72, %dma_start3A_74] : memref<2x10240x64xf32, #tpu.memory_space<hbm>> -> memref<1x640x64xf32, #tpu.memory_space<hbm>>
      %dma_start3A_76 = tpu.memref_squeeze %dma_start3A_75 : memref<1x640x64xf32, #tpu.memory_space<hbm>> -> memref<640x64xf32, #tpu.memory_space<hbm>>
      %dma_start3A_77 = arith.constant 0 : i32
      %dma_start3A_78 = tpu.memref_slice %arg12[%mul3A_70, %dma_start3A_77] : memref<10240x64xf32, #tpu.memory_space<vmem_shared>> -> memref<640x64xf32, #tpu.memory_space<vmem_shared>>
      tpu.enqueue_dma source(%dma_start3A_78 : memref<640x64xf32, #tpu.memory_space<vmem_shared>>) target(%dma_start3A_76 : memref<640x64xf32, #tpu.memory_space<hbm>>) target_semaphore(%run_scoped3A_73 : memref<!tpu.dma_semaphore, #tpu.memory_space<semaphore_mem>>)
      %dma_wait3A = arith.constant 0 : i32
      %dma_wait3A_79 = tpu.memref_slice %arg7[%arg0, %mul3A_72, %dma_wait3A] : memref<2x10240x64xf32, #tpu.memory_space<hbm>> -> memref<1x640x64xf32, #tpu.memory_space<hbm>>
      %dma_wait3A_80 = tpu.memref_squeeze %dma_wait3A_79 : memref<1x640x64xf32, #tpu.memory_space<hbm>> -> memref<640x64xf32, #tpu.memory_space<hbm>>
      %dma_wait3A_81 = arith.constant 0 : i32
      %dma_wait3A_82 = tpu.memref_slice %arg12[%mul3A_70, %dma_wait3A_81] : memref<10240x64xf32, #tpu.memory_space<vmem_shared>> -> memref<640x64xf32, #tpu.memory_space<vmem_shared>>
      tpu.wait_dma2 semaphore(%run_scoped3A_73 : memref<!tpu.dma_semaphore, #tpu.memory_space<semaphore_mem>>) src(%dma_wait3A_82 : memref<640x64xf32, #tpu.memory_space<vmem_shared>>) dst(%dma_wait3A_80 : memref<640x64xf32, #tpu.memory_space<hbm>>)
      tpu.yield
    }) : () -> ()
    return
  }
}

module attributes {stable_mosaic.version = 14 : i64} {
  func.func @_tc1_body(%arg0: memref<10000x128xf32, #tpu.memory_space<vmem>>, %arg1: memref<128x64xf32, #tpu.memory_space<vmem>>, %arg2: memref<128x64xf32, #tpu.memory_space<vmem>>, %arg3: memref<2x10240x8xf32, #tpu.memory_space<vmem>>, %arg4: memref<10240x64xf32, #tpu.memory_space<vmem>>, %arg5: memref<10240x64xf32, #tpu.memory_space<vmem>>) attributes {dimension_semantics = [], scalar_prefetch = 0 : i64, scratch_operands = 0 : i64, tpu.core_type = #tpu.core_type<tc>} {
    %get3A = arith.constant 0 : index
    %get3A_0 = arith.constant 0 : index
    %get3A_1 = arith.constant 0 : index
    %get3A_2 = vector.load %arg3[%get3A, %get3A_0, %get3A_1] : memref<2x10240x8xf32, #tpu.memory_space<vmem>>, vector<2x10240x8xf32>
    %slice3A = vector.extract_strided_slice %get3A_2 {offsets = [0, 0, 0], sizes = [1, 10240, 1], strides = [1, 1, 1]} : vector<2x10240x8xf32> to vector<1x10240x1xf32>
    %squeeze3A = vector.shape_cast %slice3A : vector<1x10240x1xf32> to vector<10240x1xf32>
    %slice3A_3 = vector.extract_strided_slice %get3A_2 {offsets = [1, 0, 0], sizes = [1, 10240, 1], strides = [1, 1, 1]} : vector<2x10240x8xf32> to vector<1x10240x1xf32>
    %squeeze3A_4 = vector.shape_cast %slice3A_3 : vector<1x10240x1xf32> to vector<10240x1xf32>
    %add3A = arith.addf %squeeze3A, %squeeze3A_4 : vector<10240x1xf32>
    %add3A_5 = arith.constant 1.000000e+00 : f32
    %add3A_6 = vector.broadcast %add3A_5 : f32 to vector<10240x1xf32>
    %add3A_7 = arith.addf %add3A, %add3A_6 : vector<10240x1xf32>
    %rsqrt3A = math.rsqrt %add3A_7 : vector<10240x1xf32>
    %slice3A_8 = vector.extract_strided_slice %rsqrt3A {offsets = [0, 0], sizes = [10000, 1], strides = [1, 1]} : vector<10240x1xf32> to vector<10000x1xf32>
    %get3A_9 = arith.constant 0 : index
    %get3A_10 = arith.constant 0 : index
    %get3A_11 = vector.load %arg0[%get3A_9, %get3A_10] : memref<10000x128xf32, #tpu.memory_space<vmem>>, vector<10000x128xf32>
    %get3A_12 = arith.constant 0 : index
    %get3A_13 = arith.constant 0 : index
    %get3A_14 = vector.load %arg1[%get3A_12, %get3A_13] : memref<128x64xf32, #tpu.memory_space<vmem>>, vector<128x64xf32>
    %dot_general3A = arith.constant dense<0.000000e+00> : vector<10000x64xf32>
    %dot_general3A_15 = tpu.matmul %get3A_11, %get3A_14, %dot_general3A {dimension_numbers = #tpu.dot_dimension_numbers<[1], [0], [0], [1], [0, 0, 1, 1], [], []>, transpose_lhs_hint = false} : vector<10000x128xf32>, vector<128x64xf32>, vector<10000x64xf32> -> vector<10000x64xf32>
    %mul3A = vector.broadcast %slice3A_8 : vector<10000x1xf32> to vector<10000x64xf32>
    %mul3A_16 = arith.mulf %dot_general3A_15, %mul3A : vector<10000x64xf32>
    %swap3A = arith.constant 0 : index
    %swap3A_17 = arith.constant 0 : index
    %swap3A_18 = vector.load %arg4[%swap3A, %swap3A_17] : memref<10240x64xf32, #tpu.memory_space<vmem>>, vector<10000x64xf32>
    tpu.vector_store %arg4[%swap3A, %swap3A_17], %mul3A_16 {strides = array<i32>} : memref<10240x64xf32, #tpu.memory_space<vmem>>, vector<10000x64xf32>,
    %broadcast_in_dim3A = arith.constant 0.000000e+00 : f32
    %broadcast_in_dim3A_19 = vector.broadcast %broadcast_in_dim3A : f32 to vector<240x64xf32>
    %swap3A_20 = arith.constant 10000 : index
    %swap3A_21 = arith.constant 0 : index
    %swap3A_22 = vector.load %arg4[%swap3A_20, %swap3A_21] : memref<10240x64xf32, #tpu.memory_space<vmem>>, vector<240x64xf32>
    tpu.vector_store %arg4[%swap3A_20, %swap3A_21], %broadcast_in_dim3A_19 {strides = array<i32>} : memref<10240x64xf32, #tpu.memory_space<vmem>>, vector<240x64xf32>,
    %get3A_23 = arith.constant 0 : index
    %get3A_24 = arith.constant 0 : index
    %get3A_25 = vector.load %arg2[%get3A_23, %get3A_24] : memref<128x64xf32, #tpu.memory_space<vmem>>, vector<128x64xf32>
    %dot_general3A_26 = arith.constant dense<0.000000e+00> : vector<10000x64xf32>
    %dot_general3A_27 = tpu.matmul %get3A_11, %get3A_25, %dot_general3A_26 {dimension_numbers = #tpu.dot_dimension_numbers<[1], [0], [0], [1], [0, 0, 1, 1], [], []>, transpose_lhs_hint = false} : vector<10000x128xf32>, vector<128x64xf32>, vector<10000x64xf32> -> vector<10000x64xf32>
    %swap3A_28 = arith.constant 0 : index
    %swap3A_29 = arith.constant 0 : index
    %swap3A_30 = vector.load %arg5[%swap3A_28, %swap3A_29] : memref<10240x64xf32, #tpu.memory_space<vmem>>, vector<10000x64xf32>
    tpu.vector_store %arg5[%swap3A_28, %swap3A_29], %dot_general3A_27 {strides = array<i32>} : memref<10240x64xf32, #tpu.memory_space<vmem>>, vector<10000x64xf32>,
    %broadcast_in_dim3A_31 = arith.constant 0.000000e+00 : f32
    %broadcast_in_dim3A_32 = vector.broadcast %broadcast_in_dim3A_31 : f32 to vector<240x64xf32>
    %swap3A_33 = arith.constant 10000 : index
    %swap3A_34 = arith.constant 0 : index
    %swap3A_35 = vector.load %arg5[%swap3A_33, %swap3A_34] : memref<10240x64xf32, #tpu.memory_space<vmem>>, vector<240x64xf32>
    tpu.vector_store %arg5[%swap3A_33, %swap3A_34], %broadcast_in_dim3A_32 {strides = array<i32>} : memref<10240x64xf32, #tpu.memory_space<vmem>>, vector<240x64xf32>,
    return
  }
}

module attributes {stable_mosaic.version = 14 : i64} {
  func.func @_tc_layer_body(%arg0: memref<2x10240x64xf32, #tpu.memory_space<vmem>>, %arg1: memref<10240x64xf32, #tpu.memory_space<vmem>>, %arg2: memref<2x10240x8xf32, #tpu.memory_space<vmem>>, %arg3: memref<1x64xf32, #tpu.memory_space<vmem>>, %arg4: memref<64x64xf32, #tpu.memory_space<vmem>>, %arg5: memref<10240x64xf32, #tpu.memory_space<vmem>>) attributes {dimension_semantics = [], scalar_prefetch = 0 : i64, scratch_operands = 0 : i64, tpu.core_type = #tpu.core_type<tc>} {
    %get3A = arith.constant 0 : index
    %get3A_0 = arith.constant 0 : index
    %get3A_1 = arith.constant 0 : index
    %get3A_2 = vector.load %arg2[%get3A, %get3A_0, %get3A_1] : memref<2x10240x8xf32, #tpu.memory_space<vmem>>, vector<2x10240x8xf32>
    %slice3A = vector.extract_strided_slice %get3A_2 {offsets = [0, 0, 0], sizes = [1, 10240, 1], strides = [1, 1, 1]} : vector<2x10240x8xf32> to vector<1x10240x1xf32>
    %squeeze3A = vector.shape_cast %slice3A : vector<1x10240x1xf32> to vector<10240x1xf32>
    %slice3A_3 = vector.extract_strided_slice %get3A_2 {offsets = [1, 0, 0], sizes = [1, 10240, 1], strides = [1, 1, 1]} : vector<2x10240x8xf32> to vector<1x10240x1xf32>
    %squeeze3A_4 = vector.shape_cast %slice3A_3 : vector<1x10240x1xf32> to vector<10240x1xf32>
    %add3A = arith.addf %squeeze3A, %squeeze3A_4 : vector<10240x1xf32>
    %add3A_5 = arith.constant 1.000000e+00 : f32
    %add3A_6 = vector.broadcast %add3A_5 : f32 to vector<10240x1xf32>
    %add3A_7 = arith.addf %add3A, %add3A_6 : vector<10240x1xf32>
    %rsqrt3A = math.rsqrt %add3A_7 : vector<10240x1xf32>
    %get3A_8 = arith.constant 0 : index
    %get3A_9 = arith.constant 0 : index
    %get3A_10 = arith.constant 0 : index
    %get3A_11 = vector.load %arg0[%get3A_8, %get3A_9, %get3A_10] : memref<2x10240x64xf32, #tpu.memory_space<vmem>>, vector<2x10240x64xf32>
    %slice3A_12 = vector.extract_strided_slice %get3A_11 {offsets = [0, 0, 0], sizes = [1, 10240, 64], strides = [1, 1, 1]} : vector<2x10240x64xf32> to vector<1x10240x64xf32>
    %squeeze3A_13 = vector.shape_cast %slice3A_12 : vector<1x10240x64xf32> to vector<10240x64xf32>
    %slice3A_14 = vector.extract_strided_slice %get3A_11 {offsets = [1, 0, 0], sizes = [1, 10240, 64], strides = [1, 1, 1]} : vector<2x10240x64xf32> to vector<1x10240x64xf32>
    %squeeze3A_15 = vector.shape_cast %slice3A_14 : vector<1x10240x64xf32> to vector<10240x64xf32>
    %add3A_16 = arith.addf %squeeze3A_13, %squeeze3A_15 : vector<10240x64xf32>
    %get3A_17 = arith.constant 0 : index
    %get3A_18 = arith.constant 0 : index
    %get3A_19 = vector.load %arg1[%get3A_17, %get3A_18] : memref<10240x64xf32, #tpu.memory_space<vmem>>, vector<10240x64xf32>
    %add3A_20 = arith.addf %add3A_16, %get3A_19 : vector<10240x64xf32>
    %mul3A = vector.broadcast %rsqrt3A : vector<10240x1xf32> to vector<10240x64xf32>
    %mul3A_21 = arith.mulf %mul3A, %add3A_20 : vector<10240x64xf32>
    %get3A_22 = arith.constant 0 : index
    %get3A_23 = arith.constant 0 : index
    %get3A_24 = vector.load %arg3[%get3A_22, %get3A_23] : memref<1x64xf32, #tpu.memory_space<vmem>>, vector<1x64xf32>
    %add3A_25 = vector.broadcast %get3A_24 : vector<1x64xf32> to vector<10240x64xf32>
    %add3A_26 = arith.addf %mul3A_21, %add3A_25 : vector<10240x64xf32>
    %max3A = arith.constant 0.000000e+00 : f32
    %max3A_27 = vector.broadcast %max3A : f32 to vector<10240x64xf32>
    %max3A_28 = arith.maximumf %add3A_26, %max3A_27 : vector<10240x64xf32>
    %get3A_29 = arith.constant 0 : index
    %get3A_30 = arith.constant 0 : index
    %get3A_31 = vector.load %arg4[%get3A_29, %get3A_30] : memref<64x64xf32, #tpu.memory_space<vmem>>, vector<64x64xf32>
    %dot_general3A = arith.constant dense<0.000000e+00> : vector<10240x64xf32>
    %dot_general3A_32 = tpu.matmul %max3A_28, %get3A_31, %dot_general3A {dimension_numbers = #tpu.dot_dimension_numbers<[1], [0], [0], [1], [0, 0, 1, 1], [], []>, transpose_lhs_hint = false} : vector<10240x64xf32>, vector<64x64xf32>, vector<10240x64xf32> -> vector<10240x64xf32>
    %mul3A_33 = vector.broadcast %rsqrt3A : vector<10240x1xf32> to vector<10240x64xf32>
    %mul3A_34 = arith.mulf %dot_general3A_32, %mul3A_33 : vector<10240x64xf32>
    %swap3A = arith.constant 0 : index
    %swap3A_35 = arith.constant 0 : index
    %swap3A_36 = vector.load %arg5[%swap3A, %swap3A_35] : memref<10240x64xf32, #tpu.memory_space<vmem>>, vector<10240x64xf32>
    tpu.vector_store %arg5[%swap3A, %swap3A_35], %mul3A_34 {strides = array<i32>} : memref<10240x64xf32, #tpu.memory_space<vmem>>, vector<10240x64xf32>,
    return
  }
}

module attributes {stable_mosaic.version = 14 : i64} {
  func.func @_tc_final_body(%arg0: memref<2x10240x64xf32, #tpu.memory_space<vmem>>, %arg1: memref<10240x64xf32, #tpu.memory_space<vmem>>, %arg2: memref<2x10240x8xf32, #tpu.memory_space<vmem>>, %arg3: memref<1x64xf32, #tpu.memory_space<vmem>>, %arg4: memref<10240x64xf32, #tpu.memory_space<vmem>>, %arg5: memref<2560x64xf32, #tpu.memory_space<vmem>>, %arg6: memref<2560x64xf32, #tpu.memory_space<vmem>>, %arg7: memref<2560x64xf32, #tpu.memory_space<vmem>>, %arg8: memref<2560x64xf32, #tpu.memory_space<vmem>>, %arg9: memref<1x1xf32, #tpu.memory_space<vmem>>, %arg10: memref<10240x1xf32, #tpu.memory_space<vmem>>, %arg11: memref<10240x1xf32, #tpu.memory_space<vmem>>) attributes {dimension_semantics = [], scalar_prefetch = 0 : i64, scratch_operands = 0 : i64, tpu.core_type = #tpu.core_type<tc>} {
    %get3A = arith.constant 0 : index
    %get3A_0 = arith.constant 0 : index
    %get3A_1 = arith.constant 0 : index
    %get3A_2 = vector.load %arg2[%get3A, %get3A_0, %get3A_1] : memref<2x10240x8xf32, #tpu.memory_space<vmem>>, vector<2x10240x8xf32>
    %slice3A = vector.extract_strided_slice %get3A_2 {offsets = [0, 0, 0], sizes = [1, 10240, 1], strides = [1, 1, 1]} : vector<2x10240x8xf32> to vector<1x10240x1xf32>
    %squeeze3A = vector.shape_cast %slice3A : vector<1x10240x1xf32> to vector<10240x1xf32>
    %slice3A_3 = vector.extract_strided_slice %get3A_2 {offsets = [1, 0, 0], sizes = [1, 10240, 1], strides = [1, 1, 1]} : vector<2x10240x8xf32> to vector<1x10240x1xf32>
    %squeeze3A_4 = vector.shape_cast %slice3A_3 : vector<1x10240x1xf32> to vector<10240x1xf32>
    %add3A = arith.addf %squeeze3A, %squeeze3A_4 : vector<10240x1xf32>
    %add3A_5 = arith.constant 1.000000e+00 : f32
    %add3A_6 = vector.broadcast %add3A_5 : f32 to vector<10240x1xf32>
    %add3A_7 = arith.addf %add3A, %add3A_6 : vector<10240x1xf32>
    %rsqrt3A = math.rsqrt %add3A_7 : vector<10240x1xf32>
    %get3A_8 = arith.constant 0 : index
    %get3A_9 = arith.constant 0 : index
    %get3A_10 = arith.constant 0 : index
    %get3A_11 = vector.load %arg0[%get3A_8, %get3A_9, %get3A_10] : memref<2x10240x64xf32, #tpu.memory_space<vmem>>, vector<2x10240x64xf32>
    %slice3A_12 = vector.extract_strided_slice %get3A_11 {offsets = [0, 0, 0], sizes = [1, 10240, 64], strides = [1, 1, 1]} : vector<2x10240x64xf32> to vector<1x10240x64xf32>
    %squeeze3A_13 = vector.shape_cast %slice3A_12 : vector<1x10240x64xf32> to vector<10240x64xf32>
    %slice3A_14 = vector.extract_strided_slice %get3A_11 {offsets = [1, 0, 0], sizes = [1, 10240, 64], strides = [1, 1, 1]} : vector<2x10240x64xf32> to vector<1x10240x64xf32>
    %squeeze3A_15 = vector.shape_cast %slice3A_14 : vector<1x10240x64xf32> to vector<10240x64xf32>
    %add3A_16 = arith.addf %squeeze3A_13, %squeeze3A_15 : vector<10240x64xf32>
    %get3A_17 = arith.constant 0 : index
    %get3A_18 = arith.constant 0 : index
    %get3A_19 = vector.load %arg1[%get3A_17, %get3A_18] : memref<10240x64xf32, #tpu.memory_space<vmem>>, vector<10240x64xf32>
    %add3A_20 = arith.addf %add3A_16, %get3A_19 : vector<10240x64xf32>
    %mul3A = vector.broadcast %rsqrt3A : vector<10240x1xf32> to vector<10240x64xf32>
    %mul3A_21 = arith.mulf %mul3A, %add3A_20 : vector<10240x64xf32>
    %get3A_22 = arith.constant 0 : index
    %get3A_23 = arith.constant 0 : index
    %get3A_24 = vector.load %arg3[%get3A_22, %get3A_23] : memref<1x64xf32, #tpu.memory_space<vmem>>, vector<1x64xf32>
    %add3A_25 = vector.broadcast %get3A_24 : vector<1x64xf32> to vector<10240x64xf32>
    %add3A_26 = arith.addf %mul3A_21, %add3A_25 : vector<10240x64xf32>
    %get3A_27 = arith.constant 0 : index
    %get3A_28 = arith.constant 0 : index
    %get3A_29 = vector.load %arg5[%get3A_27, %get3A_28] : memref<2560x64xf32, #tpu.memory_space<vmem>>, vector<2560x64xf32>
    %get3A_30 = arith.constant 0 : index
    %get3A_31 = arith.constant 0 : index
    %get3A_32 = vector.load %arg6[%get3A_30, %get3A_31] : memref<2560x64xf32, #tpu.memory_space<vmem>>, vector<2560x64xf32>
    %get3A_33 = arith.constant 0 : index
    %get3A_34 = arith.constant 0 : index
    %get3A_35 = vector.load %arg7[%get3A_33, %get3A_34] : memref<2560x64xf32, #tpu.memory_space<vmem>>, vector<2560x64xf32>
    %get3A_36 = arith.constant 0 : index
    %get3A_37 = arith.constant 0 : index
    %get3A_38 = vector.load %arg8[%get3A_36, %get3A_37] : memref<2560x64xf32, #tpu.memory_space<vmem>>, vector<2560x64xf32>
    %concatenate3A = tpu.concatenate %get3A_29, %get3A_32, %get3A_35, %get3A_38 in 0 : vector<2560x64xf32>, vector<2560x64xf32>, vector<2560x64xf32>, vector<2560x64xf32> -> vector<10240x64xf32>
    %get3A_39 = arith.constant 0 : index
    %get3A_40 = arith.constant 0 : index
    %get3A_41 = vector.load %arg4[%get3A_39, %get3A_40] : memref<10240x64xf32, #tpu.memory_space<vmem>>, vector<10240x64xf32>
    %mul3A_42 = arith.mulf %get3A_41, %add3A_26 : vector<10240x64xf32>
    %reduce_sum3A = arith.constant dense<0.000000e+00> : vector<10240xf32>
    %reduce_sum3A_43 = vector.multi_reduction <add>, %mul3A_42, %reduce_sum3A [1] : vector<10240x64xf32> to vector<10240xf32>
    %broadcast_in_dim3A = vector.shape_cast %reduce_sum3A_43 : vector<10240xf32> to vector<10240x1xf32>
    %get3A_44 = arith.constant 0 : index
    %get3A_45 = arith.constant 0 : index
    %get3A_46 = vector.load %arg9[%get3A_44, %get3A_45] : memref<1x1xf32, #tpu.memory_space<vmem>>, vector<1x1xf32>
    %get3A_47 = vector.extract %get3A_46[0, 0] : f32 from vector<1x1xf32>
    %add3A_48 = vector.broadcast %get3A_47 : f32 to vector<10240x1xf32>
    %add3A_49 = arith.addf %broadcast_in_dim3A, %add3A_48 : vector<10240x1xf32>
    %swap3A = arith.constant 0 : index
    %swap3A_50 = arith.constant 0 : index
    %swap3A_51 = vector.load %arg10[%swap3A, %swap3A_50] : memref<10240x1xf32, #tpu.memory_space<vmem>>, vector<10240x1xf32>
    tpu.vector_store %arg10[%swap3A, %swap3A_50], %add3A_49 {strides = array<i32>} : memref<10240x1xf32, #tpu.memory_space<vmem>>, vector<10240x1xf32>,
    %mul3A_52 = arith.mulf %concatenate3A, %add3A_26 : vector<10240x64xf32>
    %reduce_sum3A_53 = arith.constant dense<0.000000e+00> : vector<10240xf32>
    %reduce_sum3A_54 = vector.multi_reduction <add>, %mul3A_52, %reduce_sum3A_53 [1] : vector<10240x64xf32> to vector<10240xf32>
    %broadcast_in_dim3A_55 = vector.shape_cast %reduce_sum3A_54 : vector<10240xf32> to vector<10240x1xf32>
    %get3A_56 = arith.constant 0 : index
    %get3A_57 = arith.constant 0 : index
    %get3A_58 = vector.load %arg9[%get3A_56, %get3A_57] : memref<1x1xf32, #tpu.memory_space<vmem>>, vector<1x1xf32>
    %get3A_59 = vector.extract %get3A_58[0, 0] : f32 from vector<1x1xf32>
    %add3A_60 = vector.broadcast %get3A_59 : f32 to vector<10240x1xf32>
    %add3A_61 = arith.addf %broadcast_in_dim3A_55, %add3A_60 : vector<10240x1xf32>
    %swap3A_62 = arith.constant 0 : index
    %swap3A_63 = arith.constant 0 : index
    %swap3A_64 = vector.load %arg11[%swap3A_62, %swap3A_63] : memref<10240x1xf32, #tpu.memory_space<vmem>>, vector<10240x1xf32>
    tpu.vector_store %arg11[%swap3A_62, %swap3A_63], %add3A_61 {strides = array<i32>} : memref<10240x1xf32, #tpu.memory_space<vmem>>, vector<10240x1xf32>,
    return
  }
}

</mosaic_0001>

<sc_bundles>
// kernel: kernel.12.cloned.1.call-start
scs
__scs_entry_jumppad:
0x0: {  	(pc) =	sbr.rel $0x88, $3  }
0x1: {  	(tag) =	ssettag $0x0;
	lr =	simm.s32 $0x1  }
0x2: {  	[smem:$0x3F95] =	sst lr;
	_ =	strace $0xD0000000  }
0x3: {  	_ = 	snop  }
0x4: {  	_ = 	snop  }
0x5: {  	_ = 	snop  }
0x6: {  	_ = 	snop  }
0x7: {  	_ = 	snop  }
__scs_overlays_trampoline_lowered:
0x8: {  	[smem:$0x3FA4] =	sst s0  }
0x9: {  	[smem:$0x3FA5] =	sst s1  }
0xa: {  	[smem:$0x3FA6] =	sst s2  }
0xb: {  	[smem:$0x3FA7] =	sst s3  }
0xc: {  	[smem:$0x3FA8] =	sst s4  }
0xd: {  	[smem:$0x3FA9] =	sst s5  }
0xe: {  	[smem:$0x3FAA] =	sst s6  }
0xf: {  	[smem:$0x3FAB] =	sst s7  }
0x10: {  	[smem:$0x3FAC] =	sst s8  }
0x11: {  	[smem:$0x3FAD] =	sst s9;
	s0 =	simm.s32 @!p0 $0x0  }
0x12: {  	s1 =	sld [smem:$0x3F93];
	s0 =	simm.s32 @p0 $0x1  }
0x13: {  	[smem:$0x3FAE] =	sst s0;
	s0 =	simm.s32 @!p1 $0x0  }
0x14: {  	s2 =	sld [smem:$0x3F92];
	s0 =	simm.s32 @p1 $0x1  }
0x15: {  	[smem:$0x3FAF] =	sst s0;
	s0 =	simm.s32 @!p2 $0x0  }
0x16: {  	s3 =	sld [smem:$0x3FDB];
	s0 =	simm.s32 @p2 $0x1  }
0x17: {  	s4 =	simm.s32 $0x1BF5;
	[smem:$0x3FB1] =	sst s0  }
0x18: {  	s0 =	sld [smem:$0x3F94];
	_ =	swait.ge [sflag:s4], $0x0  }
0x19: {  	s7 =	sld [smem:$0x3F95]  }
0x1a: {  	s8 =	sadd.s32 $0xFFFFE003, lr  }
0x1b: {  	s9 =	sadd.s32 $0xFFFFFEF7, lr;
	s5 =	simm.s32 $0xFFFFFFFF;
	p2 =	slt.u32 s8, $0xFFFFF086  }
0x1c: {  	p1 =	slt.u32 s9, $0xF7A;
	s5 =	simm.s32 @!p2 $0x0  }
0x1d: {  	s5 =	simm.s32 @p1 $0x1;
	p0 =	seq.s32 s7, s2  }
0x1e: {  	s7 =	smul.u32 @!p0 $0xF7A, s2;
	p2 =	seq.s32 @!p0 s5, $0x0  }
0x1f: {  	s9 =	smul.u32 $0xF7A, s1;
	s8 =	simm.s32 @!p0 $0x1BF5;
	p2 =	por !p2, p0  }
0x20: {  	[sflag:s8] =	ssyncset.s32 @!p0 $0xFFFFF086;
	s6 =	sadd.s32 @!p0 s3, s7;
	s7 =	simm.s32 @!p0 $0x108  }
0x21: {  	s3 =	sadd.s32 s3, s9;
	s6 =	sadd.s32 @!p0 $0x88, s6;
	s7 =	simm.s32 @p2 $0x1082  }
0x22: {  	[simem:s7], [sflag:s8] =	dma.local @!p0 [hbm:s6], $0xF7A  }
0x23: {  	s9 =	sor.u32 $0xD0000000, s2;
	s6 =	simm.s32 $0x108;
	_ =	swait.ge @!p0 [sflag:s8], $0x0  }
0x24: {  	s3 =	sadd.s32 $0x88, s3;
	s6 =	simm.s32 @!p1 $0x1082;
	[sflag:s4] =	ssyncset.s32 $0xFFFFF086  }
0x25: {  	[simem:s6], [sflag:s4] =	dma.local [hbm:s3], $0xF7A  }
0x26: {  	[smem:$0x3F95] =	sst s1;
	(tag) =	ssettag s2;
	_ =	strace s9  }
0x27: {  	s1 =	sld [smem:$0x3FA5]  }
0x28: {  	s2 =	sld [smem:$0x3FA6]  }
0x29: {  	s4 =	sld [smem:$0x3FA8]  }
0x2a: {  	p0 =	seq.s32 s5, $0x0;
	s5 =	sld [smem:$0x3FA9]  }
0x2b: {  	s6 =	sld [smem:$0x3FAA]  }
0x2c: {  	s7 =	sld [smem:$0x3FAB]  }
0x2d: {  	s3 =	simm.s32 $0x108;
	s8 =	sld [smem:$0x3FAC]  }
0x2e: {  	s3 =	simm.s32 @!p0 $0x1082;
	s9 =	sld [smem:$0x3FAD]  }
0x2f: {  	lr =	sadd.s32 s0, s3;
	s0 =	sld [smem:$0x3FA4]  }
0x30: {  	s3 =	sld [smem:$0x3FA7]  }
0x31: {  	[smem:$0x3FB0] =	sst s10  }
0x32: {  	s10 =	sld [smem:$0x3FAE];
	_ =	sdelay $0x3  }
0x33: {  	p0 =	seq.s32 s10, $0x1;
	s10 =	sld [smem:$0x3FB0];
	_ =	sdelay $0x3  }
0x34: {  	[smem:$0x3FB0] =	sst s10  }
0x35: {  	s10 =	sld [smem:$0x3FAF];
	_ =	sdelay $0x3  }
0x36: {  	p1 =	seq.s32 s10, $0x1;
	s10 =	sld [smem:$0x3FB0];
	_ =	sdelay $0x3  }
0x37: {  	[smem:$0x3FB0] =	sst s10  }
0x38: {  	s10 =	sld [smem:$0x3FB1]  }
0x39: {  	_ = 	snop;
	(pc) =	sbr.ind lr, $3  }
0x3a: {  	_ = 	snop  }
0x3b: {  	_ = 	snop  }
0x3c: {  	p2 =	seq.s32 s10, $0x1;
	s10 =	sld [smem:$0x3FB0]  }
0x3d: {  	_ =	shalt  }
0x3e: {  	_ =	shalt  }
0x3f: {  	_ =	shalt  }
0x40: {  	_ =	shalt  }
0x41: {  	_ =	shalt  }
0x42: {  	_ =	shalt  }
0x43: {  	_ =	shalt  }
0x44: {  	_ =	shalt  }
0x45: {  	_ =	shalt  }
0x46: {  	_ =	shalt  }
0x47: {  	_ =	shalt  }
0x48: {  	_ =	shalt  }
0x49: {  	_ =	shalt  }
0x4a: {  	_ =	shalt  }
0x4b: {  	_ =	shalt  }
0x4c: {  	_ =	shalt  }
0x4d: {  	_ =	shalt  }
0x4e: {  	_ =	shalt  }
0x4f: {  	_ =	shalt  }
0x50: {  	_ =	shalt  }
0x51: {  	_ =	shalt  }
0x52: {  	_ =	shalt  }
0x53: {  	_ =	shalt  }
0x54: {  	_ =	shalt  }
0x55: {  	_ =	shalt  }
0x56: {  	_ =	shalt  }
0x57: {  	_ =	shalt  }
0x58: {  	_ =	shalt  }
0x59: {  	_ =	shalt  }
0x5a: {  	_ =	shalt  }
0x5b: {  	_ =	shalt  }
0x5c: {  	_ =	shalt  }
0x5d: {  	_ =	shalt  }
0x5e: {  	_ =	shalt  }
0x5f: {  	_ =	shalt  }
0x60: {  	_ =	shalt  }
0x61: {  	_ =	shalt  }
0x62: {  	_ =	shalt  }
0x63: {  	_ =	shalt  }
0x64: {  	_ =	shalt  }
0x65: {  	_ =	shalt  }
0x66: {  	_ =	shalt  }
0x67: {  	_ =	shalt  }
0x68: {  	_ =	shalt  }
0x69: {  	_ =	shalt  }
0x6a: {  	_ =	shalt  }
0x6b: {  	_ =	shalt  }
0x6c: {  	_ =	shalt  }
0x6d: {  	_ =	shalt  }
0x6e: {  	_ =	shalt  }
0x6f: {  	_ =	shalt  }
0x70: {  	_ =	shalt  }
0x71: {  	_ =	shalt  }
0x72: {  	_ =	shalt  }
0x73: {  	_ =	shalt  }
0x74: {  	_ =	shalt  }
0x75: {  	_ =	shalt  }
0x76: {  	_ =	shalt  }
0x77: {  	_ =	shalt  }
0x78: {  	_ =	shalt  }
0x79: {  	_ =	shalt  }
0x7a: {  	_ =	shalt  }
0x7b: {  	_ =	shalt  }
0x7c: {  	_ =	shalt  }
0x7d: {  	_ =	shalt  }
0x7e: {  	_ =	shalt  }
0x7f: {  	_ =	shalt  }
0x80: {  	_ =	shalt  }
0x81: {  	_ =	shalt  }
0x82: {  	_ =	shalt  }
0x83: {  	_ =	shalt  }
0x84: {  	_ =	shalt  }
0x85: {  	_ =	shalt  }
0x86: {  	_ =	shalt  }
0x87: {  	_ =	shalt  }
.Lfunc_end0:
.L_simem_size_0:
called_computation_lowered:
.L_overlay_start_0:
0x88: {  	s2 =	sld [smem:$0x3FD9]  }
0x89: {  	s3 =	sld [smem:$0x3FFE];
	_ =	sdelay $0x1  }
0x8a: {  	s1 =	srdreg.scid  }
0x8b: {  	s0 =	sand.u32 $0x1, s1  }
0x8c: {  	s14 =	sshll.u32 s0, $0xA;
	s2 =	sadd.s32 s3, s2  }
0x8d: {  	s2 =	sadd.s32 s2, s14  }
0x8e: {  	[smem:$0x3FBC] =	sst s2  }
0x8f: {  	_ = 	snop  }
0x90: {  	s2 =	sld [smem:$0x3FD0];
	_ =	sdelay $0x2  }
0x91: {  	s15 =	simm.s32 $0xA;
	s4 =	simm.s32 $0x10  }
0x92: {  	[smem:s4], [sflag:s15] =	dma.local [hbm:s2], $0x1  }
0x93: {  	_ =	swait.eq [sflag:s15], $0x1  }
0x94: {  	[sflag:s15] =	ssyncset.done $0x0  }
0x95: {  	[sflag:s15] =	ssyncadd.s32 $0xFFFFFFFF  }
0x96: {  	s16 =	sld [smem:$0x11];
	(tm) =	ssettm $0x1  }
0x97: {  	s17 =	sld [smem:$0x3FFB];
	_ =	sdelay $0x3  }
0x98: {  	_ =	strace s17  }
0x99: {  	s3 =	sld [smem:$0x3FFC];
	_ =	sdelay $0x3  }
0x9a: {  	_ =	strace s3  }
0x9b: {  	s3 =	sld [smem:$0x3FFD];
	_ =	sdelay $0x3  }
0x9c: {  	_ =	strace s3  }
0x9d: {  	_ =	strace $0x8FFFFFFF  }
0x9e: {  	s18 =	sld [smem:$0x3FDB];
	_ =	sdelay $0x1  }
0x9f: {  	s19 =	simm.s32 $_scs_section_size  }
0xa0: {  	s5 =	simm.s32 $_size__tile_overlayer_lowered;
	s6 =	simm.s32 $_tile_overlayer_lowered  }
0xa1: {  	s22 =	simm.s32 $0x1BFF;
	s21 =	sshll.u32 s6, $0x1;
	s3 =	sadd.s32 s19, s18  }
0xa2: {  	s7 =	simm.s32 $0x0;
	s20 =	sshll.u32 s5, $0x1;
	s5 =	sadd.s32 s21, s3  }
0xa3: {  	[timem:s7], [sflag:s22] =	dma.local [hbm:s5], s20  }
0xa4: {  	_ =	swait.ge [sflag:s22], s20  }
0xa5: {  	s4 =	ssub.s32 $0x0, s20;
	[sflag:s22] =	ssyncset.done $0x0  }
0xa6: {  	[sflag:s22] =	ssyncadd.s32 s4;
	_ =	sdelay $0x1  }
0xa7: {  	s23 =	simm.s32 $0x1B8B  }
0xa8: {  	_ =	swait.ge [sflag:s23], $0x1  }
0xa9: {  	[sflag:s23] =	ssyncset.done $0x0  }
0xaa: {  	s25 =	simm.s32 $0x1B8E;
	s24 =	sld [smem:$0x3FFE];
	[sflag:s23] =	ssyncadd.s32 $0xFFFFFFFF  }
0xab: {  	s26 =	simm.s32 $execute0_lowered;
	[smem:$0x3FD2] =	sst s25  }
0xac: {  	s5 =	sshll.u32 s26, $0x1;
	_ =	strace $0x80000046;
	[dreg:$0x1] =	wrdreg $0xFFFFFFFF  }
0xad: {  	s28 =	simm.s32 $_size_execute0_lowered;
	s3 =	sadd.s32 s3, s5;
	[dreg:$0x0] =	wrdreg $0x0  }
0xae: {  	s5 =	sshll.u32 s28, $0x1;
	[dreg:$0x2] =	wrdreg s3  }
0xaf: {  	[dreg:$0x3] =	wrdreg s5  }
0xb0: {  	[dreg:$0x4] =	wrdreg $0xC0  }
0xb1: {  	_ =	task [dreg:s7], $0x5FFFF  }
0xb2: {  	[dreg:$0x1] =	wrdreg $0xFFFFFFFF  }
0xb3: {  	[dreg:$0x0] =	wrdreg $0x60  }
0xb4: {  	[dreg:$0x2] =	wrdreg s24  }
0xb5: {  	[dreg:$0x3] =	wrdreg s16  }
0xb6: {  	[dreg:$0x4] =	wrdreg $0x2D500  }
0xb7: {  	[dreg:$0x5] =	wrdreg $0x9  }
0xb8: {  	_ =	task.clear_ibuf [dreg:s7], $0x6FFFF;
	_ =	strace $0x90000046  }
0xb9: {  	s29 =	simm.s32 $0x9;
	_ =	strace $0x80000048  }
0xba: {  	_ =	swait.ge [sflag:s29], $0x1  }
0xbb: {  	[sflag:s29] =	ssyncadd.s32 $0xFFFFFFFF  }
0xbc: {  	_ =	strace $0x90000048  }
0xbd: {  	_ =	sfence  }
0xbe: {  	s30 =	sld [smem:$0x0];
	_ =	sdelay $0x2  }
0xbf: {  	s31 =	sshll.u32 s1, $0xD;
	s1 =	sshrl.u32 s1, $0x2  }
0xc0: {  	s3 =	sand.u32 $0x4000, s31;
	s1 =	sadd.s32 s1, s30  }
0xc1: {  	s0 =	sor.u32 s3, s0;
	s1 =	sshll.u32 s1, $0x11  }
0xc2: {  	s0 =	sor.u32 s1, s0  }
0xc3: {  	s0 =	sadd.s32 $0x8F2B, s0  }
0xc4: {  	[sflag:s0] =	ssyncadd.remote.s32 $0x1  }
0xc5: {  	_ =	sfence.sel $0xFFFF  }
0xc6: {  	[dreg:$0x0] =	wrdreg $0xFFFFFFFF;
	(pc) =	sbr.abs _section_cstart, $3  }
0xc7: {  	[dreg:$0x1] =	wrdreg $0xFFFFFFFF  }
0xc8: {  	_ =	task.clear_ibuf [dreg:s7], $0x2FFFF;
	_ =	strace $0x9FFFFFFF  }
0xc9: {  	(tm) =	ssettm $0x7FFFFFFF  }
tec
execute0_lowered:
.L_overlay_start_1:
0x0: {  	(tag) =	ssettag $0x1  }
0x1: {  	s6 =	rddreg [dreg:$0x0]  }
0x2: {  	s2 =	rddreg [dreg:$0x1]  }
0x3: {  	s3 =	rddreg [dreg:$0x2]  }
0x4: {  	s0 =	rddreg [dreg:$0x3]  }
0x5: {  	s1 =	stileid.u32;
	s5 =	srdreg.scid;
	s4 =	simm.s32 $0x0  }
0x6: {  	s13 =	simm.s32 $0xC8;
	s14 =	simm.s32 $0x0;
	s7 =	smul.u32 $0x1400, s1  }
0x7: {  	s5 =	sand.u32 $0x1, s5;
	[smem:$0x7FF] =	sst s4;
	s31 =	sshll.u32 s1, $0x6  }
0x8: {  	s8 =	smul.u32 $0x14000, s5;
	_ =	strace $0x80000047;
	s9 =	sshll.u32 s5, $0x4  }
0x9: {  	s5 =	ssub.s32 $0x2, s5;
	s10 =	sshrl.u32 s7, $0x3;
	s9 =	sor.u32 s1, s9  }
0xa: {  	s11 =	sshrl.u32 s5, $0x1;
	s12 =	sadd.s32 s7, s3;
	s8 =	sadd.s32 s7, s8  }
0xb: {  	s9 =	smul.u32 $0x2710, s9;
	s10 =	sadd.s32 s10, s6;
	s11 =	ssub.s32 s5, s11  }
0xc: {  	s8 =	sshrl.u32 s8, $0x3;
	s5 =	sadd.s32 $0x18600, s10;
	s10 =	sshrl.u32 s12, $0x3  }
0xd: {  	s12 =	simm.s32 $0x2710;
	s8 =	sadd.s32 s8, s6;
	s30 =	sshrl.u32 s9, $0x3  }
0xe: {  	s9 =	smax.u32 s11, $0x1;
	s11 =	simm.s32 $0x1;
	s7 =	sadd.s32 s6, s30  }
0xf: {  	s6 =	sor.u32 $0x1C01, s31;
	s8 =	sadd.s32 $0x1AE00, s8;
	s7 =	sadd.s32 $0xE840, s7  }
.LBB2_1:
0x10: {  	[spmem:s10], [sflag:s6] =	dma.local [hbm:s5], $0x280  }
0x11: {  	_ =	swait.ge [sflag:s11], $0x280  }
0x12: {  	[sflag:s11] =	ssyncset.done $0x0  }
0x13: {  	[sflag:s11] =	ssyncadd.s32 $0xFFFFFD80  }
0x14: {  	[tilespmem:s12], [sflag:$0x1] =	stream.linear.gather [hbm4b:s2+s4], $0x640, $0x38;
	[tilespmem:$0x4150] =	vst v63  }
0x15: {  	_ =	swait.ge [sflag:s11], $0x640  }
0x16: {  	[sflag:s11] =	ssyncset.done $0x0  }
0x17: {  	[sflag:s11] =	ssyncadd.s32 $0xFFFFF9C0  }
0x18: {  	[bflag:$0x0] =	sbarrier.arrive $0xFFFF  }
0x19: {  	[tilespmem:s4], [sflag:$0x1] =	stream.linear.gather [hbm4b:s7+s4], $0x2710, $0x38;
	[tilespmem:$0x4150] =	vst v63  }
0x1a: {  	_ =	swait.ge [sflag:s11], $0x2710  }
0x1b: {  	[sflag:s11] =	ssyncset.done $0x0  }
0x1c: {  	s15 =	simm.s32 $0x0;
	[sflag:s11] =	ssyncadd.s32 $0xFFFFD8F0  }
0x1d: {  	[spmem:s3] =	stream.indirect.scatter.add.f32 [tilespmem:s12], [sflag:$0x1], $0x8, s15, s13, $0xb8;
	[tilespmem:$0x4150] =	vst v63  }
0x1e: {  	_ =	swait.ge [sflag:s11], $0x640  }
0x1f: {  	s15 =	simm.s32 $0x320;
	[sflag:s11] =	ssyncset.done $0x0  }
.LBB2_2:
0x20: {  	s16 =	sshra.s32 s15, $0x2;
	[sflag:s11] =	ssyncadd.s32 $0xFFFFF9C0;
	p0 =	sne.s32 s15, $0x9920  }
0x21: {  	[spmem:s3] =	stream.indirect.scatter.add.f32 [tilespmem:s12], [sflag:$0x1], $0x8, s16, s13, $0xb8;
	[tilespmem:$0x4150] =	vst v63  }
.Ltmp0:
0x22: {  	_ = 	snop;
	(pc) =	sbr.rel @p0 .LBB2_2-.Ltmp0, $4  }
0x23: {  	_ = 	snop  }
0x24: {  	s15 =	sadd.s32 $0x320, s15  }
0x25: {  	_ =	swait.ge [sflag:s11], $0x640  }
0x26: {  	[sflag:s11] =	ssyncset.done $0x0  }
0x27: {  	s14 =	sadd.s32 $0x1, s14  }
0x28: {  	[sflag:s11] =	ssyncadd.s32 $0xFFFFF9C0;
	p0 =	sne.s32 s14, s9  }
.Ltmp1:
0x29: {  	[bflag:$0x0] =	sbarrier.arrive $0xFFFF;
	(pc) =	sbr.rel @p0 .LBB2_1-.Ltmp1, $4  }
0x2a: {  	[hbm:s8], [sflag:s6] =	dma.local [spmem:s10], $0x280  }
0x2b: {  	_ =	swait.ge [sflag:s11], $0x280  }
0x2c: {  	[sflag:s11] =	ssyncset.done $0x0  }
0x2d: {  	[sflag:s11] =	ssyncadd.s32 $0xFFFFFD80  }
0x2e: {  	_ =	sfence.sel $0x180000  }
0x2f: {  	[bflag:$0x0] =	sbarrier.arrive $0xFFFF  }
0x30: {  	p0 =	sne.s32 s1, $0x0;
	_ =	strace $0x90000047  }
0x31: {  	s0 =	sadd.s32 @!p0 $0x100000, s0;
	[bflag:$0x2] =	sbarrier.arrive $0xFFFF  }
0x32: {  	[sflag:s0] =	ssyncadd.tile.s32 @!p0 $0x1;
	_ =	shalt  }
.Lfunc_end2:
_tile_overlayer_lowered:
.L_overlay_start_2:
0x33: {  	(tag) =	ssettag $0x2  }
0x34: {  	s0 =	rddreg [dreg:$0x0];
	s2 =	stileid.u32  }
0x35: {  	s1 =	rddreg [dreg:$0x1];
	p0 =	sne.s32 s2, $0x0  }
0x36: {  	s3 =	rddreg [dreg:$0x2];
	[bflag:$0x3] =	sbarrier.arrive $0xFFFF;
	s2 =	simm.s32 @!p0 $0x1C01  }
0x37: {  	[timem:s3], [sflag:s2] =	dma.local @!p0 [hbm:s0], s1  }
0x38: {  	s0 =	simm.s32 @!p0 $0x1  }
0x39: {  	_ =	swait.ge @!p0 [sflag:s0], s1  }
0x3a: {  	s1 =	ssub.s32 @!p0 $0x0, s1;
	[sflag:s0] =	ssyncset.done @!p0 $0x0  }
0x3b: {  	[sflag:s0] =	ssyncadd.s32 @!p0 s1  }
0x3c: {  	[bflag:$0x3] =	sbarrier.arrive $0xFFFF  }
0x3d: {  	_ =	shalt  }

// kernel: kernel.15.cloned.1.call-start
scs
__scs_entry_jumppad:
0x0: {  	(pc) =	sbr.rel $0x88, $3  }
0x1: {  	(tag) =	ssettag $0x0;
	lr =	simm.s32 $0x1  }
0x2: {  	[smem:$0x3F95] =	sst lr;
	_ =	strace $0xD0000000  }
0x3: {  	_ = 	snop  }
0x4: {  	_ = 	snop  }
0x5: {  	_ = 	snop  }
0x6: {  	_ = 	snop  }
0x7: {  	_ = 	snop  }
__scs_overlays_trampoline_lowered:
0x8: {  	[smem:$0x3FA4] =	sst s0  }
0x9: {  	[smem:$0x3FA5] =	sst s1  }
0xa: {  	[smem:$0x3FA6] =	sst s2  }
0xb: {  	[smem:$0x3FA7] =	sst s3  }
0xc: {  	[smem:$0x3FA8] =	sst s4  }
0xd: {  	[smem:$0x3FA9] =	sst s5  }
0xe: {  	[smem:$0x3FAA] =	sst s6  }
0xf: {  	[smem:$0x3FAB] =	sst s7  }
0x10: {  	[smem:$0x3FAC] =	sst s8  }
0x11: {  	[smem:$0x3FAD] =	sst s9;
	s0 =	simm.s32 @!p0 $0x0  }
0x12: {  	s1 =	sld [smem:$0x3F93];
	s0 =	simm.s32 @p0 $0x1  }
0x13: {  	[smem:$0x3FAE] =	sst s0;
	s0 =	simm.s32 @!p1 $0x0  }
0x14: {  	s2 =	sld [smem:$0x3F92];
	s0 =	simm.s32 @p1 $0x1  }
0x15: {  	[smem:$0x3FAF] =	sst s0;
	s0 =	simm.s32 @!p2 $0x0  }
0x16: {  	s3 =	sld [smem:$0x3FDB];
	s0 =	simm.s32 @p2 $0x1  }
0x17: {  	s4 =	simm.s32 $0x1BF5;
	[smem:$0x3FB1] =	sst s0  }
0x18: {  	s0 =	sld [smem:$0x3F94];
	_ =	swait.ge [sflag:s4], $0x0  }
0x19: {  	s7 =	sld [smem:$0x3F95]  }
0x1a: {  	s8 =	sadd.s32 $0xFFFFE003, lr  }
0x1b: {  	s9 =	sadd.s32 $0xFFFFFEF7, lr;
	s5 =	simm.s32 $0xFFFFFFFF;
	p2 =	slt.u32 s8, $0xFFFFF086  }
0x1c: {  	p1 =	slt.u32 s9, $0xF7A;
	s5 =	simm.s32 @!p2 $0x0  }
0x1d: {  	s5 =	simm.s32 @p1 $0x1;
	p0 =	seq.s32 s7, s2  }
0x1e: {  	s7 =	smul.u32 @!p0 $0xF7A, s2;
	p2 =	seq.s32 @!p0 s5, $0x0  }
0x1f: {  	s9 =	smul.u32 $0xF7A, s1;
	s8 =	simm.s32 @!p0 $0x1BF5;
	p2 =	por !p2, p0  }
0x20: {  	[sflag:s8] =	ssyncset.s32 @!p0 $0xFFFFF086;
	s6 =	sadd.s32 @!p0 s3, s7;
	s7 =	simm.s32 @!p0 $0x108  }
0x21: {  	s3 =	sadd.s32 s3, s9;
	s6 =	sadd.s32 @!p0 $0x88, s6;
	s7 =	simm.s32 @p2 $0x1082  }
0x22: {  	[simem:s7], [sflag:s8] =	dma.local @!p0 [hbm:s6], $0xF7A  }
0x23: {  	s9 =	sor.u32 $0xD0000000, s2;
	s6 =	simm.s32 $0x108;
	_ =	swait.ge @!p0 [sflag:s8], $0x0  }
0x24: {  	s3 =	sadd.s32 $0x88, s3;
	s6 =	simm.s32 @!p1 $0x1082;
	[sflag:s4] =	ssyncset.s32 $0xFFFFF086  }
0x25: {  	[simem:s6], [sflag:s4] =	dma.local [hbm:s3], $0xF7A  }
0x26: {  	[smem:$0x3F95] =	sst s1;
	(tag) =	ssettag s2;
	_ =	strace s9  }
0x27: {  	s1 =	sld [smem:$0x3FA5]  }
0x28: {  	s2 =	sld [smem:$0x3FA6]  }
0x29: {  	s4 =	sld [smem:$0x3FA8]  }
0x2a: {  	p0 =	seq.s32 s5, $0x0;
	s5 =	sld [smem:$0x3FA9]  }
0x2b: {  	s6 =	sld [smem:$0x3FAA]  }
0x2c: {  	s7 =	sld [smem:$0x3FAB]  }
0x2d: {  	s3 =	simm.s32 $0x108;
	s8 =	sld [smem:$0x3FAC]  }
0x2e: {  	s3 =	simm.s32 @!p0 $0x1082;
	s9 =	sld [smem:$0x3FAD]  }
0x2f: {  	lr =	sadd.s32 s0, s3;
	s0 =	sld [smem:$0x3FA4]  }
0x30: {  	s3 =	sld [smem:$0x3FA7]  }
0x31: {  	[smem:$0x3FB0] =	sst s10  }
0x32: {  	s10 =	sld [smem:$0x3FAE];
	_ =	sdelay $0x3  }
0x33: {  	p0 =	seq.s32 s10, $0x1;
	s10 =	sld [smem:$0x3FB0];
	_ =	sdelay $0x3  }
0x34: {  	[smem:$0x3FB0] =	sst s10  }
0x35: {  	s10 =	sld [smem:$0x3FAF];
	_ =	sdelay $0x3  }
0x36: {  	p1 =	seq.s32 s10, $0x1;
	s10 =	sld [smem:$0x3FB0];
	_ =	sdelay $0x3  }
0x37: {  	[smem:$0x3FB0] =	sst s10  }
0x38: {  	s10 =	sld [smem:$0x3FB1]  }
0x39: {  	_ = 	snop;
	(pc) =	sbr.ind lr, $3  }
0x3a: {  	_ = 	snop  }
0x3b: {  	_ = 	snop  }
0x3c: {  	p2 =	seq.s32 s10, $0x1;
	s10 =	sld [smem:$0x3FB0]  }
0x3d: {  	_ =	shalt  }
0x3e: {  	_ =	shalt  }
0x3f: {  	_ =	shalt  }
0x40: {  	_ =	shalt  }
0x41: {  	_ =	shalt  }
0x42: {  	_ =	shalt  }
0x43: {  	_ =	shalt  }
0x44: {  	_ =	shalt  }
0x45: {  	_ =	shalt  }
0x46: {  	_ =	shalt  }
0x47: {  	_ =	shalt  }
0x48: {  	_ =	shalt  }
0x49: {  	_ =	shalt  }
0x4a: {  	_ =	shalt  }
0x4b: {  	_ =	shalt  }
0x4c: {  	_ =	shalt  }
0x4d: {  	_ =	shalt  }
0x4e: {  	_ =	shalt  }
0x4f: {  	_ =	shalt  }
0x50: {  	_ =	shalt  }
0x51: {  	_ =	shalt  }
0x52: {  	_ =	shalt  }
0x53: {  	_ =	shalt  }
0x54: {  	_ =	shalt  }
0x55: {  	_ =	shalt  }
0x56: {  	_ =	shalt  }
0x57: {  	_ =	shalt  }
0x58: {  	_ =	shalt  }
0x59: {  	_ =	shalt  }
0x5a: {  	_ =	shalt  }
0x5b: {  	_ =	shalt  }
0x5c: {  	_ =	shalt  }
0x5d: {  	_ =	shalt  }
0x5e: {  	_ =	shalt  }
0x5f: {  	_ =	shalt  }
0x60: {  	_ =	shalt  }
0x61: {  	_ =	shalt  }
0x62: {  	_ =	shalt  }
0x63: {  	_ =	shalt  }
0x64: {  	_ =	shalt  }
0x65: {  	_ =	shalt  }
0x66: {  	_ =	shalt  }
0x67: {  	_ =	shalt  }
0x68: {  	_ =	shalt  }
0x69: {  	_ =	shalt  }
0x6a: {  	_ =	shalt  }
0x6b: {  	_ =	shalt  }
0x6c: {  	_ =	shalt  }
0x6d: {  	_ =	shalt  }
0x6e: {  	_ =	shalt  }
0x6f: {  	_ =	shalt  }
0x70: {  	_ =	shalt  }
0x71: {  	_ =	shalt  }
0x72: {  	_ =	shalt  }
0x73: {  	_ =	shalt  }
0x74: {  	_ =	shalt  }
0x75: {  	_ =	shalt  }
0x76: {  	_ =	shalt  }
0x77: {  	_ =	shalt  }
0x78: {  	_ =	shalt  }
0x79: {  	_ =	shalt  }
0x7a: {  	_ =	shalt  }
0x7b: {  	_ =	shalt  }
0x7c: {  	_ =	shalt  }
0x7d: {  	_ =	shalt  }
0x7e: {  	_ =	shalt  }
0x7f: {  	_ =	shalt  }
0x80: {  	_ =	shalt  }
0x81: {  	_ =	shalt  }
0x82: {  	_ =	shalt  }
0x83: {  	_ =	shalt  }
0x84: {  	_ =	shalt  }
0x85: {  	_ =	shalt  }
0x86: {  	_ =	shalt  }
0x87: {  	_ =	shalt  }
.Lfunc_end0:
.L_simem_size_0:
called_computation.1_lowered:
.L_overlay_start_0:
0x88: {  	s2 =	sld [smem:$0x3FD9]  }
0x89: {  	s3 =	sld [smem:$0x3FFE];
	_ =	sdelay $0x1  }
0x8a: {  	s1 =	srdreg.scid  }
0x8b: {  	s0 =	sand.u32 $0x1, s1  }
0x8c: {  	s14 =	sshll.u32 s0, $0xA;
	s2 =	sadd.s32 s3, s2  }
0x8d: {  	s2 =	sadd.s32 s2, s14  }
0x8e: {  	[smem:$0x3FBC] =	sst s2  }
0x8f: {  	_ = 	snop  }
0x90: {  	s2 =	sld [smem:$0x3FD0];
	_ =	sdelay $0x2  }
0x91: {  	s15 =	simm.s32 $0xA;
	s4 =	simm.s32 $0x10  }
0x92: {  	[smem:s4], [sflag:s15] =	dma.local [hbm:s2], $0x1  }
0x93: {  	_ =	swait.eq [sflag:s15], $0x1  }
0x94: {  	[sflag:s15] =	ssyncset.done $0x0  }
0x95: {  	[sflag:s15] =	ssyncadd.s32 $0xFFFFFFFF  }
0x96: {  	s16 =	sld [smem:$0x10];
	(tm) =	ssettm $0x1  }
0x97: {  	s17 =	sld [smem:$0x3FFB];
	_ =	sdelay $0x3  }
0x98: {  	_ =	strace s17  }
0x99: {  	s3 =	sld [smem:$0x3FFC];
	_ =	sdelay $0x3  }
0x9a: {  	_ =	strace s3  }
0x9b: {  	s3 =	sld [smem:$0x3FFD];
	_ =	sdelay $0x3  }
0x9c: {  	_ =	strace s3  }
0x9d: {  	_ =	strace $0x8FFFFFFF  }
0x9e: {  	s18 =	sld [smem:$0x3FDB];
	_ =	sdelay $0x1  }
0x9f: {  	s19 =	simm.s32 $_scs_section_size  }
0xa0: {  	s5 =	simm.s32 $_size__tile_overlayer_lowered;
	s6 =	simm.s32 $_tile_overlayer_lowered  }
0xa1: {  	s22 =	simm.s32 $0x1BFF;
	s21 =	sshll.u32 s6, $0x1;
	s3 =	sadd.s32 s19, s18  }
0xa2: {  	s7 =	simm.s32 $0x0;
	s20 =	sshll.u32 s5, $0x1;
	s5 =	sadd.s32 s21, s3  }
0xa3: {  	[timem:s7], [sflag:s22] =	dma.local [hbm:s5], s20  }
0xa4: {  	_ =	swait.ge [sflag:s22], s20  }
0xa5: {  	s4 =	ssub.s32 $0x0, s20;
	[sflag:s22] =	ssyncset.done $0x0  }
0xa6: {  	[sflag:s22] =	ssyncadd.s32 s4;
	_ =	sdelay $0x1  }
0xa7: {  	s23 =	simm.s32 $0x1B8B  }
0xa8: {  	_ =	swait.ge [sflag:s23], $0x1  }
0xa9: {  	[sflag:s23] =	ssyncset.done $0x0  }
0xaa: {  	s25 =	simm.s32 $0x1B8E;
	s24 =	sld [smem:$0x3FFE];
	[sflag:s23] =	ssyncadd.s32 $0xFFFFFFFF  }
0xab: {  	s26 =	simm.s32 $execute0_lowered;
	[smem:$0x3FD2] =	sst s25  }
0xac: {  	s5 =	sshll.u32 s26, $0x1;
	_ =	strace $0x80000049;
	[dreg:$0x1] =	wrdreg $0xFFFFFFFF  }
0xad: {  	s28 =	simm.s32 $_size_execute0_lowered;
	s3 =	sadd.s32 s3, s5;
	[dreg:$0x0] =	wrdreg $0x0  }
0xae: {  	s5 =	sshll.u32 s28, $0x1;
	[dreg:$0x2] =	wrdreg s3  }
0xaf: {  	[dreg:$0x3] =	wrdreg s5  }
0xb0: {  	[dreg:$0x4] =	wrdreg $0xC0  }
0xb1: {  	_ =	task [dreg:s7], $0x5FFFF  }
0xb2: {  	[dreg:$0x1] =	wrdreg $0xFFFFFFFF  }
0xb3: {  	[dreg:$0x0] =	wrdreg $0x60  }
0xb4: {  	[dreg:$0x2] =	wrdreg s24  }
0xb5: {  	[dreg:$0x3] =	wrdreg s16  }
0xb6: {  	[dreg:$0x4] =	wrdreg $0x116200  }
0xb7: {  	[dreg:$0x5] =	wrdreg $0x9  }
0xb8: {  	_ =	task.clear_ibuf [dreg:s7], $0x6FFFF;
	_ =	strace $0x90000049  }
0xb9: {  	s29 =	simm.s32 $0x9;
	_ =	strace $0x8000004B  }
0xba: {  	_ =	swait.ge [sflag:s29], $0x1  }
0xbb: {  	[sflag:s29] =	ssyncadd.s32 $0xFFFFFFFF  }
0xbc: {  	_ =	strace $0x9000004B  }
0xbd: {  	_ =	sfence  }
0xbe: {  	s30 =	sld [smem:$0x0];
	_ =	sdelay $0x2  }
0xbf: {  	s31 =	sshll.u32 s1, $0xD;
	s1 =	sshrl.u32 s1, $0x2  }
0xc0: {  	s3 =	sand.u32 $0x4000, s31;
	s1 =	sadd.s32 s1, s30  }
0xc1: {  	s0 =	sor.u32 s3, s0;
	s1 =	sshll.u32 s1, $0x11  }
0xc2: {  	s0 =	sor.u32 s1, s0  }
0xc3: {  	s0 =	sadd.s32 $0x8F2B, s0  }
0xc4: {  	[sflag:s0] =	ssyncadd.remote.s32 $0x1  }
0xc5: {  	_ =	sfence.sel $0xFFFF  }
0xc6: {  	[dreg:$0x0] =	wrdreg $0xFFFFFFFF;
	(pc) =	sbr.abs _section_cstart, $3  }
0xc7: {  	[dreg:$0x1] =	wrdreg $0xFFFFFFFF  }
0xc8: {  	_ =	task.clear_ibuf [dreg:s7], $0x2FFFF;
	_ =	strace $0x9FFFFFFF  }
0xc9: {  	(tm) =	ssettm $0x7FFFFFFF  }
tec
execute0_lowered:
.L_overlay_start_1:
0x0: {  	(tag) =	ssettag $0x1  }
0x1: {  	s6 =	rddreg [dreg:$0x0]  }
0x2: {  	s0 =	srdreg.scid;
	s10 =	rddreg [dreg:$0x1]  }
0x3: {  	s25 =	stileid.u32;
	s2 =	rddreg [dreg:$0x2];
	s3 =	simm.s32 $0x0  }
0x4: {  	s19 =	simm.s32 $0x190;
	s20 =	simm.s32 $0xB220;
	s21 =	simm.s32 $0x1B620  }
0x5: {  	s22 =	simm.s32 $0x50;
	s23 =	simm.s32 $0x1B670;
	s24 =	simm.s32 $0x0  }
0x6: {  	s5 =	sand.u32 $0x1, s0;
	[smem:$0x7FF] =	sst s3;
	s9 =	smul.u32 $0xA000, s25  }
0x7: {  	s4 =	sadd.s32 $0xABE00, s6;
	s30 =	sshll.u32 s25, $0x6;
	s1 =	sshll.u32 s5, $0x4  }
0x8: {  	_ =	strace $0x8000004A;
	s11 =	smul.u32 $0xA0000, s5;
	s14 =	ssub.s32 $0x2, s5  }
0x9: {  	s5 =	sadd.s32 $0x97E00, s6;
	s7 =	sor.u32 s25, s1;
	s12 =	sshrl.u32 s9, $0x3  }
0xa: {  	s29 =	sshrl.u32 s14, $0x1;
	s16 =	sadd.s32 s9, s2;
	s8 =	smul.u32 $0x2710, s7  }
0xb: {  	s26 =	sadd.s32 s12, s6;
	s11 =	sadd.s32 s9, s11;
	s28 =	smul.u32 $0x280, s7  }
0xc: {  	s14 =	ssub.s32 s14, s29;
	s31 =	smul.u32 $0xA, s7;
	s11 =	sshrl.u32 s11, $0x3  }
0xd: {  	s7 =	sor.u32 $0x1C05, s30;
	s8 =	sshrl.u32 s8, $0x3;
	s15 =	sadd.s32 s11, s6  }
0xe: {  	s12 =	sadd.s32 s28, s6;
	s10 =	sadd.s32 s10, s31;
	s13 =	sadd.s32 s8, s6  }
0xf: {  	s6 =	sadd.s32 $0xBFE00, s26;
	s11 =	sadd.s32 $0x18600, s12;
	s12 =	sadd.s32 $0xD3E00, s15  }
0x10: {  	s15 =	simm.s32 $0x5;
	s8 =	sadd.s32 $0x4C00, s13;
	s9 =	sadd.s32 $0xE840, s13  }
0x11: {  	s13 =	smax.u32 s14, $0x1;
	s14 =	sshrl.u32 s16, $0x3;
	s16 =	simm.s32 $0xC8  }
.LBB2_1:
0x12: {  	[spmem:s14], [sflag:s7] =	dma.local [hbm:s6], $0x1400  }
0x13: {  	_ =	swait.ge [sflag:s15], $0x1400  }
0x14: {  	[sflag:s15] =	ssyncset.done $0x0  }
0x15: {  	[sflag:s15] =	ssyncadd.s32 $0xFFFFEC00  }
0x16: {  	[bflag:$0x0] =	sbarrier.arrive $0xFFFF  }
0x17: {  	[tilespmem:s3], [sflag:$0x5] =	stream.linear.gather [hbm4b:s8+s3], $0x2710, $0x38;
	[tilespmem:$0x1CA70] =	vst v63  }
0x18: {  	_ =	swait.ge [sflag:s15], $0x2710  }
0x19: {  	[sflag:s15] =	ssyncset.done $0x0  }
0x1a: {  	s25 =	simm.s32 $0x2710;
	[sflag:s15] =	ssyncadd.s32 $0xFFFFD8F0  }
0x1b: {  	[tilespmem:s25], [sflag:$0x5] =	stream.linear.gather [hbm4b:s9+s3], $0x2710, $0x38;
	[tilespmem:$0x1CA70] =	vst v63  }
0x1c: {  	_ =	swait.ge [sflag:s15], $0x2710  }
0x1d: {  	[sflag:s15] =	ssyncset.done $0x0  }
0x1e: {  	s0 =	simm.s32 $0x4E20;
	[sflag:s15] =	ssyncadd.s32 $0xFFFFD8F0  }
0x1f: {  	[tilespmem:s0], [sflag:$0x1] =	stream.indirect.gather [hbm4b:s4+s16], $0x40, s3, s16, $0xb8;
	[tilespmem:$0x1CA70] =	vst v63  }
0x20: {  	s17 =	simm.s32 $0x8020  }
0x21: {  	[tilespmem:s17], [sflag:$0x2] =	stream.indirect.gather [hbm4b:s4+s16], $0x40, s16, s16, $0xb8;
	[tilespmem:$0x1CA70] =	vst v63  }
0x22: {  	_ = 	snop  }
0x23: {  	[tilespmem:s20], [sflag:$0x3] =	stream.indirect.gather [hbm4b:s4+s16], $0x40, s19, s16, $0xb8;
	[tilespmem:$0x1CA70] =	vst v63  }
0x24: {  	_ = 	snop  }
0x25: {  	[tilespmem:s21], [sflag:$0x5] =	stream.linear.gather [hbm4b:s10+s3], $0x50, $0x38;
	[tilespmem:$0x1CA70] =	vst v63  }
0x26: {  	_ =	swait.ge [sflag:s15], $0x50  }
0x27: {  	[sflag:s15] =	ssyncset.done $0x0  }
0x28: {  	s26 =	simm.s32 $0x3;
	[sflag:s15] =	ssyncadd.s32 $0xFFFFFFB0  }
0x29: {  	[tilespmem:s23], [sflag:$0x5] =	stream.indirect.gather [hbm4b:s5+s22], $0x40, s21, s22, $0xb8;
	[tilespmem:$0x1CA70] =	vst v63  }
0x2a: {  	p0 =	por $0x0, $0x0;
	s29 =	simm.s32 $0x0;
	_ =	swait.ge [sflag:s15], $0x1400  }
0x2b: {  	s30 =	simm.s32 $0x258;
	s26 =	sand.u32 @!p0 $0x3, s26;
	[sflag:s15] =	ssyncset.done $0x0  }
0x2c: {  	s29 =	sand.u32 $0x3, s29;
	s28 =	smul.u32 @!p0 $0xC800, s26;
	[sflag:s15] =	ssyncadd.s32 $0xFFFFEC00  }
0x2d: {  	[hbm4b:s11+s3] =	stream.linear.scatter [tilespmem:s23], [sflag:$0x5], $0x1400, $0x38;
	[tilespmem:$0x1CA70] =	vst v63  }
0x2e: {  	s31 =	simm.s32 @!p0 $0xC8;
	s26 =	sadd.s32 @!p0 $0x1, s26;
	_ =	swait.ge [sflag:s15], $0x1400  }
0x2f: {  	s18 =	smul.u32 $0xC800, s29;
	s28 =	sshrl.u32 @!p0 s28, $0x2;
	[sflag:s15] =	ssyncset.done $0x0  }
0x30: {  	s29 =	sadd.s32 $0x1, s29;
	s28 =	sadd.s32 @!p0 $0x4E20, s28;
	[sflag:s15] =	ssyncadd.s32 $0xFFFFEC00  }
0x31: {  	[tilespmem:s28], [sflag:s26] =	stream.indirect.gather @!p0 [hbm4b:s4+s31], $0x40, s30, s31, $0xb8;
	[tilespmem:$0x1CA70] =	vst v63  }
0x32: {  	_ =	swait.ge [sflag:s29], $0x3200  }
0x33: {  	s31 =	simm.s32 $0x4;
	s26 =	sshrl.u32 s18, $0x2;
	[sflag:s29] =	ssyncset.done $0x0  }
0x34: {  	s28 =	simm.s32 $0x5;
	s26 =	sadd.s32 $0x4E20, s26;
	[sflag:s29] =	ssyncadd.s32 $0xFFFFCE00  }
0x35: {  	[spmem:s2] =	stream.indirect.scatter.add.f32 [tilespmem:s26], [sflag:$0x5], $0x40, s25, s16, $0xb8;
	[tilespmem:$0x1CA70] =	vst v63  }
0x36: {  	p0 =	por $0x0, $0x0;
	s29 =	simm.s32 $0x1;
	s26 =	simm.s32 $0x320  }
0x37: {  	s25 =	simm.s32 $0x27D8;
	s30 =	sand.u32 $0x3, s29;
	_ =	swait.ge [sflag:s15], $0x3200  }
0x38: {  	s29 =	sand.u32 @!p0 $0x3, s31;
	s31 =	smul.u32 $0xC800, s30;
	[sflag:s15] =	ssyncset.done $0x0  }
.LBB2_2:
0x39: {  	s1 =	smul.u32 @!p0 $0xC800, s29;
	[sflag:s15] =	ssyncadd.s32 $0xFFFFCE00  }
0x3a: {  	s0 =	smov.u32 s28;
	s28 =	sadd.s32 $0x1, s28;
	s17 =	smov.u32 s25  }
0x3b: {  	p1 =	sne.s32 s28, $0x35;
	s31 =	sshrl.u32 s31, $0x2  }
0x3c: {  	s30 =	sadd.s32 $0x1, s30;
	s1 =	sshrl.u32 @!p0 s1, $0x2  }
0x3d: {  	s29 =	sadd.s32 @!p0 $0x1, s29;
	s18 =	simm.s32 @!p0 $0xC8;
	s1 =	sadd.s32 @!p0 $0x4E20, s1  }
0x3e: {  	[tilespmem:s1], [sflag:s29] =	stream.indirect.gather @!p0 [hbm4b:s4+s18], $0x40, s26, s18, $0xb8;
	[tilespmem:$0x1CA70] =	vst v63  }
0x3f: {  	s25 =	sadd.s32 $0xC8, s25;
	_ =	swait.ge [sflag:s30], $0x3200  }
.Ltmp0:
0x40: {  	s26 =	sadd.s32 $0xC8, s26;
	[sflag:s30] =	ssyncset.done $0x0;
	(pc) =	sbr.rel @p1 .LBB2_2-.Ltmp0, $4  }
0x41: {  	s1 =	sadd.s32 $0xFFFFFFFD, s0;
	s18 =	sadd.s32 $0x4E20, s31;
	[sflag:s30] =	ssyncadd.s32 $0xFFFFCE00  }
0x42: {  	[spmem:s2] =	stream.indirect.scatter.add.f32 [tilespmem:s18], [sflag:$0x5], $0x40, s17, s16, $0xb8;
	[tilespmem:$0x1CA70] =	vst v63  }
0x43: {  	p0 =	sgt.u32 s1, $0x2E;
	s30 =	sand.u32 $0x3, s1;
	_ =	swait.ge [sflag:s15], $0x3200  }
0x44: {  	s29 =	sand.u32 @!p0 $0x3, s0;
	s31 =	smul.u32 $0xC800, s30;
	[sflag:s15] =	ssyncset.done $0x0  }
0x45: {  	s0 =	smul.u32 @!p0 $0xC800, s29;
	_ =	sdelay $0x1  }
0x46: {  	[sflag:s15] =	ssyncadd.s32 $0xFFFFCE00;
	s1 =	sadd.s32 $0x1, s30;
	s0 =	sshrl.u32 @!p0 s0, $0x2  }
0x47: {  	s17 =	sadd.s32 @!p0 $0x1, s29;
	s18 =	simm.s32 @!p0 $0xC8;
	s0 =	sadd.s32 @!p0 $0x4E20, s0  }
0x48: {  	[tilespmem:s0], [sflag:s17] =	stream.indirect.gather @!p0 [hbm4b:s4+s18], $0x40, s26, s18, $0xb8;
	[tilespmem:$0x1CA70] =	vst v63  }
0x49: {  	_ =	swait.ge [sflag:s1], $0x3200  }
0x4a: {  	s31 =	sshrl.u32 s31, $0x2;
	[sflag:s1] =	ssyncset.done $0x0  }
0x4b: {  	s0 =	sadd.s32 $0x4E20, s31;
	[sflag:s1] =	ssyncadd.s32 $0xFFFFCE00  }
0x4c: {  	[spmem:s2] =	stream.indirect.scatter.add.f32 [tilespmem:s0], [sflag:$0x5], $0x40, s25, s16, $0xb8;
	[tilespmem:$0x1CA70] =	vst v63  }
0x4d: {  	_ =	swait.ge [sflag:s15], $0x3200  }
0x4e: {  	s24 =	sadd.s32 $0x1, s24;
	[sflag:s15] =	ssyncset.done $0x0  }
0x4f: {  	p0 =	sne.s32 s24, s13;
	[sflag:s15] =	ssyncadd.s32 $0xFFFFCE00  }
.Ltmp1:
0x50: {  	[bflag:$0x0] =	sbarrier.arrive $0xFFFF;
	(pc) =	sbr.rel @p0 .LBB2_1-.Ltmp1, $4  }
0x51: {  	[hbm:s12], [sflag:s7] =	dma.local [spmem:s14], $0x1400  }
0x52: {  	_ =	swait.ge [sflag:s15], $0x1400  }
0x53: {  	[sflag:s15] =	ssyncset.done $0x0  }
0x54: {  	[sflag:s15] =	ssyncadd.s32 $0xFFFFEC00  }
0x55: {  	_ =	sfence.sel $0x180000  }
0x56: {  	[bflag:$0x0] =	sbarrier.arrive $0xFFFF  }
0x57: {  	_ =	strace $0x9000004A  }
0x58: {  	s0 =	stileid.u32;
	[bflag:$0x2] =	sbarrier.arrive $0xFFFF  }
0x59: {  	p0 =	sne.s32 s0, $0x0;
	s0 =	rddreg [dreg:$0x3]  }
0x5a: {  	s0 =	sadd.s32 @!p0 $0x100000, s0  }
0x5b: {  	[sflag:s0] =	ssyncadd.tile.s32 @!p0 $0x1;
	_ =	shalt  }
.Lfunc_end2:
_tile_overlayer_lowered:
.L_overlay_start_2:
0x5c: {  	(tag) =	ssettag $0x2  }
0x5d: {  	s0 =	rddreg [dreg:$0x0];
	s2 =	stileid.u32  }
0x5e: {  	s1 =	rddreg [dreg:$0x1];
	p0 =	sne.s32 s2, $0x0  }
0x5f: {  	s3 =	rddreg [dreg:$0x2];
	[bflag:$0x3] =	sbarrier.arrive $0xFFFF;
	s2 =	simm.s32 @!p0 $0x1C05  }
0x60: {  	[timem:s3], [sflag:s2] =	dma.local @!p0 [hbm:s0], s1  }
0x61: {  	s0 =	simm.s32 @!p0 $0x5  }
0x62: {  	_ =	swait.ge @!p0 [sflag:s0], s1  }
0x63: {  	s1 =	ssub.s32 @!p0 $0x0, s1;
	[sflag:s0] =	ssyncset.done @!p0 $0x0  }
0x64: {  	[sflag:s0] =	ssyncadd.s32 @!p0 s1  }
0x65: {  	[bflag:$0x3] =	sbarrier.arrive $0xFFFF  }
0x66: {  	_ =	shalt  }

// kernel: kernel.18.cloned.1.call-start
scs
__scs_entry_jumppad:
0x0: {  	(pc) =	sbr.rel $0x88, $3  }
0x1: {  	(tag) =	ssettag $0x0;
	lr =	simm.s32 $0x1  }
0x2: {  	[smem:$0x3F95] =	sst lr;
	_ =	strace $0xD0000000  }
0x3: {  	_ = 	snop  }
0x4: {  	_ = 	snop  }
0x5: {  	_ = 	snop  }
0x6: {  	_ = 	snop  }
0x7: {  	_ = 	snop  }
__scs_overlays_trampoline_lowered:
0x8: {  	[smem:$0x3FA4] =	sst s0  }
0x9: {  	[smem:$0x3FA5] =	sst s1  }
0xa: {  	[smem:$0x3FA6] =	sst s2  }
0xb: {  	[smem:$0x3FA7] =	sst s3  }
0xc: {  	[smem:$0x3FA8] =	sst s4  }
0xd: {  	[smem:$0x3FA9] =	sst s5  }
0xe: {  	[smem:$0x3FAA] =	sst s6  }
0xf: {  	[smem:$0x3FAB] =	sst s7  }
0x10: {  	[smem:$0x3FAC] =	sst s8  }
0x11: {  	[smem:$0x3FAD] =	sst s9;
	s0 =	simm.s32 @!p0 $0x0  }
0x12: {  	s1 =	sld [smem:$0x3F93];
	s0 =	simm.s32 @p0 $0x1  }
0x13: {  	[smem:$0x3FAE] =	sst s0;
	s0 =	simm.s32 @!p1 $0x0  }
0x14: {  	s2 =	sld [smem:$0x3F92];
	s0 =	simm.s32 @p1 $0x1  }
0x15: {  	[smem:$0x3FAF] =	sst s0;
	s0 =	simm.s32 @!p2 $0x0  }
0x16: {  	s3 =	sld [smem:$0x3FDB];
	s0 =	simm.s32 @p2 $0x1  }
0x17: {  	s4 =	simm.s32 $0x1BF5;
	[smem:$0x3FB1] =	sst s0  }
0x18: {  	s0 =	sld [smem:$0x3F94];
	_ =	swait.ge [sflag:s4], $0x0  }
0x19: {  	s7 =	sld [smem:$0x3F95]  }
0x1a: {  	s8 =	sadd.s32 $0xFFFFE003, lr  }
0x1b: {  	s9 =	sadd.s32 $0xFFFFFEF7, lr;
	s5 =	simm.s32 $0xFFFFFFFF;
	p2 =	slt.u32 s8, $0xFFFFF086  }
0x1c: {  	p1 =	slt.u32 s9, $0xF7A;
	s5 =	simm.s32 @!p2 $0x0  }
0x1d: {  	s5 =	simm.s32 @p1 $0x1;
	p0 =	seq.s32 s7, s2  }
0x1e: {  	s7 =	smul.u32 @!p0 $0xF7A, s2;
	p2 =	seq.s32 @!p0 s5, $0x0  }
0x1f: {  	s9 =	smul.u32 $0xF7A, s1;
	s8 =	simm.s32 @!p0 $0x1BF5;
	p2 =	por !p2, p0  }
0x20: {  	[sflag:s8] =	ssyncset.s32 @!p0 $0xFFFFF086;
	s6 =	sadd.s32 @!p0 s3, s7;
	s7 =	simm.s32 @!p0 $0x108  }
0x21: {  	s3 =	sadd.s32 s3, s9;
	s6 =	sadd.s32 @!p0 $0x88, s6;
	s7 =	simm.s32 @p2 $0x1082  }
0x22: {  	[simem:s7], [sflag:s8] =	dma.local @!p0 [hbm:s6], $0xF7A  }
0x23: {  	s9 =	sor.u32 $0xD0000000, s2;
	s6 =	simm.s32 $0x108;
	_ =	swait.ge @!p0 [sflag:s8], $0x0  }
0x24: {  	s3 =	sadd.s32 $0x88, s3;
	s6 =	simm.s32 @!p1 $0x1082;
	[sflag:s4] =	ssyncset.s32 $0xFFFFF086  }
0x25: {  	[simem:s6], [sflag:s4] =	dma.local [hbm:s3], $0xF7A  }
0x26: {  	[smem:$0x3F95] =	sst s1;
	(tag) =	ssettag s2;
	_ =	strace s9  }
0x27: {  	s1 =	sld [smem:$0x3FA5]  }
0x28: {  	s2 =	sld [smem:$0x3FA6]  }
0x29: {  	s4 =	sld [smem:$0x3FA8]  }
0x2a: {  	p0 =	seq.s32 s5, $0x0;
	s5 =	sld [smem:$0x3FA9]  }
0x2b: {  	s6 =	sld [smem:$0x3FAA]  }
0x2c: {  	s7 =	sld [smem:$0x3FAB]  }
0x2d: {  	s3 =	simm.s32 $0x108;
	s8 =	sld [smem:$0x3FAC]  }
0x2e: {  	s3 =	simm.s32 @!p0 $0x1082;
	s9 =	sld [smem:$0x3FAD]  }
0x2f: {  	lr =	sadd.s32 s0, s3;
	s0 =	sld [smem:$0x3FA4]  }
0x30: {  	s3 =	sld [smem:$0x3FA7]  }
0x31: {  	[smem:$0x3FB0] =	sst s10  }
0x32: {  	s10 =	sld [smem:$0x3FAE];
	_ =	sdelay $0x3  }
0x33: {  	p0 =	seq.s32 s10, $0x1;
	s10 =	sld [smem:$0x3FB0];
	_ =	sdelay $0x3  }
0x34: {  	[smem:$0x3FB0] =	sst s10  }
0x35: {  	s10 =	sld [smem:$0x3FAF];
	_ =	sdelay $0x3  }
0x36: {  	p1 =	seq.s32 s10, $0x1;
	s10 =	sld [smem:$0x3FB0];
	_ =	sdelay $0x3  }
0x37: {  	[smem:$0x3FB0] =	sst s10  }
0x38: {  	s10 =	sld [smem:$0x3FB1]  }
0x39: {  	_ = 	snop;
	(pc) =	sbr.ind lr, $3  }
0x3a: {  	_ = 	snop  }
0x3b: {  	_ = 	snop  }
0x3c: {  	p2 =	seq.s32 s10, $0x1;
	s10 =	sld [smem:$0x3FB0]  }
0x3d: {  	_ =	shalt  }
0x3e: {  	_ =	shalt  }
0x3f: {  	_ =	shalt  }
0x40: {  	_ =	shalt  }
0x41: {  	_ =	shalt  }
0x42: {  	_ =	shalt  }
0x43: {  	_ =	shalt  }
0x44: {  	_ =	shalt  }
0x45: {  	_ =	shalt  }
0x46: {  	_ =	shalt  }
0x47: {  	_ =	shalt  }
0x48: {  	_ =	shalt  }
0x49: {  	_ =	shalt  }
0x4a: {  	_ =	shalt  }
0x4b: {  	_ =	shalt  }
0x4c: {  	_ =	shalt  }
0x4d: {  	_ =	shalt  }
0x4e: {  	_ =	shalt  }
0x4f: {  	_ =	shalt  }
0x50: {  	_ =	shalt  }
0x51: {  	_ =	shalt  }
0x52: {  	_ =	shalt  }
0x53: {  	_ =	shalt  }
0x54: {  	_ =	shalt  }
0x55: {  	_ =	shalt  }
0x56: {  	_ =	shalt  }
0x57: {  	_ =	shalt  }
0x58: {  	_ =	shalt  }
0x59: {  	_ =	shalt  }
0x5a: {  	_ =	shalt  }
0x5b: {  	_ =	shalt  }
0x5c: {  	_ =	shalt  }
0x5d: {  	_ =	shalt  }
0x5e: {  	_ =	shalt  }
0x5f: {  	_ =	shalt  }
0x60: {  	_ =	shalt  }
0x61: {  	_ =	shalt  }
0x62: {  	_ =	shalt  }
0x63: {  	_ =	shalt  }
0x64: {  	_ =	shalt  }
0x65: {  	_ =	shalt  }
0x66: {  	_ =	shalt  }
0x67: {  	_ =	shalt  }
0x68: {  	_ =	shalt  }
0x69: {  	_ =	shalt  }
0x6a: {  	_ =	shalt  }
0x6b: {  	_ =	shalt  }
0x6c: {  	_ =	shalt  }
0x6d: {  	_ =	shalt  }
0x6e: {  	_ =	shalt  }
0x6f: {  	_ =	shalt  }
0x70: {  	_ =	shalt  }
0x71: {  	_ =	shalt  }
0x72: {  	_ =	shalt  }
0x73: {  	_ =	shalt  }
0x74: {  	_ =	shalt  }
0x75: {  	_ =	shalt  }
0x76: {  	_ =	shalt  }
0x77: {  	_ =	shalt  }
0x78: {  	_ =	shalt  }
0x79: {  	_ =	shalt  }
0x7a: {  	_ =	shalt  }
0x7b: {  	_ =	shalt  }
0x7c: {  	_ =	shalt  }
0x7d: {  	_ =	shalt  }
0x7e: {  	_ =	shalt  }
0x7f: {  	_ =	shalt  }
0x80: {  	_ =	shalt  }
0x81: {  	_ =	shalt  }
0x82: {  	_ =	shalt  }
0x83: {  	_ =	shalt  }
0x84: {  	_ =	shalt  }
0x85: {  	_ =	shalt  }
0x86: {  	_ =	shalt  }
0x87: {  	_ =	shalt  }
.Lfunc_end0:
.L_simem_size_0:
called_computation.2_lowered:
.L_overlay_start_0:
0x88: {  	s2 =	sld [smem:$0x3FD9]  }
0x89: {  	s3 =	sld [smem:$0x3FFE];
	_ =	sdelay $0x1  }
0x8a: {  	s1 =	srdreg.scid  }
0x8b: {  	s0 =	sand.u32 $0x1, s1  }
0x8c: {  	s14 =	sshll.u32 s0, $0xA;
	s2 =	sadd.s32 s3, s2  }
0x8d: {  	s2 =	sadd.s32 s2, s14  }
0x8e: {  	[smem:$0x3FBC] =	sst s2  }
0x8f: {  	_ = 	snop  }
0x90: {  	s2 =	sld [smem:$0x3FD0];
	_ =	sdelay $0x2  }
0x91: {  	s15 =	simm.s32 $0xA;
	s4 =	simm.s32 $0x10  }
0x92: {  	[smem:s4], [sflag:s15] =	dma.local [hbm:s2], $0x1  }
0x93: {  	_ =	swait.eq [sflag:s15], $0x1  }
0x94: {  	[sflag:s15] =	ssyncset.done $0x0  }
0x95: {  	[sflag:s15] =	ssyncadd.s32 $0xFFFFFFFF  }
0x96: {  	s16 =	sld [smem:$0x11];
	(tm) =	ssettm $0x1  }
0x97: {  	s17 =	sld [smem:$0x3FFB];
	_ =	sdelay $0x3  }
0x98: {  	_ =	strace s17  }
0x99: {  	s3 =	sld [smem:$0x3FFC];
	_ =	sdelay $0x3  }
0x9a: {  	_ =	strace s3  }
0x9b: {  	s3 =	sld [smem:$0x3FFD];
	_ =	sdelay $0x3  }
0x9c: {  	_ =	strace s3  }
0x9d: {  	_ =	strace $0x8FFFFFFF  }
0x9e: {  	s18 =	sld [smem:$0x3FDB];
	_ =	sdelay $0x1  }
0x9f: {  	s19 =	simm.s32 $_scs_section_size  }
0xa0: {  	s5 =	simm.s32 $_size__tile_overlayer_lowered;
	s6 =	simm.s32 $_tile_overlayer_lowered  }
0xa1: {  	s22 =	simm.s32 $0x1BFF;
	s21 =	sshll.u32 s6, $0x1;
	s3 =	sadd.s32 s19, s18  }
0xa2: {  	s7 =	simm.s32 $0x0;
	s20 =	sshll.u32 s5, $0x1;
	s5 =	sadd.s32 s21, s3  }
0xa3: {  	[timem:s7], [sflag:s22] =	dma.local [hbm:s5], s20  }
0xa4: {  	_ =	swait.ge [sflag:s22], s20  }
0xa5: {  	s4 =	ssub.s32 $0x0, s20;
	[sflag:s22] =	ssyncset.done $0x0  }
0xa6: {  	[sflag:s22] =	ssyncadd.s32 s4;
	_ =	sdelay $0x1  }
0xa7: {  	s23 =	simm.s32 $0x1B8B  }
0xa8: {  	_ =	swait.ge [sflag:s23], $0x1  }
0xa9: {  	[sflag:s23] =	ssyncset.done $0x0  }
0xaa: {  	s25 =	simm.s32 $0x1B8E;
	s24 =	sld [smem:$0x3FFE];
	[sflag:s23] =	ssyncadd.s32 $0xFFFFFFFF  }
0xab: {  	s26 =	simm.s32 $execute0_lowered;
	[smem:$0x3FD2] =	sst s25  }
0xac: {  	s5 =	sshll.u32 s26, $0x1;
	_ =	strace $0x8000004C;
	[dreg:$0x1] =	wrdreg $0xFFFFFFFF  }
0xad: {  	s28 =	simm.s32 $_size_execute0_lowered;
	s3 =	sadd.s32 s3, s5;
	[dreg:$0x0] =	wrdreg $0x0  }
0xae: {  	s5 =	sshll.u32 s28, $0x1;
	[dreg:$0x2] =	wrdreg s3  }
0xaf: {  	[dreg:$0x3] =	wrdreg s5  }
0xb0: {  	[dreg:$0x4] =	wrdreg $0xC0  }
0xb1: {  	_ =	task [dreg:s7], $0x5FFFF  }
0xb2: {  	[dreg:$0x1] =	wrdreg $0xFFFFFFFF  }
0xb3: {  	[dreg:$0x0] =	wrdreg $0x60  }
0xb4: {  	[dreg:$0x2] =	wrdreg s24  }
0xb5: {  	[dreg:$0x3] =	wrdreg s16  }
0xb6: {  	[dreg:$0x4] =	wrdreg $0x116200  }
0xb7: {  	[dreg:$0x5] =	wrdreg $0x9  }
0xb8: {  	_ =	task.clear_ibuf [dreg:s7], $0x6FFFF;
	_ =	strace $0x9000004C  }
0xb9: {  	s29 =	simm.s32 $0x9;
	_ =	strace $0x8000004E  }
0xba: {  	_ =	swait.ge [sflag:s29], $0x1  }
0xbb: {  	[sflag:s29] =	ssyncadd.s32 $0xFFFFFFFF  }
0xbc: {  	_ =	strace $0x9000004E  }
0xbd: {  	_ =	sfence  }
0xbe: {  	s30 =	sld [smem:$0x0];
	_ =	sdelay $0x2  }
0xbf: {  	s31 =	sshll.u32 s1, $0xD;
	s1 =	sshrl.u32 s1, $0x2  }
0xc0: {  	s3 =	sand.u32 $0x4000, s31;
	s1 =	sadd.s32 s1, s30  }
0xc1: {  	s0 =	sor.u32 s3, s0;
	s1 =	sshll.u32 s1, $0x11  }
0xc2: {  	s0 =	sor.u32 s1, s0  }
0xc3: {  	s0 =	sadd.s32 $0x8F2B, s0  }
0xc4: {  	[sflag:s0] =	ssyncadd.remote.s32 $0x1  }
0xc5: {  	_ =	sfence.sel $0xFFFF  }
0xc6: {  	[dreg:$0x0] =	wrdreg $0xFFFFFFFF;
	(pc) =	sbr.abs _section_cstart, $3  }
0xc7: {  	[dreg:$0x1] =	wrdreg $0xFFFFFFFF  }
0xc8: {  	_ =	task.clear_ibuf [dreg:s7], $0x2FFFF;
	_ =	strace $0x9FFFFFFF  }
0xc9: {  	(tm) =	ssettm $0x7FFFFFFF  }
tec
execute0_lowered:
.L_overlay_start_1:
0x0: {  	(tag) =	ssettag $0x1  }
0x1: {  	s6 =	rddreg [dreg:$0x0]  }
0x2: {  	s0 =	srdreg.scid;
	s10 =	rddreg [dreg:$0x1]  }
0x3: {  	s25 =	stileid.u32;
	s2 =	rddreg [dreg:$0x2];
	s3 =	simm.s32 $0x0  }
0x4: {  	s19 =	simm.s32 $0x190;
	s20 =	simm.s32 $0xB220;
	s21 =	simm.s32 $0x1B620  }
0x5: {  	s22 =	simm.s32 $0x50;
	s23 =	simm.s32 $0x1B670;
	s24 =	simm.s32 $0x0  }
0x6: {  	s5 =	sand.u32 $0x1, s0;
	[smem:$0x7FF] =	sst s3;
	s9 =	smul.u32 $0xA000, s25  }
0x7: {  	s4 =	sadd.s32 $0xABE00, s6;
	s30 =	sshll.u32 s25, $0x6;
	s1 =	sshll.u32 s5, $0x4  }
0x8: {  	_ =	strace $0x8000004D;
	s11 =	smul.u32 $0xA0000, s5;
	s14 =	ssub.s32 $0x2, s5  }
0x9: {  	s5 =	sadd.s32 $0x97E00, s6;
	s7 =	sor.u32 s25, s1;
	s12 =	sshrl.u32 s9, $0x3  }
0xa: {  	s29 =	sshrl.u32 s14, $0x1;
	s16 =	sadd.s32 s9, s2;
	s8 =	smul.u32 $0x2710, s7  }
0xb: {  	s26 =	sadd.s32 s12, s6;
	s11 =	sadd.s32 s9, s11;
	s28 =	smul.u32 $0x280, s7  }
0xc: {  	s14 =	ssub.s32 s14, s29;
	s31 =	smul.u32 $0xA, s7;
	s11 =	sshrl.u32 s11, $0x3  }
0xd: {  	s7 =	sor.u32 $0x1C05, s30;
	s8 =	sshrl.u32 s8, $0x3;
	s15 =	sadd.s32 s11, s6  }
0xe: {  	s12 =	sadd.s32 s28, s6;
	s10 =	sadd.s32 s10, s31;
	s13 =	sadd.s32 s8, s6  }
0xf: {  	s6 =	sadd.s32 $0xBFE00, s26;
	s11 =	sadd.s32 $0xFBE00, s12;
	s12 =	sadd.s32 $0xD3E00, s15  }
0x10: {  	s15 =	simm.s32 $0x5;
	s8 =	sadd.s32 $0x4C00, s13;
	s9 =	sadd.s32 $0xE840, s13  }
0x11: {  	s13 =	smax.u32 s14, $0x1;
	s14 =	sshrl.u32 s16, $0x3;
	s16 =	simm.s32 $0xC8  }
.LBB2_1:
0x12: {  	[spmem:s14], [sflag:s7] =	dma.local [hbm:s6], $0x1400  }
0x13: {  	_ =	swait.ge [sflag:s15], $0x1400  }
0x14: {  	[sflag:s15] =	ssyncset.done $0x0  }
0x15: {  	[sflag:s15] =	ssyncadd.s32 $0xFFFFEC00  }
0x16: {  	[bflag:$0x0] =	sbarrier.arrive $0xFFFF  }
0x17: {  	[tilespmem:s3], [sflag:$0x5] =	stream.linear.gather [hbm4b:s8+s3], $0x2710, $0x38;
	[tilespmem:$0x1CA70] =	vst v63  }
0x18: {  	_ =	swait.ge [sflag:s15], $0x2710  }
0x19: {  	[sflag:s15] =	ssyncset.done $0x0  }
0x1a: {  	s25 =	simm.s32 $0x2710;
	[sflag:s15] =	ssyncadd.s32 $0xFFFFD8F0  }
0x1b: {  	[tilespmem:s25], [sflag:$0x5] =	stream.linear.gather [hbm4b:s9+s3], $0x2710, $0x38;
	[tilespmem:$0x1CA70] =	vst v63  }
0x1c: {  	_ =	swait.ge [sflag:s15], $0x2710  }
0x1d: {  	[sflag:s15] =	ssyncset.done $0x0  }
0x1e: {  	s0 =	simm.s32 $0x4E20;
	[sflag:s15] =	ssyncadd.s32 $0xFFFFD8F0  }
0x1f: {  	[tilespmem:s0], [sflag:$0x1] =	stream.indirect.gather [hbm4b:s4+s16], $0x40, s3, s16, $0xb8;
	[tilespmem:$0x1CA70] =	vst v63  }
0x20: {  	s17 =	simm.s32 $0x8020  }
0x21: {  	[tilespmem:s17], [sflag:$0x2] =	stream.indirect.gather [hbm4b:s4+s16], $0x40, s16, s16, $0xb8;
	[tilespmem:$0x1CA70] =	vst v63  }
0x22: {  	_ = 	snop  }
0x23: {  	[tilespmem:s20], [sflag:$0x3] =	stream.indirect.gather [hbm4b:s4+s16], $0x40, s19, s16, $0xb8;
	[tilespmem:$0x1CA70] =	vst v63  }
0x24: {  	_ = 	snop  }
0x25: {  	[tilespmem:s21], [sflag:$0x5] =	stream.linear.gather [hbm4b:s10+s3], $0x50, $0x38;
	[tilespmem:$0x1CA70] =	vst v63  }
0x26: {  	_ =	swait.ge [sflag:s15], $0x50  }
0x27: {  	[sflag:s15] =	ssyncset.done $0x0  }
0x28: {  	s26 =	simm.s32 $0x3;
	[sflag:s15] =	ssyncadd.s32 $0xFFFFFFB0  }
0x29: {  	[tilespmem:s23], [sflag:$0x5] =	stream.indirect.gather [hbm4b:s5+s22], $0x40, s21, s22, $0xb8;
	[tilespmem:$0x1CA70] =	vst v63  }
0x2a: {  	p0 =	por $0x0, $0x0;
	s29 =	simm.s32 $0x0;
	_ =	swait.ge [sflag:s15], $0x1400  }
0x2b: {  	s30 =	simm.s32 $0x258;
	s26 =	sand.u32 @!p0 $0x3, s26;
	[sflag:s15] =	ssyncset.done $0x0  }
0x2c: {  	s29 =	sand.u32 $0x3, s29;
	s28 =	smul.u32 @!p0 $0xC800, s26;
	[sflag:s15] =	ssyncadd.s32 $0xFFFFEC00  }
0x2d: {  	[hbm4b:s11+s3] =	stream.linear.scatter [tilespmem:s23], [sflag:$0x5], $0x1400, $0x38;
	[tilespmem:$0x1CA70] =	vst v63  }
0x2e: {  	s31 =	simm.s32 @!p0 $0xC8;
	s26 =	sadd.s32 @!p0 $0x1, s26;
	_ =	swait.ge [sflag:s15], $0x1400  }
0x2f: {  	s18 =	smul.u32 $0xC800, s29;
	s28 =	sshrl.u32 @!p0 s28, $0x2;
	[sflag:s15] =	ssyncset.done $0x0  }
0x30: {  	s29 =	sadd.s32 $0x1, s29;
	s28 =	sadd.s32 @!p0 $0x4E20, s28;
	[sflag:s15] =	ssyncadd.s32 $0xFFFFEC00  }
0x31: {  	[tilespmem:s28], [sflag:s26] =	stream.indirect.gather @!p0 [hbm4b:s4+s31], $0x40, s30, s31, $0xb8;
	[tilespmem:$0x1CA70] =	vst v63  }
0x32: {  	_ =	swait.ge [sflag:s29], $0x3200  }
0x33: {  	s31 =	simm.s32 $0x4;
	s26 =	sshrl.u32 s18, $0x2;
	[sflag:s29] =	ssyncset.done $0x0  }
0x34: {  	s28 =	simm.s32 $0x5;
	s26 =	sadd.s32 $0x4E20, s26;
	[sflag:s29] =	ssyncadd.s32 $0xFFFFCE00  }
0x35: {  	[spmem:s2] =	stream.indirect.scatter.add.f32 [tilespmem:s26], [sflag:$0x5], $0x40, s25, s16, $0xb8;
	[tilespmem:$0x1CA70] =	vst v63  }
0x36: {  	p0 =	por $0x0, $0x0;
	s29 =	simm.s32 $0x1;
	s26 =	simm.s32 $0x320  }
0x37: {  	s25 =	simm.s32 $0x27D8;
	s30 =	sand.u32 $0x3, s29;
	_ =	swait.ge [sflag:s15], $0x3200  }
0x38: {  	s29 =	sand.u32 @!p0 $0x3, s31;
	s31 =	smul.u32 $0xC800, s30;
	[sflag:s15] =	ssyncset.done $0x0  }
.LBB2_2:
0x39: {  	s1 =	smul.u32 @!p0 $0xC800, s29;
	[sflag:s15] =	ssyncadd.s32 $0xFFFFCE00  }
0x3a: {  	s0 =	smov.u32 s28;
	s28 =	sadd.s32 $0x1, s28;
	s17 =	smov.u32 s25  }
0x3b: {  	p1 =	sne.s32 s28, $0x35;
	s31 =	sshrl.u32 s31, $0x2  }
0x3c: {  	s30 =	sadd.s32 $0x1, s30;
	s1 =	sshrl.u32 @!p0 s1, $0x2  }
0x3d: {  	s29 =	sadd.s32 @!p0 $0x1, s29;
	s18 =	simm.s32 @!p0 $0xC8;
	s1 =	sadd.s32 @!p0 $0x4E20, s1  }
0x3e: {  	[tilespmem:s1], [sflag:s29] =	stream.indirect.gather @!p0 [hbm4b:s4+s18], $0x40, s26, s18, $0xb8;
	[tilespmem:$0x1CA70] =	vst v63  }
0x3f: {  	s25 =	sadd.s32 $0xC8, s25;
	_ =	swait.ge [sflag:s30], $0x3200  }
.Ltmp0:
0x40: {  	s26 =	sadd.s32 $0xC8, s26;
	[sflag:s30] =	ssyncset.done $0x0;
	(pc) =	sbr.rel @p1 .LBB2_2-.Ltmp0, $4  }
0x41: {  	s1 =	sadd.s32 $0xFFFFFFFD, s0;
	s18 =	sadd.s32 $0x4E20, s31;
	[sflag:s30] =	ssyncadd.s32 $0xFFFFCE00  }
0x42: {  	[spmem:s2] =	stream.indirect.scatter.add.f32 [tilespmem:s18], [sflag:$0x5], $0x40, s17, s16, $0xb8;
	[tilespmem:$0x1CA70] =	vst v63  }
0x43: {  	p0 =	sgt.u32 s1, $0x2E;
	s30 =	sand.u32 $0x3, s1;
	_ =	swait.ge [sflag:s15], $0x3200  }
0x44: {  	s29 =	sand.u32 @!p0 $0x3, s0;
	s31 =	smul.u32 $0xC800, s30;
	[sflag:s15] =	ssyncset.done $0x0  }
0x45: {  	s0 =	smul.u32 @!p0 $0xC800, s29;
	_ =	sdelay $0x1  }
0x46: {  	[sflag:s15] =	ssyncadd.s32 $0xFFFFCE00;
	s1 =	sadd.s32 $0x1, s30;
	s0 =	sshrl.u32 @!p0 s0, $0x2  }
0x47: {  	s17 =	sadd.s32 @!p0 $0x1, s29;
	s18 =	simm.s32 @!p0 $0xC8;
	s0 =	sadd.s32 @!p0 $0x4E20, s0  }
0x48: {  	[tilespmem:s0], [sflag:s17] =	stream.indirect.gather @!p0 [hbm4b:s4+s18], $0x40, s26, s18, $0xb8;
	[tilespmem:$0x1CA70] =	vst v63  }
0x49: {  	_ =	swait.ge [sflag:s1], $0x3200  }
0x4a: {  	s31 =	sshrl.u32 s31, $0x2;
	[sflag:s1] =	ssyncset.done $0x0  }
0x4b: {  	s0 =	sadd.s32 $0x4E20, s31;
	[sflag:s1] =	ssyncadd.s32 $0xFFFFCE00  }
0x4c: {  	[spmem:s2] =	stream.indirect.scatter.add.f32 [tilespmem:s0], [sflag:$0x5], $0x40, s25, s16, $0xb8;
	[tilespmem:$0x1CA70] =	vst v63  }
0x4d: {  	_ =	swait.ge [sflag:s15], $0x3200  }
0x4e: {  	s24 =	sadd.s32 $0x1, s24;
	[sflag:s15] =	ssyncset.done $0x0  }
0x4f: {  	p0 =	sne.s32 s24, s13;
	[sflag:s15] =	ssyncadd.s32 $0xFFFFCE00  }
.Ltmp1:
0x50: {  	[bflag:$0x0] =	sbarrier.arrive $0xFFFF;
	(pc) =	sbr.rel @p0 .LBB2_1-.Ltmp1, $4  }
0x51: {  	[hbm:s12], [sflag:s7] =	dma.local [spmem:s14], $0x1400  }
0x52: {  	_ =	swait.ge [sflag:s15], $0x1400  }
0x53: {  	[sflag:s15] =	ssyncset.done $0x0  }
0x54: {  	[sflag:s15] =	ssyncadd.s32 $0xFFFFEC00  }
0x55: {  	_ =	sfence.sel $0x180000  }
0x56: {  	[bflag:$0x0] =	sbarrier.arrive $0xFFFF  }
0x57: {  	_ =	strace $0x9000004D  }
0x58: {  	s0 =	stileid.u32;
	[bflag:$0x2] =	sbarrier.arrive $0xFFFF  }
0x59: {  	p0 =	sne.s32 s0, $0x0;
	s0 =	rddreg [dreg:$0x3]  }
0x5a: {  	s0 =	sadd.s32 @!p0 $0x100000, s0  }
0x5b: {  	[sflag:s0] =	ssyncadd.tile.s32 @!p0 $0x1;
	_ =	shalt  }
.Lfunc_end2:
_tile_overlayer_lowered:
.L_overlay_start_2:
0x5c: {  	(tag) =	ssettag $0x2  }
0x5d: {  	s0 =	rddreg [dreg:$0x0];
	s2 =	stileid.u32  }
0x5e: {  	s1 =	rddreg [dreg:$0x1];
	p0 =	sne.s32 s2, $0x0  }
0x5f: {  	s3 =	rddreg [dreg:$0x2];
	[bflag:$0x3] =	sbarrier.arrive $0xFFFF;
	s2 =	simm.s32 @!p0 $0x1C05  }
0x60: {  	[timem:s3], [sflag:s2] =	dma.local @!p0 [hbm:s0], s1  }
0x61: {  	s0 =	simm.s32 @!p0 $0x5  }
0x62: {  	_ =	swait.ge @!p0 [sflag:s0], s1  }
0x63: {  	s1 =	ssub.s32 @!p0 $0x0, s1;
	[sflag:s0] =	ssyncset.done @!p0 $0x0  }
0x64: {  	[sflag:s0] =	ssyncadd.s32 @!p0 s1  }
0x65: {  	[bflag:$0x3] =	sbarrier.arrive $0xFFFF  }
0x66: {  	_ =	shalt  }

// kernel: kernel.21.cloned.1.call-start
scs
__scs_entry_jumppad:
0x0: {  	(pc) =	sbr.rel $0x88, $3  }
0x1: {  	(tag) =	ssettag $0x0;
	lr =	simm.s32 $0x1  }
0x2: {  	[smem:$0x3F95] =	sst lr;
	_ =	strace $0xD0000000  }
0x3: {  	_ = 	snop  }
0x4: {  	_ = 	snop  }
0x5: {  	_ = 	snop  }
0x6: {  	_ = 	snop  }
0x7: {  	_ = 	snop  }
__scs_overlays_trampoline_lowered:
0x8: {  	[smem:$0x3FA4] =	sst s0  }
0x9: {  	[smem:$0x3FA5] =	sst s1  }
0xa: {  	[smem:$0x3FA6] =	sst s2  }
0xb: {  	[smem:$0x3FA7] =	sst s3  }
0xc: {  	[smem:$0x3FA8] =	sst s4  }
0xd: {  	[smem:$0x3FA9] =	sst s5  }
0xe: {  	[smem:$0x3FAA] =	sst s6  }
0xf: {  	[smem:$0x3FAB] =	sst s7  }
0x10: {  	[smem:$0x3FAC] =	sst s8  }
0x11: {  	[smem:$0x3FAD] =	sst s9;
	s0 =	simm.s32 @!p0 $0x0  }
0x12: {  	s1 =	sld [smem:$0x3F93];
	s0 =	simm.s32 @p0 $0x1  }
0x13: {  	[smem:$0x3FAE] =	sst s0;
	s0 =	simm.s32 @!p1 $0x0  }
0x14: {  	s2 =	sld [smem:$0x3F92];
	s0 =	simm.s32 @p1 $0x1  }
0x15: {  	[smem:$0x3FAF] =	sst s0;
	s0 =	simm.s32 @!p2 $0x0  }
0x16: {  	s3 =	sld [smem:$0x3FDB];
	s0 =	simm.s32 @p2 $0x1  }
0x17: {  	s4 =	simm.s32 $0x1BF5;
	[smem:$0x3FB1] =	sst s0  }
0x18: {  	s0 =	sld [smem:$0x3F94];
	_ =	swait.ge [sflag:s4], $0x0  }
0x19: {  	s7 =	sld [smem:$0x3F95]  }
0x1a: {  	s8 =	sadd.s32 $0xFFFFE003, lr  }
0x1b: {  	s9 =	sadd.s32 $0xFFFFFEF7, lr;
	s5 =	simm.s32 $0xFFFFFFFF;
	p2 =	slt.u32 s8, $0xFFFFF086  }
0x1c: {  	p1 =	slt.u32 s9, $0xF7A;
	s5 =	simm.s32 @!p2 $0x0  }
0x1d: {  	s5 =	simm.s32 @p1 $0x1;
	p0 =	seq.s32 s7, s2  }
0x1e: {  	s7 =	smul.u32 @!p0 $0xF7A, s2;
	p2 =	seq.s32 @!p0 s5, $0x0  }
0x1f: {  	s9 =	smul.u32 $0xF7A, s1;
	s8 =	simm.s32 @!p0 $0x1BF5;
	p2 =	por !p2, p0  }
0x20: {  	[sflag:s8] =	ssyncset.s32 @!p0 $0xFFFFF086;
	s6 =	sadd.s32 @!p0 s3, s7;
	s7 =	simm.s32 @!p0 $0x108  }
0x21: {  	s3 =	sadd.s32 s3, s9;
	s6 =	sadd.s32 @!p0 $0x88, s6;
	s7 =	simm.s32 @p2 $0x1082  }
0x22: {  	[simem:s7], [sflag:s8] =	dma.local @!p0 [hbm:s6], $0xF7A  }
0x23: {  	s9 =	sor.u32 $0xD0000000, s2;
	s6 =	simm.s32 $0x108;
	_ =	swait.ge @!p0 [sflag:s8], $0x0  }
0x24: {  	s3 =	sadd.s32 $0x88, s3;
	s6 =	simm.s32 @!p1 $0x1082;
	[sflag:s4] =	ssyncset.s32 $0xFFFFF086  }
0x25: {  	[simem:s6], [sflag:s4] =	dma.local [hbm:s3], $0xF7A  }
0x26: {  	[smem:$0x3F95] =	sst s1;
	(tag) =	ssettag s2;
	_ =	strace s9  }
0x27: {  	s1 =	sld [smem:$0x3FA5]  }
0x28: {  	s2 =	sld [smem:$0x3FA6]  }
0x29: {  	s4 =	sld [smem:$0x3FA8]  }
0x2a: {  	p0 =	seq.s32 s5, $0x0;
	s5 =	sld [smem:$0x3FA9]  }
0x2b: {  	s6 =	sld [smem:$0x3FAA]  }
0x2c: {  	s7 =	sld [smem:$0x3FAB]  }
0x2d: {  	s3 =	simm.s32 $0x108;
	s8 =	sld [smem:$0x3FAC]  }
0x2e: {  	s3 =	simm.s32 @!p0 $0x1082;
	s9 =	sld [smem:$0x3FAD]  }
0x2f: {  	lr =	sadd.s32 s0, s3;
	s0 =	sld [smem:$0x3FA4]  }
0x30: {  	s3 =	sld [smem:$0x3FA7]  }
0x31: {  	[smem:$0x3FB0] =	sst s10  }
0x32: {  	s10 =	sld [smem:$0x3FAE];
	_ =	sdelay $0x3  }
0x33: {  	p0 =	seq.s32 s10, $0x1;
	s10 =	sld [smem:$0x3FB0];
	_ =	sdelay $0x3  }
0x34: {  	[smem:$0x3FB0] =	sst s10  }
0x35: {  	s10 =	sld [smem:$0x3FAF];
	_ =	sdelay $0x3  }
0x36: {  	p1 =	seq.s32 s10, $0x1;
	s10 =	sld [smem:$0x3FB0];
	_ =	sdelay $0x3  }
0x37: {  	[smem:$0x3FB0] =	sst s10  }
0x38: {  	s10 =	sld [smem:$0x3FB1]  }
0x39: {  	_ = 	snop;
	(pc) =	sbr.ind lr, $3  }
0x3a: {  	_ = 	snop  }
0x3b: {  	_ = 	snop  }
0x3c: {  	p2 =	seq.s32 s10, $0x1;
	s10 =	sld [smem:$0x3FB0]  }
0x3d: {  	_ =	shalt  }
0x3e: {  	_ =	shalt  }
0x3f: {  	_ =	shalt  }
0x40: {  	_ =	shalt  }
0x41: {  	_ =	shalt  }
0x42: {  	_ =	shalt  }
0x43: {  	_ =	shalt  }
0x44: {  	_ =	shalt  }
0x45: {  	_ =	shalt  }
0x46: {  	_ =	shalt  }
0x47: {  	_ =	shalt  }
0x48: {  	_ =	shalt  }
0x49: {  	_ =	shalt  }
0x4a: {  	_ =	shalt  }
0x4b: {  	_ =	shalt  }
0x4c: {  	_ =	shalt  }
0x4d: {  	_ =	shalt  }
0x4e: {  	_ =	shalt  }
0x4f: {  	_ =	shalt  }
0x50: {  	_ =	shalt  }
0x51: {  	_ =	shalt  }
0x52: {  	_ =	shalt  }
0x53: {  	_ =	shalt  }
0x54: {  	_ =	shalt  }
0x55: {  	_ =	shalt  }
0x56: {  	_ =	shalt  }
0x57: {  	_ =	shalt  }
0x58: {  	_ =	shalt  }
0x59: {  	_ =	shalt  }
0x5a: {  	_ =	shalt  }
0x5b: {  	_ =	shalt  }
0x5c: {  	_ =	shalt  }
0x5d: {  	_ =	shalt  }
0x5e: {  	_ =	shalt  }
0x5f: {  	_ =	shalt  }
0x60: {  	_ =	shalt  }
0x61: {  	_ =	shalt  }
0x62: {  	_ =	shalt  }
0x63: {  	_ =	shalt  }
0x64: {  	_ =	shalt  }
0x65: {  	_ =	shalt  }
0x66: {  	_ =	shalt  }
0x67: {  	_ =	shalt  }
0x68: {  	_ =	shalt  }
0x69: {  	_ =	shalt  }
0x6a: {  	_ =	shalt  }
0x6b: {  	_ =	shalt  }
0x6c: {  	_ =	shalt  }
0x6d: {  	_ =	shalt  }
0x6e: {  	_ =	shalt  }
0x6f: {  	_ =	shalt  }
0x70: {  	_ =	shalt  }
0x71: {  	_ =	shalt  }
0x72: {  	_ =	shalt  }
0x73: {  	_ =	shalt  }
0x74: {  	_ =	shalt  }
0x75: {  	_ =	shalt  }
0x76: {  	_ =	shalt  }
0x77: {  	_ =	shalt  }
0x78: {  	_ =	shalt  }
0x79: {  	_ =	shalt  }
0x7a: {  	_ =	shalt  }
0x7b: {  	_ =	shalt  }
0x7c: {  	_ =	shalt  }
0x7d: {  	_ =	shalt  }
0x7e: {  	_ =	shalt  }
0x7f: {  	_ =	shalt  }
0x80: {  	_ =	shalt  }
0x81: {  	_ =	shalt  }
0x82: {  	_ =	shalt  }
0x83: {  	_ =	shalt  }
0x84: {  	_ =	shalt  }
0x85: {  	_ =	shalt  }
0x86: {  	_ =	shalt  }
0x87: {  	_ =	shalt  }
.Lfunc_end0:
.L_simem_size_0:
called_computation.3_lowered:
.L_overlay_start_0:
0x88: {  	s2 =	sld [smem:$0x3FD9]  }
0x89: {  	s3 =	sld [smem:$0x3FFE];
	_ =	sdelay $0x1  }
0x8a: {  	s1 =	srdreg.scid  }
0x8b: {  	s0 =	sand.u32 $0x1, s1  }
0x8c: {  	s14 =	sshll.u32 s0, $0xA;
	s2 =	sadd.s32 s3, s2  }
0x8d: {  	s2 =	sadd.s32 s2, s14  }
0x8e: {  	[smem:$0x3FBC] =	sst s2  }
0x8f: {  	_ = 	snop  }
0x90: {  	s2 =	sld [smem:$0x3FD0];
	_ =	sdelay $0x2  }
0x91: {  	s15 =	simm.s32 $0xA;
	s4 =	simm.s32 $0x10  }
0x92: {  	[smem:s4], [sflag:s15] =	dma.local [hbm:s2], $0x1  }
0x93: {  	_ =	swait.eq [sflag:s15], $0x1  }
0x94: {  	[sflag:s15] =	ssyncset.done $0x0  }
0x95: {  	[sflag:s15] =	ssyncadd.s32 $0xFFFFFFFF  }
0x96: {  	s16 =	sld [smem:$0x10];
	(tm) =	ssettm $0x1  }
0x97: {  	s17 =	sld [smem:$0x3FFB];
	_ =	sdelay $0x3  }
0x98: {  	_ =	strace s17  }
0x99: {  	s3 =	sld [smem:$0x3FFC];
	_ =	sdelay $0x3  }
0x9a: {  	_ =	strace s3  }
0x9b: {  	s3 =	sld [smem:$0x3FFD];
	_ =	sdelay $0x3  }
0x9c: {  	_ =	strace s3  }
0x9d: {  	_ =	strace $0x8FFFFFFF  }
0x9e: {  	s18 =	sld [smem:$0x3FDB];
	_ =	sdelay $0x1  }
0x9f: {  	s19 =	simm.s32 $_scs_section_size  }
0xa0: {  	s5 =	simm.s32 $_size__tile_overlayer_lowered;
	s6 =	simm.s32 $_tile_overlayer_lowered  }
0xa1: {  	s22 =	simm.s32 $0x1BFF;
	s21 =	sshll.u32 s6, $0x1;
	s3 =	sadd.s32 s19, s18  }
0xa2: {  	s7 =	simm.s32 $0x0;
	s20 =	sshll.u32 s5, $0x1;
	s5 =	sadd.s32 s21, s3  }
0xa3: {  	[timem:s7], [sflag:s22] =	dma.local [hbm:s5], s20  }
0xa4: {  	_ =	swait.ge [sflag:s22], s20  }
0xa5: {  	s4 =	ssub.s32 $0x0, s20;
	[sflag:s22] =	ssyncset.done $0x0  }
0xa6: {  	[sflag:s22] =	ssyncadd.s32 s4;
	_ =	sdelay $0x1  }
0xa7: {  	s23 =	simm.s32 $0x1B8B  }
0xa8: {  	_ =	swait.ge [sflag:s23], $0x1  }
0xa9: {  	[sflag:s23] =	ssyncset.done $0x0  }
0xaa: {  	s25 =	simm.s32 $0x1B8E;
	s24 =	sld [smem:$0x3FFE];
	[sflag:s23] =	ssyncadd.s32 $0xFFFFFFFF  }
0xab: {  	s26 =	simm.s32 $execute0_lowered;
	[smem:$0x3FD2] =	sst s25  }
0xac: {  	s5 =	sshll.u32 s26, $0x1;
	_ =	strace $0x8000004F;
	[dreg:$0x1] =	wrdreg $0xFFFFFFFF  }
0xad: {  	s28 =	simm.s32 $_size_execute0_lowered;
	s3 =	sadd.s32 s3, s5;
	[dreg:$0x0] =	wrdreg $0x0  }
0xae: {  	s5 =	sshll.u32 s28, $0x1;
	[dreg:$0x2] =	wrdreg s3  }
0xaf: {  	[dreg:$0x3] =	wrdreg s5  }
0xb0: {  	[dreg:$0x4] =	wrdreg $0xC0  }
0xb1: {  	_ =	task [dreg:s7], $0x5FFFF  }
0xb2: {  	[dreg:$0x1] =	wrdreg $0xFFFFFFFF  }
0xb3: {  	[dreg:$0x0] =	wrdreg $0x60  }
0xb4: {  	[dreg:$0x2] =	wrdreg s24  }
0xb5: {  	[dreg:$0x3] =	wrdreg s16  }
0xb6: {  	[dreg:$0x4] =	wrdreg $0x116200  }
0xb7: {  	[dreg:$0x5] =	wrdreg $0x9  }
0xb8: {  	_ =	task.clear_ibuf [dreg:s7], $0x6FFFF;
	_ =	strace $0x9000004F  }
0xb9: {  	s29 =	simm.s32 $0x9;
	_ =	strace $0x80000051  }
0xba: {  	_ =	swait.ge [sflag:s29], $0x1  }
0xbb: {  	[sflag:s29] =	ssyncadd.s32 $0xFFFFFFFF  }
0xbc: {  	_ =	strace $0x90000051  }
0xbd: {  	_ =	sfence  }
0xbe: {  	s30 =	sld [smem:$0x0];
	_ =	sdelay $0x2  }
0xbf: {  	s31 =	sshll.u32 s1, $0xD;
	s1 =	sshrl.u32 s1, $0x2  }
0xc0: {  	s3 =	sand.u32 $0x4000, s31;
	s1 =	sadd.s32 s1, s30  }
0xc1: {  	s0 =	sor.u32 s3, s0;
	s1 =	sshll.u32 s1, $0x11  }
0xc2: {  	s0 =	sor.u32 s1, s0  }
0xc3: {  	s0 =	sadd.s32 $0x8F2B, s0  }
0xc4: {  	[sflag:s0] =	ssyncadd.remote.s32 $0x1  }
0xc5: {  	_ =	sfence.sel $0xFFFF  }
0xc6: {  	[dreg:$0x0] =	wrdreg $0xFFFFFFFF;
	(pc) =	sbr.abs _section_cstart, $3  }
0xc7: {  	[dreg:$0x1] =	wrdreg $0xFFFFFFFF  }
0xc8: {  	_ =	task.clear_ibuf [dreg:s7], $0x2FFFF;
	_ =	strace $0x9FFFFFFF  }
0xc9: {  	(tm) =	ssettm $0x7FFFFFFF  }
tec
execute0_lowered:
.L_overlay_start_1:
0x0: {  	(tag) =	ssettag $0x1  }
0x1: {  	s6 =	rddreg [dreg:$0x0]  }
0x2: {  	s0 =	srdreg.scid;
	s10 =	rddreg [dreg:$0x1]  }
0x3: {  	s25 =	stileid.u32;
	s2 =	rddreg [dreg:$0x2];
	s3 =	simm.s32 $0x0  }
0x4: {  	s19 =	simm.s32 $0x190;
	s20 =	simm.s32 $0xB220;
	s21 =	simm.s32 $0x1B620  }
0x5: {  	s22 =	simm.s32 $0x50;
	s23 =	simm.s32 $0x1B670;
	s24 =	simm.s32 $0x0  }
0x6: {  	s5 =	sand.u32 $0x1, s0;
	[smem:$0x7FF] =	sst s3;
	s9 =	smul.u32 $0xA000, s25  }
0x7: {  	s4 =	sadd.s32 $0xABE00, s6;
	s30 =	sshll.u32 s25, $0x6;
	s1 =	sshll.u32 s5, $0x4  }
0x8: {  	_ =	strace $0x80000050;
	s11 =	smul.u32 $0xA0000, s5;
	s14 =	ssub.s32 $0x2, s5  }
0x9: {  	s5 =	sadd.s32 $0x97E00, s6;
	s7 =	sor.u32 s25, s1;
	s12 =	sshrl.u32 s9, $0x3  }
0xa: {  	s29 =	sshrl.u32 s14, $0x1;
	s16 =	sadd.s32 s9, s2;
	s8 =	smul.u32 $0x2710, s7  }
0xb: {  	s26 =	sadd.s32 s12, s6;
	s11 =	sadd.s32 s9, s11;
	s28 =	smul.u32 $0x280, s7  }
0xc: {  	s14 =	ssub.s32 s14, s29;
	s31 =	smul.u32 $0xA, s7;
	s11 =	sshrl.u32 s11, $0x3  }
0xd: {  	s7 =	sor.u32 $0x1C05, s30;
	s8 =	sshrl.u32 s8, $0x3;
	s15 =	sadd.s32 s11, s6  }
0xe: {  	s12 =	sadd.s32 s28, s6;
	s10 =	sadd.s32 s10, s31;
	s13 =	sadd.s32 s8, s6  }
0xf: {  	s6 =	sadd.s32 $0xBFE00, s26;
	s11 =	sadd.s32 $0x100E00, s12;
	s12 =	sadd.s32 $0xD3E00, s15  }
0x10: {  	s15 =	simm.s32 $0x5;
	s8 =	sadd.s32 $0x4C00, s13;
	s9 =	sadd.s32 $0xE840, s13  }
0x11: {  	s13 =	smax.u32 s14, $0x1;
	s14 =	sshrl.u32 s16, $0x3;
	s16 =	simm.s32 $0xC8  }
.LBB2_1:
0x12: {  	[spmem:s14], [sflag:s7] =	dma.local [hbm:s6], $0x1400  }
0x13: {  	_ =	swait.ge [sflag:s15], $0x1400  }
0x14: {  	[sflag:s15] =	ssyncset.done $0x0  }
0x15: {  	[sflag:s15] =	ssyncadd.s32 $0xFFFFEC00  }
0x16: {  	[bflag:$0x0] =	sbarrier.arrive $0xFFFF  }
0x17: {  	[tilespmem:s3], [sflag:$0x5] =	stream.linear.gather [hbm4b:s8+s3], $0x2710, $0x38;
	[tilespmem:$0x1CA70] =	vst v63  }
0x18: {  	_ =	swait.ge [sflag:s15], $0x2710  }
0x19: {  	[sflag:s15] =	ssyncset.done $0x0  }
0x1a: {  	s25 =	simm.s32 $0x2710;
	[sflag:s15] =	ssyncadd.s32 $0xFFFFD8F0  }
0x1b: {  	[tilespmem:s25], [sflag:$0x5] =	stream.linear.gather [hbm4b:s9+s3], $0x2710, $0x38;
	[tilespmem:$0x1CA70] =	vst v63  }
0x1c: {  	_ =	swait.ge [sflag:s15], $0x2710  }
0x1d: {  	[sflag:s15] =	ssyncset.done $0x0  }
0x1e: {  	s0 =	simm.s32 $0x4E20;
	[sflag:s15] =	ssyncadd.s32 $0xFFFFD8F0  }
0x1f: {  	[tilespmem:s0], [sflag:$0x1] =	stream.indirect.gather [hbm4b:s4+s16], $0x40, s3, s16, $0xb8;
	[tilespmem:$0x1CA70] =	vst v63  }
0x20: {  	s17 =	simm.s32 $0x8020  }
0x21: {  	[tilespmem:s17], [sflag:$0x2] =	stream.indirect.gather [hbm4b:s4+s16], $0x40, s16, s16, $0xb8;
	[tilespmem:$0x1CA70] =	vst v63  }
0x22: {  	_ = 	snop  }
0x23: {  	[tilespmem:s20], [sflag:$0x3] =	stream.indirect.gather [hbm4b:s4+s16], $0x40, s19, s16, $0xb8;
	[tilespmem:$0x1CA70] =	vst v63  }
0x24: {  	_ = 	snop  }
0x25: {  	[tilespmem:s21], [sflag:$0x5] =	stream.linear.gather [hbm4b:s10+s3], $0x50, $0x38;
	[tilespmem:$0x1CA70] =	vst v63  }
0x26: {  	_ =	swait.ge [sflag:s15], $0x50  }
0x27: {  	[sflag:s15] =	ssyncset.done $0x0  }
0x28: {  	s26 =	simm.s32 $0x3;
	[sflag:s15] =	ssyncadd.s32 $0xFFFFFFB0  }
0x29: {  	[tilespmem:s23], [sflag:$0x5] =	stream.indirect.gather [hbm4b:s5+s22], $0x40, s21, s22, $0xb8;
	[tilespmem:$0x1CA70] =	vst v63  }
0x2a: {  	p0 =	por $0x0, $0x0;
	s29 =	simm.s32 $0x0;
	_ =	swait.ge [sflag:s15], $0x1400  }
0x2b: {  	s30 =	simm.s32 $0x258;
	s26 =	sand.u32 @!p0 $0x3, s26;
	[sflag:s15] =	ssyncset.done $0x0  }
0x2c: {  	s29 =	sand.u32 $0x3, s29;
	s28 =	smul.u32 @!p0 $0xC800, s26;
	[sflag:s15] =	ssyncadd.s32 $0xFFFFEC00  }
0x2d: {  	[hbm4b:s11+s3] =	stream.linear.scatter [tilespmem:s23], [sflag:$0x5], $0x1400, $0x38;
	[tilespmem:$0x1CA70] =	vst v63  }
0x2e: {  	s31 =	simm.s32 @!p0 $0xC8;
	s26 =	sadd.s32 @!p0 $0x1, s26;
	_ =	swait.ge [sflag:s15], $0x1400  }
0x2f: {  	s18 =	smul.u32 $0xC800, s29;
	s28 =	sshrl.u32 @!p0 s28, $0x2;
	[sflag:s15] =	ssyncset.done $0x0  }
0x30: {  	s29 =	sadd.s32 $0x1, s29;
	s28 =	sadd.s32 @!p0 $0x4E20, s28;
	[sflag:s15] =	ssyncadd.s32 $0xFFFFEC00  }
0x31: {  	[tilespmem:s28], [sflag:s26] =	stream.indirect.gather @!p0 [hbm4b:s4+s31], $0x40, s30, s31, $0xb8;
	[tilespmem:$0x1CA70] =	vst v63  }
0x32: {  	_ =	swait.ge [sflag:s29], $0x3200  }
0x33: {  	s31 =	simm.s32 $0x4;
	s26 =	sshrl.u32 s18, $0x2;
	[sflag:s29] =	ssyncset.done $0x0  }
0x34: {  	s28 =	simm.s32 $0x5;
	s26 =	sadd.s32 $0x4E20, s26;
	[sflag:s29] =	ssyncadd.s32 $0xFFFFCE00  }
0x35: {  	[spmem:s2] =	stream.indirect.scatter.add.f32 [tilespmem:s26], [sflag:$0x5], $0x40, s25, s16, $0xb8;
	[tilespmem:$0x1CA70] =	vst v63  }
0x36: {  	p0 =	por $0x0, $0x0;
	s29 =	simm.s32 $0x1;
	s26 =	simm.s32 $0x320  }
0x37: {  	s25 =	simm.s32 $0x27D8;
	s30 =	sand.u32 $0x3, s29;
	_ =	swait.ge [sflag:s15], $0x3200  }
0x38: {  	s29 =	sand.u32 @!p0 $0x3, s31;
	s31 =	smul.u32 $0xC800, s30;
	[sflag:s15] =	ssyncset.done $0x0  }
.LBB2_2:
0x39: {  	s1 =	smul.u32 @!p0 $0xC800, s29;
	[sflag:s15] =	ssyncadd.s32 $0xFFFFCE00  }
0x3a: {  	s0 =	smov.u32 s28;
	s28 =	sadd.s32 $0x1, s28;
	s17 =	smov.u32 s25  }
0x3b: {  	p1 =	sne.s32 s28, $0x35;
	s31 =	sshrl.u32 s31, $0x2  }
0x3c: {  	s30 =	sadd.s32 $0x1, s30;
	s1 =	sshrl.u32 @!p0 s1, $0x2  }
0x3d: {  	s29 =	sadd.s32 @!p0 $0x1, s29;
	s18 =	simm.s32 @!p0 $0xC8;
	s1 =	sadd.s32 @!p0 $0x4E20, s1  }
0x3e: {  	[tilespmem:s1], [sflag:s29] =	stream.indirect.gather @!p0 [hbm4b:s4+s18], $0x40, s26, s18, $0xb8;
	[tilespmem:$0x1CA70] =	vst v63  }
0x3f: {  	s25 =	sadd.s32 $0xC8, s25;
	_ =	swait.ge [sflag:s30], $0x3200  }
.Ltmp0:
0x40: {  	s26 =	sadd.s32 $0xC8, s26;
	[sflag:s30] =	ssyncset.done $0x0;
	(pc) =	sbr.rel @p1 .LBB2_2-.Ltmp0, $4  }
0x41: {  	s1 =	sadd.s32 $0xFFFFFFFD, s0;
	s18 =	sadd.s32 $0x4E20, s31;
	[sflag:s30] =	ssyncadd.s32 $0xFFFFCE00  }
0x42: {  	[spmem:s2] =	stream.indirect.scatter.add.f32 [tilespmem:s18], [sflag:$0x5], $0x40, s17, s16, $0xb8;
	[tilespmem:$0x1CA70] =	vst v63  }
0x43: {  	p0 =	sgt.u32 s1, $0x2E;
	s30 =	sand.u32 $0x3, s1;
	_ =	swait.ge [sflag:s15], $0x3200  }
0x44: {  	s29 =	sand.u32 @!p0 $0x3, s0;
	s31 =	smul.u32 $0xC800, s30;
	[sflag:s15] =	ssyncset.done $0x0  }
0x45: {  	s0 =	smul.u32 @!p0 $0xC800, s29;
	_ =	sdelay $0x1  }
0x46: {  	[sflag:s15] =	ssyncadd.s32 $0xFFFFCE00;
	s1 =	sadd.s32 $0x1, s30;
	s0 =	sshrl.u32 @!p0 s0, $0x2  }
0x47: {  	s17 =	sadd.s32 @!p0 $0x1, s29;
	s18 =	simm.s32 @!p0 $0xC8;
	s0 =	sadd.s32 @!p0 $0x4E20, s0  }
0x48: {  	[tilespmem:s0], [sflag:s17] =	stream.indirect.gather @!p0 [hbm4b:s4+s18], $0x40, s26, s18, $0xb8;
	[tilespmem:$0x1CA70] =	vst v63  }
0x49: {  	_ =	swait.ge [sflag:s1], $0x3200  }
0x4a: {  	s31 =	sshrl.u32 s31, $0x2;
	[sflag:s1] =	ssyncset.done $0x0  }
0x4b: {  	s0 =	sadd.s32 $0x4E20, s31;
	[sflag:s1] =	ssyncadd.s32 $0xFFFFCE00  }
0x4c: {  	[spmem:s2] =	stream.indirect.scatter.add.f32 [tilespmem:s0], [sflag:$0x5], $0x40, s25, s16, $0xb8;
	[tilespmem:$0x1CA70] =	vst v63  }
0x4d: {  	_ =	swait.ge [sflag:s15], $0x3200  }
0x4e: {  	s24 =	sadd.s32 $0x1, s24;
	[sflag:s15] =	ssyncset.done $0x0  }
0x4f: {  	p0 =	sne.s32 s24, s13;
	[sflag:s15] =	ssyncadd.s32 $0xFFFFCE00  }
.Ltmp1:
0x50: {  	[bflag:$0x0] =	sbarrier.arrive $0xFFFF;
	(pc) =	sbr.rel @p0 .LBB2_1-.Ltmp1, $4  }
0x51: {  	[hbm:s12], [sflag:s7] =	dma.local [spmem:s14], $0x1400  }
0x52: {  	_ =	swait.ge [sflag:s15], $0x1400  }
0x53: {  	[sflag:s15] =	ssyncset.done $0x0  }
0x54: {  	[sflag:s15] =	ssyncadd.s32 $0xFFFFEC00  }
0x55: {  	_ =	sfence.sel $0x180000  }
0x56: {  	[bflag:$0x0] =	sbarrier.arrive $0xFFFF  }
0x57: {  	_ =	strace $0x90000050  }
0x58: {  	s0 =	stileid.u32;
	[bflag:$0x2] =	sbarrier.arrive $0xFFFF  }
0x59: {  	p0 =	sne.s32 s0, $0x0;
	s0 =	rddreg [dreg:$0x3]  }
0x5a: {  	s0 =	sadd.s32 @!p0 $0x100000, s0  }
0x5b: {  	[sflag:s0] =	ssyncadd.tile.s32 @!p0 $0x1;
	_ =	shalt  }
.Lfunc_end2:
_tile_overlayer_lowered:
.L_overlay_start_2:
0x5c: {  	(tag) =	ssettag $0x2  }
0x5d: {  	s0 =	rddreg [dreg:$0x0];
	s2 =	stileid.u32  }
0x5e: {  	s1 =	rddreg [dreg:$0x1];
	p0 =	sne.s32 s2, $0x0  }
0x5f: {  	s3 =	rddreg [dreg:$0x2];
	[bflag:$0x3] =	sbarrier.arrive $0xFFFF;
	s2 =	simm.s32 @!p0 $0x1C05  }
0x60: {  	[timem:s3], [sflag:s2] =	dma.local @!p0 [hbm:s0], s1  }
0x61: {  	s0 =	simm.s32 @!p0 $0x5  }
0x62: {  	_ =	swait.ge @!p0 [sflag:s0], s1  }
0x63: {  	s1 =	ssub.s32 @!p0 $0x0, s1;
	[sflag:s0] =	ssyncset.done @!p0 $0x0  }
0x64: {  	[sflag:s0] =	ssyncadd.s32 @!p0 s1  }
0x65: {  	[bflag:$0x3] =	sbarrier.arrive $0xFFFF  }
0x66: {  	_ =	shalt  }

// kernel: kernel.24.cloned.1.call-start
scs
__scs_entry_jumppad:
0x0: {  	(pc) =	sbr.rel $0x88, $3  }
0x1: {  	(tag) =	ssettag $0x0;
	lr =	simm.s32 $0x1  }
0x2: {  	[smem:$0x3F95] =	sst lr;
	_ =	strace $0xD0000000  }
0x3: {  	_ = 	snop  }
0x4: {  	_ = 	snop  }
0x5: {  	_ = 	snop  }
0x6: {  	_ = 	snop  }
0x7: {  	_ = 	snop  }
__scs_overlays_trampoline_lowered:
0x8: {  	[smem:$0x3FA4] =	sst s0  }
0x9: {  	[smem:$0x3FA5] =	sst s1  }
0xa: {  	[smem:$0x3FA6] =	sst s2  }
0xb: {  	[smem:$0x3FA7] =	sst s3  }
0xc: {  	[smem:$0x3FA8] =	sst s4  }
0xd: {  	[smem:$0x3FA9] =	sst s5  }
0xe: {  	[smem:$0x3FAA] =	sst s6  }
0xf: {  	[smem:$0x3FAB] =	sst s7  }
0x10: {  	[smem:$0x3FAC] =	sst s8  }
0x11: {  	[smem:$0x3FAD] =	sst s9;
	s0 =	simm.s32 @!p0 $0x0  }
0x12: {  	s1 =	sld [smem:$0x3F93];
	s0 =	simm.s32 @p0 $0x1  }
0x13: {  	[smem:$0x3FAE] =	sst s0;
	s0 =	simm.s32 @!p1 $0x0  }
0x14: {  	s2 =	sld [smem:$0x3F92];
	s0 =	simm.s32 @p1 $0x1  }
0x15: {  	[smem:$0x3FAF] =	sst s0;
	s0 =	simm.s32 @!p2 $0x0  }
0x16: {  	s3 =	sld [smem:$0x3FDB];
	s0 =	simm.s32 @p2 $0x1  }
0x17: {  	s4 =	simm.s32 $0x1BF5;
	[smem:$0x3FB1] =	sst s0  }
0x18: {  	s0 =	sld [smem:$0x3F94];
	_ =	swait.ge [sflag:s4], $0x0  }
0x19: {  	s7 =	sld [smem:$0x3F95]  }
0x1a: {  	s8 =	sadd.s32 $0xFFFFE003, lr  }
0x1b: {  	s9 =	sadd.s32 $0xFFFFFEF7, lr;
	s5 =	simm.s32 $0xFFFFFFFF;
	p2 =	slt.u32 s8, $0xFFFFF086  }
0x1c: {  	p1 =	slt.u32 s9, $0xF7A;
	s5 =	simm.s32 @!p2 $0x0  }
0x1d: {  	s5 =	simm.s32 @p1 $0x1;
	p0 =	seq.s32 s7, s2  }
0x1e: {  	s7 =	smul.u32 @!p0 $0xF7A, s2;
	p2 =	seq.s32 @!p0 s5, $0x0  }
0x1f: {  	s9 =	smul.u32 $0xF7A, s1;
	s8 =	simm.s32 @!p0 $0x1BF5;
	p2 =	por !p2, p0  }
0x20: {  	[sflag:s8] =	ssyncset.s32 @!p0 $0xFFFFF086;
	s6 =	sadd.s32 @!p0 s3, s7;
	s7 =	simm.s32 @!p0 $0x108  }
0x21: {  	s3 =	sadd.s32 s3, s9;
	s6 =	sadd.s32 @!p0 $0x88, s6;
	s7 =	simm.s32 @p2 $0x1082  }
0x22: {  	[simem:s7], [sflag:s8] =	dma.local @!p0 [hbm:s6], $0xF7A  }
0x23: {  	s9 =	sor.u32 $0xD0000000, s2;
	s6 =	simm.s32 $0x108;
	_ =	swait.ge @!p0 [sflag:s8], $0x0  }
0x24: {  	s3 =	sadd.s32 $0x88, s3;
	s6 =	simm.s32 @!p1 $0x1082;
	[sflag:s4] =	ssyncset.s32 $0xFFFFF086  }
0x25: {  	[simem:s6], [sflag:s4] =	dma.local [hbm:s3], $0xF7A  }
0x26: {  	[smem:$0x3F95] =	sst s1;
	(tag) =	ssettag s2;
	_ =	strace s9  }
0x27: {  	s1 =	sld [smem:$0x3FA5]  }
0x28: {  	s2 =	sld [smem:$0x3FA6]  }
0x29: {  	s4 =	sld [smem:$0x3FA8]  }
0x2a: {  	p0 =	seq.s32 s5, $0x0;
	s5 =	sld [smem:$0x3FA9]  }
0x2b: {  	s6 =	sld [smem:$0x3FAA]  }
0x2c: {  	s7 =	sld [smem:$0x3FAB]  }
0x2d: {  	s3 =	simm.s32 $0x108;
	s8 =	sld [smem:$0x3FAC]  }
0x2e: {  	s3 =	simm.s32 @!p0 $0x1082;
	s9 =	sld [smem:$0x3FAD]  }
0x2f: {  	lr =	sadd.s32 s0, s3;
	s0 =	sld [smem:$0x3FA4]  }
0x30: {  	s3 =	sld [smem:$0x3FA7]  }
0x31: {  	[smem:$0x3FB0] =	sst s10  }
0x32: {  	s10 =	sld [smem:$0x3FAE];
	_ =	sdelay $0x3  }
0x33: {  	p0 =	seq.s32 s10, $0x1;
	s10 =	sld [smem:$0x3FB0];
	_ =	sdelay $0x3  }
0x34: {  	[smem:$0x3FB0] =	sst s10  }
0x35: {  	s10 =	sld [smem:$0x3FAF];
	_ =	sdelay $0x3  }
0x36: {  	p1 =	seq.s32 s10, $0x1;
	s10 =	sld [smem:$0x3FB0];
	_ =	sdelay $0x3  }
0x37: {  	[smem:$0x3FB0] =	sst s10  }
0x38: {  	s10 =	sld [smem:$0x3FB1]  }
0x39: {  	_ = 	snop;
	(pc) =	sbr.ind lr, $3  }
0x3a: {  	_ = 	snop  }
0x3b: {  	_ = 	snop  }
0x3c: {  	p2 =	seq.s32 s10, $0x1;
	s10 =	sld [smem:$0x3FB0]  }
0x3d: {  	_ =	shalt  }
0x3e: {  	_ =	shalt  }
0x3f: {  	_ =	shalt  }
0x40: {  	_ =	shalt  }
0x41: {  	_ =	shalt  }
0x42: {  	_ =	shalt  }
0x43: {  	_ =	shalt  }
0x44: {  	_ =	shalt  }
0x45: {  	_ =	shalt  }
0x46: {  	_ =	shalt  }
0x47: {  	_ =	shalt  }
0x48: {  	_ =	shalt  }
0x49: {  	_ =	shalt  }
0x4a: {  	_ =	shalt  }
0x4b: {  	_ =	shalt  }
0x4c: {  	_ =	shalt  }
0x4d: {  	_ =	shalt  }
0x4e: {  	_ =	shalt  }
0x4f: {  	_ =	shalt  }
0x50: {  	_ =	shalt  }
0x51: {  	_ =	shalt  }
0x52: {  	_ =	shalt  }
0x53: {  	_ =	shalt  }
0x54: {  	_ =	shalt  }
0x55: {  	_ =	shalt  }
0x56: {  	_ =	shalt  }
0x57: {  	_ =	shalt  }
0x58: {  	_ =	shalt  }
0x59: {  	_ =	shalt  }
0x5a: {  	_ =	shalt  }
0x5b: {  	_ =	shalt  }
0x5c: {  	_ =	shalt  }
0x5d: {  	_ =	shalt  }
0x5e: {  	_ =	shalt  }
0x5f: {  	_ =	shalt  }
0x60: {  	_ =	shalt  }
0x61: {  	_ =	shalt  }
0x62: {  	_ =	shalt  }
0x63: {  	_ =	shalt  }
0x64: {  	_ =	shalt  }
0x65: {  	_ =	shalt  }
0x66: {  	_ =	shalt  }
0x67: {  	_ =	shalt  }
0x68: {  	_ =	shalt  }
0x69: {  	_ =	shalt  }
0x6a: {  	_ =	shalt  }
0x6b: {  	_ =	shalt  }
0x6c: {  	_ =	shalt  }
0x6d: {  	_ =	shalt  }
0x6e: {  	_ =	shalt  }
0x6f: {  	_ =	shalt  }
0x70: {  	_ =	shalt  }
0x71: {  	_ =	shalt  }
0x72: {  	_ =	shalt  }
0x73: {  	_ =	shalt  }
0x74: {  	_ =	shalt  }
0x75: {  	_ =	shalt  }
0x76: {  	_ =	shalt  }
0x77: {  	_ =	shalt  }
0x78: {  	_ =	shalt  }
0x79: {  	_ =	shalt  }
0x7a: {  	_ =	shalt  }
0x7b: {  	_ =	shalt  }
0x7c: {  	_ =	shalt  }
0x7d: {  	_ =	shalt  }
0x7e: {  	_ =	shalt  }
0x7f: {  	_ =	shalt  }
0x80: {  	_ =	shalt  }
0x81: {  	_ =	shalt  }
0x82: {  	_ =	shalt  }
0x83: {  	_ =	shalt  }
0x84: {  	_ =	shalt  }
0x85: {  	_ =	shalt  }
0x86: {  	_ =	shalt  }
0x87: {  	_ =	shalt  }
.Lfunc_end0:
.L_simem_size_0:
called_computation.4_lowered:
.L_overlay_start_0:
0x88: {  	s2 =	sld [smem:$0x3FD9]  }
0x89: {  	s3 =	sld [smem:$0x3FFE];
	_ =	sdelay $0x1  }
0x8a: {  	s1 =	srdreg.scid  }
0x8b: {  	s0 =	sand.u32 $0x1, s1  }
0x8c: {  	s14 =	sshll.u32 s0, $0xA;
	s2 =	sadd.s32 s3, s2  }
0x8d: {  	s2 =	sadd.s32 s2, s14  }
0x8e: {  	[smem:$0x3FBC] =	sst s2  }
0x8f: {  	_ = 	snop  }
0x90: {  	s2 =	sld [smem:$0x3FD0];
	_ =	sdelay $0x2  }
0x91: {  	s15 =	simm.s32 $0xA;
	s4 =	simm.s32 $0x10  }
0x92: {  	[smem:s4], [sflag:s15] =	dma.local [hbm:s2], $0x1  }
0x93: {  	_ =	swait.eq [sflag:s15], $0x1  }
0x94: {  	[sflag:s15] =	ssyncset.done $0x0  }
0x95: {  	[sflag:s15] =	ssyncadd.s32 $0xFFFFFFFF  }
0x96: {  	s16 =	sld [smem:$0x11];
	(tm) =	ssettm $0x1  }
0x97: {  	s17 =	sld [smem:$0x3FFB];
	_ =	sdelay $0x3  }
0x98: {  	_ =	strace s17  }
0x99: {  	s3 =	sld [smem:$0x3FFC];
	_ =	sdelay $0x3  }
0x9a: {  	_ =	strace s3  }
0x9b: {  	s3 =	sld [smem:$0x3FFD];
	_ =	sdelay $0x3  }
0x9c: {  	_ =	strace s3  }
0x9d: {  	_ =	strace $0x8FFFFFFF  }
0x9e: {  	s18 =	sld [smem:$0x3FDB];
	_ =	sdelay $0x1  }
0x9f: {  	s19 =	simm.s32 $_scs_section_size  }
0xa0: {  	s5 =	simm.s32 $_size__tile_overlayer_lowered;
	s6 =	simm.s32 $_tile_overlayer_lowered  }
0xa1: {  	s22 =	simm.s32 $0x1BFF;
	s21 =	sshll.u32 s6, $0x1;
	s3 =	sadd.s32 s19, s18  }
0xa2: {  	s7 =	simm.s32 $0x0;
	s20 =	sshll.u32 s5, $0x1;
	s5 =	sadd.s32 s21, s3  }
0xa3: {  	[timem:s7], [sflag:s22] =	dma.local [hbm:s5], s20  }
0xa4: {  	_ =	swait.ge [sflag:s22], s20  }
0xa5: {  	s4 =	ssub.s32 $0x0, s20;
	[sflag:s22] =	ssyncset.done $0x0  }
0xa6: {  	[sflag:s22] =	ssyncadd.s32 s4;
	_ =	sdelay $0x1  }
0xa7: {  	s23 =	simm.s32 $0x1B8B  }
0xa8: {  	_ =	swait.ge [sflag:s23], $0x1  }
0xa9: {  	[sflag:s23] =	ssyncset.done $0x0  }
0xaa: {  	s25 =	simm.s32 $0x1B8E;
	s24 =	sld [smem:$0x3FFE];
	[sflag:s23] =	ssyncadd.s32 $0xFFFFFFFF  }
0xab: {  	s26 =	simm.s32 $execute0_lowered;
	[smem:$0x3FD2] =	sst s25  }
0xac: {  	s5 =	sshll.u32 s26, $0x1;
	_ =	strace $0x80000052;
	[dreg:$0x1] =	wrdreg $0xFFFFFFFF  }
0xad: {  	s28 =	simm.s32 $_size_execute0_lowered;
	s3 =	sadd.s32 s3, s5;
	[dreg:$0x0] =	wrdreg $0x0  }
0xae: {  	s5 =	sshll.u32 s28, $0x1;
	[dreg:$0x2] =	wrdreg s3  }
0xaf: {  	[dreg:$0x3] =	wrdreg s5  }
0xb0: {  	[dreg:$0x4] =	wrdreg $0xC0  }
0xb1: {  	_ =	task [dreg:s7], $0x5FFFF  }
0xb2: {  	[dreg:$0x1] =	wrdreg $0xFFFFFFFF  }
0xb3: {  	[dreg:$0x0] =	wrdreg $0x60  }
0xb4: {  	[dreg:$0x2] =	wrdreg s24  }
0xb5: {  	[dreg:$0x3] =	wrdreg s16  }
0xb6: {  	[dreg:$0x4] =	wrdreg $0x116200  }
0xb7: {  	[dreg:$0x5] =	wrdreg $0x9  }
0xb8: {  	_ =	task.clear_ibuf [dreg:s7], $0x6FFFF;
	_ =	strace $0x90000052  }
0xb9: {  	s29 =	simm.s32 $0x9;
	_ =	strace $0x80000054  }
0xba: {  	_ =	swait.ge [sflag:s29], $0x1  }
0xbb: {  	[sflag:s29] =	ssyncadd.s32 $0xFFFFFFFF  }
0xbc: {  	_ =	strace $0x90000054  }
0xbd: {  	_ =	sfence  }
0xbe: {  	s30 =	sld [smem:$0x0];
	_ =	sdelay $0x2  }
0xbf: {  	s31 =	sshll.u32 s1, $0xD;
	s1 =	sshrl.u32 s1, $0x2  }
0xc0: {  	s3 =	sand.u32 $0x4000, s31;
	s1 =	sadd.s32 s1, s30  }
0xc1: {  	s0 =	sor.u32 s3, s0;
	s1 =	sshll.u32 s1, $0x11  }
0xc2: {  	s0 =	sor.u32 s1, s0  }
0xc3: {  	s0 =	sadd.s32 $0x8F2B, s0  }
0xc4: {  	[sflag:s0] =	ssyncadd.remote.s32 $0x1  }
0xc5: {  	_ =	sfence.sel $0xFFFF  }
0xc6: {  	[dreg:$0x0] =	wrdreg $0xFFFFFFFF;
	(pc) =	sbr.abs _section_cstart, $3  }
0xc7: {  	[dreg:$0x1] =	wrdreg $0xFFFFFFFF  }
0xc8: {  	_ =	task.clear_ibuf [dreg:s7], $0x2FFFF;
	_ =	strace $0x9FFFFFFF  }
0xc9: {  	(tm) =	ssettm $0x7FFFFFFF  }
tec
execute0_lowered:
.L_overlay_start_1:
0x0: {  	(tag) =	ssettag $0x1  }
0x1: {  	s6 =	rddreg [dreg:$0x0]  }
0x2: {  	s0 =	srdreg.scid;
	s10 =	rddreg [dreg:$0x1]  }
0x3: {  	s25 =	stileid.u32;
	s2 =	rddreg [dreg:$0x2];
	s3 =	simm.s32 $0x0  }
0x4: {  	s19 =	simm.s32 $0x190;
	s20 =	simm.s32 $0xB220;
	s21 =	simm.s32 $0x1B620  }
0x5: {  	s22 =	simm.s32 $0x50;
	s23 =	simm.s32 $0x1B670;
	s24 =	simm.s32 $0x0  }
0x6: {  	s5 =	sand.u32 $0x1, s0;
	[smem:$0x7FF] =	sst s3;
	s9 =	smul.u32 $0xA000, s25  }
0x7: {  	s4 =	sadd.s32 $0xABE00, s6;
	s30 =	sshll.u32 s25, $0x6;
	s1 =	sshll.u32 s5, $0x4  }
0x8: {  	_ =	strace $0x80000053;
	s11 =	smul.u32 $0xA0000, s5;
	s14 =	ssub.s32 $0x2, s5  }
0x9: {  	s5 =	sadd.s32 $0x97E00, s6;
	s7 =	sor.u32 s25, s1;
	s12 =	sshrl.u32 s9, $0x3  }
0xa: {  	s29 =	sshrl.u32 s14, $0x1;
	s16 =	sadd.s32 s9, s2;
	s8 =	smul.u32 $0x2710, s7  }
0xb: {  	s26 =	sadd.s32 s12, s6;
	s11 =	sadd.s32 s9, s11;
	s28 =	smul.u32 $0x280, s7  }
0xc: {  	s14 =	ssub.s32 s14, s29;
	s31 =	smul.u32 $0xA, s7;
	s11 =	sshrl.u32 s11, $0x3  }
0xd: {  	s7 =	sor.u32 $0x1C05, s30;
	s8 =	sshrl.u32 s8, $0x3;
	s15 =	sadd.s32 s11, s6  }
0xe: {  	s12 =	sadd.s32 s28, s6;
	s10 =	sadd.s32 s10, s31;
	s13 =	sadd.s32 s8, s6  }
0xf: {  	s6 =	sadd.s32 $0xBFE00, s26;
	s11 =	sadd.s32 $0x105E00, s12;
	s12 =	sadd.s32 $0xD3E00, s15  }
0x10: {  	s15 =	simm.s32 $0x5;
	s8 =	sadd.s32 $0x4C00, s13;
	s9 =	sadd.s32 $0xE840, s13  }
0x11: {  	s13 =	smax.u32 s14, $0x1;
	s14 =	sshrl.u32 s16, $0x3;
	s16 =	simm.s32 $0xC8  }
.LBB2_1:
0x12: {  	[spmem:s14], [sflag:s7] =	dma.local [hbm:s6], $0x1400  }
0x13: {  	_ =	swait.ge [sflag:s15], $0x1400  }
0x14: {  	[sflag:s15] =	ssyncset.done $0x0  }
0x15: {  	[sflag:s15] =	ssyncadd.s32 $0xFFFFEC00  }
0x16: {  	[bflag:$0x0] =	sbarrier.arrive $0xFFFF  }
0x17: {  	[tilespmem:s3], [sflag:$0x5] =	stream.linear.gather [hbm4b:s8+s3], $0x2710, $0x38;
	[tilespmem:$0x1CA70] =	vst v63  }
0x18: {  	_ =	swait.ge [sflag:s15], $0x2710  }
0x19: {  	[sflag:s15] =	ssyncset.done $0x0  }
0x1a: {  	s25 =	simm.s32 $0x2710;
	[sflag:s15] =	ssyncadd.s32 $0xFFFFD8F0  }
0x1b: {  	[tilespmem:s25], [sflag:$0x5] =	stream.linear.gather [hbm4b:s9+s3], $0x2710, $0x38;
	[tilespmem:$0x1CA70] =	vst v63  }
0x1c: {  	_ =	swait.ge [sflag:s15], $0x2710  }
0x1d: {  	[sflag:s15] =	ssyncset.done $0x0  }
0x1e: {  	s0 =	simm.s32 $0x4E20;
	[sflag:s15] =	ssyncadd.s32 $0xFFFFD8F0  }
0x1f: {  	[tilespmem:s0], [sflag:$0x1] =	stream.indirect.gather [hbm4b:s4+s16], $0x40, s3, s16, $0xb8;
	[tilespmem:$0x1CA70] =	vst v63  }
0x20: {  	s17 =	simm.s32 $0x8020  }
0x21: {  	[tilespmem:s17], [sflag:$0x2] =	stream.indirect.gather [hbm4b:s4+s16], $0x40, s16, s16, $0xb8;
	[tilespmem:$0x1CA70] =	vst v63  }
0x22: {  	_ = 	snop  }
0x23: {  	[tilespmem:s20], [sflag:$0x3] =	stream.indirect.gather [hbm4b:s4+s16], $0x40, s19, s16, $0xb8;
	[tilespmem:$0x1CA70] =	vst v63  }
0x24: {  	_ = 	snop  }
0x25: {  	[tilespmem:s21], [sflag:$0x5] =	stream.linear.gather [hbm4b:s10+s3], $0x50, $0x38;
	[tilespmem:$0x1CA70] =	vst v63  }
0x26: {  	_ =	swait.ge [sflag:s15], $0x50  }
0x27: {  	[sflag:s15] =	ssyncset.done $0x0  }
0x28: {  	s26 =	simm.s32 $0x3;
	[sflag:s15] =	ssyncadd.s32 $0xFFFFFFB0  }
0x29: {  	[tilespmem:s23], [sflag:$0x5] =	stream.indirect.gather [hbm4b:s5+s22], $0x40, s21, s22, $0xb8;
	[tilespmem:$0x1CA70] =	vst v63  }
0x2a: {  	p0 =	por $0x0, $0x0;
	s29 =	simm.s32 $0x0;
	_ =	swait.ge [sflag:s15], $0x1400  }
0x2b: {  	s30 =	simm.s32 $0x258;
	s26 =	sand.u32 @!p0 $0x3, s26;
	[sflag:s15] =	ssyncset.done $0x0  }
0x2c: {  	s29 =	sand.u32 $0x3, s29;
	s28 =	smul.u32 @!p0 $0xC800, s26;
	[sflag:s15] =	ssyncadd.s32 $0xFFFFEC00  }
0x2d: {  	[hbm4b:s11+s3] =	stream.linear.scatter [tilespmem:s23], [sflag:$0x5], $0x1400, $0x38;
	[tilespmem:$0x1CA70] =	vst v63  }
0x2e: {  	s31 =	simm.s32 @!p0 $0xC8;
	s26 =	sadd.s32 @!p0 $0x1, s26;
	_ =	swait.ge [sflag:s15], $0x1400  }
0x2f: {  	s18 =	smul.u32 $0xC800, s29;
	s28 =	sshrl.u32 @!p0 s28, $0x2;
	[sflag:s15] =	ssyncset.done $0x0  }
0x30: {  	s29 =	sadd.s32 $0x1, s29;
	s28 =	sadd.s32 @!p0 $0x4E20, s28;
	[sflag:s15] =	ssyncadd.s32 $0xFFFFEC00  }
0x31: {  	[tilespmem:s28], [sflag:s26] =	stream.indirect.gather @!p0 [hbm4b:s4+s31], $0x40, s30, s31, $0xb8;
	[tilespmem:$0x1CA70] =	vst v63  }
0x32: {  	_ =	swait.ge [sflag:s29], $0x3200  }
0x33: {  	s31 =	simm.s32 $0x4;
	s26 =	sshrl.u32 s18, $0x2;
	[sflag:s29] =	ssyncset.done $0x0  }
0x34: {  	s28 =	simm.s32 $0x5;
	s26 =	sadd.s32 $0x4E20, s26;
	[sflag:s29] =	ssyncadd.s32 $0xFFFFCE00  }
0x35: {  	[spmem:s2] =	stream.indirect.scatter.add.f32 [tilespmem:s26], [sflag:$0x5], $0x40, s25, s16, $0xb8;
	[tilespmem:$0x1CA70] =	vst v63  }
0x36: {  	p0 =	por $0x0, $0x0;
	s29 =	simm.s32 $0x1;
	s26 =	simm.s32 $0x320  }
0x37: {  	s25 =	simm.s32 $0x27D8;
	s30 =	sand.u32 $0x3, s29;
	_ =	swait.ge [sflag:s15], $0x3200  }
0x38: {  	s29 =	sand.u32 @!p0 $0x3, s31;
	s31 =	smul.u32 $0xC800, s30;
	[sflag:s15] =	ssyncset.done $0x0  }
.LBB2_2:
0x39: {  	s1 =	smul.u32 @!p0 $0xC800, s29;
	[sflag:s15] =	ssyncadd.s32 $0xFFFFCE00  }
0x3a: {  	s0 =	smov.u32 s28;
	s28 =	sadd.s32 $0x1, s28;
	s17 =	smov.u32 s25  }
0x3b: {  	p1 =	sne.s32 s28, $0x35;
	s31 =	sshrl.u32 s31, $0x2  }
0x3c: {  	s30 =	sadd.s32 $0x1, s30;
	s1 =	sshrl.u32 @!p0 s1, $0x2  }
0x3d: {  	s29 =	sadd.s32 @!p0 $0x1, s29;
	s18 =	simm.s32 @!p0 $0xC8;
	s1 =	sadd.s32 @!p0 $0x4E20, s1  }
0x3e: {  	[tilespmem:s1], [sflag:s29] =	stream.indirect.gather @!p0 [hbm4b:s4+s18], $0x40, s26, s18, $0xb8;
	[tilespmem:$0x1CA70] =	vst v63  }
0x3f: {  	s25 =	sadd.s32 $0xC8, s25;
	_ =	swait.ge [sflag:s30], $0x3200  }
.Ltmp0:
0x40: {  	s26 =	sadd.s32 $0xC8, s26;
	[sflag:s30] =	ssyncset.done $0x0;
	(pc) =	sbr.rel @p1 .LBB2_2-.Ltmp0, $4  }
0x41: {  	s1 =	sadd.s32 $0xFFFFFFFD, s0;
	s18 =	sadd.s32 $0x4E20, s31;
	[sflag:s30] =	ssyncadd.s32 $0xFFFFCE00  }
0x42: {  	[spmem:s2] =	stream.indirect.scatter.add.f32 [tilespmem:s18], [sflag:$0x5], $0x40, s17, s16, $0xb8;
	[tilespmem:$0x1CA70] =	vst v63  }
0x43: {  	p0 =	sgt.u32 s1, $0x2E;
	s30 =	sand.u32 $0x3, s1;
	_ =	swait.ge [sflag:s15], $0x3200  }
0x44: {  	s29 =	sand.u32 @!p0 $0x3, s0;
	s31 =	smul.u32 $0xC800, s30;
	[sflag:s15] =	ssyncset.done $0x0  }
0x45: {  	s0 =	smul.u32 @!p0 $0xC800, s29;
	_ =	sdelay $0x1  }
0x46: {  	[sflag:s15] =	ssyncadd.s32 $0xFFFFCE00;
	s1 =	sadd.s32 $0x1, s30;
	s0 =	sshrl.u32 @!p0 s0, $0x2  }
0x47: {  	s17 =	sadd.s32 @!p0 $0x1, s29;
	s18 =	simm.s32 @!p0 $0xC8;
	s0 =	sadd.s32 @!p0 $0x4E20, s0  }
0x48: {  	[tilespmem:s0], [sflag:s17] =	stream.indirect.gather @!p0 [hbm4b:s4+s18], $0x40, s26, s18, $0xb8;
	[tilespmem:$0x1CA70] =	vst v63  }
0x49: {  	_ =	swait.ge [sflag:s1], $0x3200  }
0x4a: {  	s31 =	sshrl.u32 s31, $0x2;
	[sflag:s1] =	ssyncset.done $0x0  }
0x4b: {  	s0 =	sadd.s32 $0x4E20, s31;
	[sflag:s1] =	ssyncadd.s32 $0xFFFFCE00  }
0x4c: {  	[spmem:s2] =	stream.indirect.scatter.add.f32 [tilespmem:s0], [sflag:$0x5], $0x40, s25, s16, $0xb8;
	[tilespmem:$0x1CA70] =	vst v63  }
0x4d: {  	_ =	swait.ge [sflag:s15], $0x3200  }
0x4e: {  	s24 =	sadd.s32 $0x1, s24;
	[sflag:s15] =	ssyncset.done $0x0  }
0x4f: {  	p0 =	sne.s32 s24, s13;
	[sflag:s15] =	ssyncadd.s32 $0xFFFFCE00  }
.Ltmp1:
0x50: {  	[bflag:$0x0] =	sbarrier.arrive $0xFFFF;
	(pc) =	sbr.rel @p0 .LBB2_1-.Ltmp1, $4  }
0x51: {  	[hbm:s12], [sflag:s7] =	dma.local [spmem:s14], $0x1400  }
0x52: {  	_ =	swait.ge [sflag:s15], $0x1400  }
0x53: {  	[sflag:s15] =	ssyncset.done $0x0  }
0x54: {  	[sflag:s15] =	ssyncadd.s32 $0xFFFFEC00  }
0x55: {  	_ =	sfence.sel $0x180000  }
0x56: {  	[bflag:$0x0] =	sbarrier.arrive $0xFFFF  }
0x57: {  	_ =	strace $0x90000053  }
0x58: {  	s0 =	stileid.u32;
	[bflag:$0x2] =	sbarrier.arrive $0xFFFF  }
0x59: {  	p0 =	sne.s32 s0, $0x0;
	s0 =	rddreg [dreg:$0x3]  }
0x5a: {  	s0 =	sadd.s32 @!p0 $0x100000, s0  }
0x5b: {  	[sflag:s0] =	ssyncadd.tile.s32 @!p0 $0x1;
	_ =	shalt  }
.Lfunc_end2:
_tile_overlayer_lowered:
.L_overlay_start_2:
0x5c: {  	(tag) =	ssettag $0x2  }
0x5d: {  	s0 =	rddreg [dreg:$0x0];
	s2 =	stileid.u32  }
0x5e: {  	s1 =	rddreg [dreg:$0x1];
	p0 =	sne.s32 s2, $0x0  }
0x5f: {  	s3 =	rddreg [dreg:$0x2];
	[bflag:$0x3] =	sbarrier.arrive $0xFFFF;
	s2 =	simm.s32 @!p0 $0x1C05  }
0x60: {  	[timem:s3], [sflag:s2] =	dma.local @!p0 [hbm:s0], s1  }
0x61: {  	s0 =	simm.s32 @!p0 $0x5  }
0x62: {  	_ =	swait.ge @!p0 [sflag:s0], s1  }
0x63: {  	s1 =	ssub.s32 @!p0 $0x0, s1;
	[sflag:s0] =	ssyncset.done @!p0 $0x0  }
0x64: {  	[sflag:s0] =	ssyncadd.s32 @!p0 s1  }
0x65: {  	[bflag:$0x3] =	sbarrier.arrive $0xFFFF  }
0x66: {  	_ =	shalt  }

</sc_bundles>
